<compile_context>
chip_gen: v7x
topology: tpu7x:2x2x1
jax: 0.10.2.dev20260603
libtpu: 0.0.44.dev20260713+nightly
codegen_flags: <defaults>
</compile_context>

<pallas_src>
import functools

import jax
import jax.numpy as jnp
from jax import lax
from jax.experimental import pallas as pl
from jax.experimental.pallas import tpu as pltpu
from jax.experimental.pallas import tpu_sc as plsc

_USER_NUM = 1000000
_ITEM_NUM = 100000
_FACTOR = 32
_BATCH = 16384
_LAMDA = 0.001

_NC = 2
_NS = 16
_NW = _NC * _NS
_BPW = _BATCH // _NW
_CHUNK = 128
_NCHUNK = _BPW // _CHUNK
_NBLK = _CHUNK // 16


def _sc_body(uidx, iidx, puidx, piidx, nuidx, niidx, ridx, nridx,
             utab, itab, urtab, irtab,
             xhat_out, sq_out,
             u_v, i_v, pu_v, pi_v, nu_v, ni_v, r_v, nr_v,
             ur_v, ir_v, pur_v, pir_v, nur_v, nir_v,
             d0, d1, d2, d3, d4, d5, d6, d7, d8, d9, d10, d11,
             xh_v, s0, s1, s2, s3, s4, s5, s6, s7, s8, s9, s10, s11,
             sem):
    wid = lax.axis_index("s") * _NC + lax.axis_index("c")
    base = wid * _BPW

    pltpu.sync_copy(uidx.at[pl.ds(base, _BPW)], u_v)
    pltpu.sync_copy(iidx.at[pl.ds(base, _BPW)], i_v)
    pltpu.sync_copy(puidx.at[pl.ds(base, _BPW)], pu_v)
    pltpu.sync_copy(piidx.at[pl.ds(base, _BPW)], pi_v)
    pltpu.sync_copy(nuidx.at[pl.ds(base, _BPW)], nu_v)
    pltpu.sync_copy(niidx.at[pl.ds(base, _BPW)], ni_v)
    pltpu.sync_copy(ridx.at[pl.ds(base, _BPW)], r_v)
    pltpu.sync_copy(nridx.at[pl.ds(base, _BPW)], nr_v)

    def ibody(i, _):
        sl = pl.ds(i * 16, 16)
        r = r_v[sl]
        nr = nr_v[sl]
        ur_v[sl] = u_v[sl] + r * _USER_NUM
        ir_v[sl] = i_v[sl] + r * _ITEM_NUM
        pur_v[sl] = pu_v[sl] + r * _USER_NUM
        pir_v[sl] = pi_v[sl] + r * _ITEM_NUM
        nur_v[sl] = nu_v[sl] + nr * _USER_NUM
        nir_v[sl] = ni_v[sl] + nr * _ITEM_NUM
        return 0

    lax.fori_loop(0, _BPW // 16, ibody, 0)

    dbufs = (d0, d1, d2, d3, d4, d5, d6, d7, d8, d9, d10, d11)
    sbufs = (s0, s1, s2, s3, s4, s5, s6, s7, s8, s9, s10, s11)
    tabs = (utab, urtab, itab, irtab,
            utab, urtab, itab, irtab,
            utab, urtab, itab, irtab)
    ibufs = (u_v, ur_v, i_v, ir_v,
             pu_v, pur_v, pi_v, pir_v,
             nu_v, nur_v, ni_v, nir_v)

    iota16 = lax.iota(jnp.int32, 16)

    for chunk in range(_NCHUNK):
        coff = chunk * _CHUNK
        copies = [
            pltpu.async_copy(tabs[k].at[ibufs[k].at[pl.ds(coff, _CHUNK)]],
                             dbufs[k], sem)
            for k in range(12)
        ]
        for cp in copies:
            cp.wait()

        def bbody(b, _):
            rowi = b * 16 + iota16

            def cbody(c, accs):
                coli = jnp.full((16,), c, jnp.int32)
                v = [plsc.load_gather(dbufs[k], [rowi, coli])
                     for k in range(12)]
                cg = (v[0] + v[1]) + (v[2] + v[3])
                cd = ((v[4] + v[5]) + (v[6] + v[7])) - \
                     ((v[8] + v[9]) + (v[10] + v[11]))
                new = [accs[0] + cg * cd]
                for k in range(12):
                    new.append(accs[k + 1] + v[k] * v[k])
                return tuple(new)

            zero = jnp.zeros((16,), jnp.float32)
            accs = lax.fori_loop(0, _FACTOR, cbody, (zero,) * 13)
            off = coff + b * 16
            xh_v[pl.ds(off, 16)] = accs[0]
            for k in range(12):
                sbufs[k][pl.ds(off, 16)] = accs[k + 1]
            return 0

        lax.fori_loop(0, _NBLK, bbody, 0)

    pltpu.sync_copy(xh_v, xhat_out.at[pl.ds(base, _BPW)])
    for k in range(12):
        pltpu.sync_copy(sbufs[k], sq_out.at[pl.ds(k * _BATCH + base, _BPW)])


_sc_kernel = functools.partial(
    pl.kernel,
    mesh=plsc.VectorSubcoreMesh(core_axis_name="c", subcore_axis_name="s"),
    out_type=[
        jax.ShapeDtypeStruct((_BATCH,), jnp.float32),
        jax.ShapeDtypeStruct((12 * _BATCH,), jnp.float32),
    ],
    scratch_types=(
        [pltpu.VMEM((_BPW,), jnp.int32) for _ in range(14)]
        + [pltpu.VMEM((_CHUNK, _FACTOR), jnp.float32) for _ in range(12)]
        + [pltpu.VMEM((_BPW,), jnp.float32) for _ in range(13)]
        + [pltpu.SemaphoreType.DMA]
    ),
    compiler_params=pltpu.CompilerParams(needs_layout_passes=False,
                                         use_tc_tiling_on_sc=False),
)(_sc_body)


def _tc_body(xhat_ref, sq_ref, loss_ref, reg_ref):
    x = xhat_ref[...]
    ls = jnp.maximum(-x, 0.0) + jnp.log1p(jnp.exp(-jnp.abs(x)))
    loss_ref[0, 0] = jnp.sum(ls)
    reg_ref[0, 0] = _LAMDA * jnp.sum(jnp.sqrt(sq_ref[...]))


_tc_kernel = pl.pallas_call(
    _tc_body,
    out_shape=[
        jax.ShapeDtypeStruct((1, 1), jnp.float32),
        jax.ShapeDtypeStruct((1, 1), jnp.float32),
    ],
    out_specs=[
        pl.BlockSpec(memory_space=pltpu.SMEM),
        pl.BlockSpec(memory_space=pltpu.SMEM),
    ],
)


def kernel(user_idx, item_idx, pos_user_idx, pos_item_idx, neg_user_idx,
           neg_item_idx, rel_idx, neg_rel_idx, user_table, item_table,
           urel_table, irel_table):
    xhat, sq = _sc_kernel(
        user_idx.astype(jnp.int32), item_idx.astype(jnp.int32),
        pos_user_idx.astype(jnp.int32), pos_item_idx.astype(jnp.int32),
        neg_user_idx.astype(jnp.int32), neg_item_idx.astype(jnp.int32),
        rel_idx.astype(jnp.int32), neg_rel_idx.astype(jnp.int32),
        user_table, item_table, urel_table, irel_table)
    loss, reg = _tc_kernel(xhat.reshape(128, 128),
                           sq.reshape(192, 1024))
    return (loss[0, 0], reg[0, 0])

# --- scband reference (transcript-rebuilt; emitter-appended) ---
"""Pipeline reference for scband-air-prel-18691697672924 (READ-ONLY COPY).

The authoritative reference and input builder live on the scoring server;
editing this copy changes nothing except your own understanding.
"""

import jax, jax.numpy as jnp
import numpy as np

USER_NUM = 1000000
ITEM_NUM = 100000
FACTOR = 32
BATCH = 16384
LAMDA = 0.001


def setup_inputs(seed: int = 0) -> dict:
    key = jax.random.key(seed)
    ks = jax.random.split(key, 12)
    user_idx = jax.random.randint(ks[0], (BATCH,), 0, USER_NUM, dtype=jnp.int64 if jax.config.jax_enable_x64 else jnp.int32)
    item_idx = jax.random.randint(ks[1], (BATCH,), 0, ITEM_NUM)
    pos_user_idx = jax.random.randint(ks[2], (BATCH,), 0, USER_NUM)
    pos_item_idx = jax.random.randint(ks[3], (BATCH,), 0, ITEM_NUM)
    neg_user_idx = jax.random.randint(ks[4], (BATCH,), 0, USER_NUM)
    neg_item_idx = jax.random.randint(ks[5], (BATCH,), 0, ITEM_NUM)
    rel_idx = jax.random.randint(ks[6], (BATCH,), 0, 3)
    neg_rel_idx = jax.random.randint(ks[7], (BATCH,), 0, 3)
    user_table = jax.random.normal(ks[8], (USER_NUM, FACTOR), dtype=jnp.float32) * 0.01
    item_table = jax.random.normal(ks[9], (ITEM_NUM, FACTOR), dtype=jnp.float32) * 0.01
    urel_table = jax.random.normal(ks[10], (USER_NUM * 3, FACTOR), dtype=jnp.float32) * 0.01
    irel_table = jax.random.normal(ks[11], (ITEM_NUM * 3, FACTOR), dtype=jnp.float32) * 0.01
    return {
        'user_idx': user_idx, 'item_idx': item_idx,
        'pos_user_idx': pos_user_idx, 'pos_item_idx': pos_item_idx,
        'neg_user_idx': neg_user_idx, 'neg_item_idx': neg_item_idx,
        'rel_idx': rel_idx, 'neg_rel_idx': neg_rel_idx,
        'user_table': user_table, 'item_table': item_table,
        'urel_table': urel_table, 'irel_table': irel_table,
    }


def _g_func(a, b):
    return a + b


def reference(user_idx, item_idx, pos_user_idx, pos_item_idx, neg_user_idx, neg_item_idx,
              rel_idx, neg_rel_idx, user_table, item_table, urel_table, irel_table):
    urel = jnp.take(urel_table, user_idx + rel_idx * USER_NUM, axis=0)
    pos_urel = jnp.take(urel_table, pos_user_idx + rel_idx * USER_NUM, axis=0)
    neg_urel = jnp.take(urel_table, neg_user_idx + neg_rel_idx * USER_NUM, axis=0)
    irel = jnp.take(irel_table, item_idx + rel_idx * ITEM_NUM, axis=0)
    pos_irel = jnp.take(irel_table, pos_item_idx + rel_idx * ITEM_NUM, axis=0)
    neg_irel = jnp.take(irel_table, neg_item_idx + neg_rel_idx * ITEM_NUM, axis=0)
    user = jnp.take(user_table, user_idx, axis=0)
    item = jnp.take(item_table, item_idx, axis=0)
    pos_user = jnp.take(user_table, pos_user_idx, axis=0)
    pos_item = jnp.take(item_table, pos_item_idx, axis=0)
    neg_user = jnp.take(user_table, neg_user_idx, axis=0)
    neg_item = jnp.take(item_table, neg_item_idx, axis=0)
    g = _g_func(user + urel, item + irel)
    g_pos = _g_func(pos_user + pos_urel, pos_item + pos_irel)
    g_neg = _g_func(neg_user + neg_urel, neg_item + neg_irel)
    x_hat = jnp.sum(g * (g_pos - g_neg), axis=1)
    loss = -jnp.sum(jnp.log(jax.nn.sigmoid(x_hat)))
    reg_loss = (jnp.sum(jnp.linalg.norm(user, axis=1)) + jnp.sum(jnp.linalg.norm(item, axis=1))
                + jnp.sum(jnp.linalg.norm(pos_user, axis=1)) + jnp.sum(jnp.linalg.norm(pos_item, axis=1))
                + jnp.sum(jnp.linalg.norm(neg_user, axis=1)) + jnp.sum(jnp.linalg.norm(neg_item, axis=1))
                + jnp.sum(jnp.linalg.norm(urel, axis=1)) + jnp.sum(jnp.linalg.norm(pos_urel, axis=1))
                + jnp.sum(jnp.linalg.norm(neg_urel, axis=1)) + jnp.sum(jnp.linalg.norm(irel, axis=1))
                + jnp.sum(jnp.linalg.norm(pos_irel, axis=1)) + jnp.sum(jnp.linalg.norm(neg_irel, axis=1)))
    return (loss, reg_loss * LAMDA)

if __name__ == "__main__":
    import jax
    _d = setup_inputs()
    print(jax.jit(kernel)(*tuple(_d.values())))

</pallas_src>

<mosaic_0001>
#map = affine_map<(d0, d1) -> (0)>
#map1 = affine_map<(d0, d1) -> (0, 0)>
module attributes {stable_mosaic.version = 14 : i64} {
  func.func @_sc_body(%arg0: i32, %arg1: i32, %arg2: memref<16384xi32, #tpu.memory_space<hbm>>, %arg3: memref<16384xi32, #tpu.memory_space<hbm>>, %arg4: memref<16384xi32, #tpu.memory_space<hbm>>, %arg5: memref<16384xi32, #tpu.memory_space<hbm>>, %arg6: memref<16384xi32, #tpu.memory_space<hbm>>, %arg7: memref<16384xi32, #tpu.memory_space<hbm>>, %arg8: memref<16384xi32, #tpu.memory_space<hbm>>, %arg9: memref<16384xi32, #tpu.memory_space<hbm>>, %arg10: memref<1000000x32xf32, #tpu.memory_space<hbm>>, %arg11: memref<100000x32xf32, #tpu.memory_space<hbm>>, %arg12: memref<3000000x32xf32, #tpu.memory_space<hbm>>, %arg13: memref<300000x32xf32, #tpu.memory_space<hbm>>, %arg14: memref<16384xf32, #tpu.memory_space<hbm>>, %arg15: memref<196608xf32, #tpu.memory_space<hbm>>, %arg16: memref<512xi32, #tpu.memory_space<vmem>>, %arg17: memref<512xi32, #tpu.memory_space<vmem>>, %arg18: memref<512xi32, #tpu.memory_space<vmem>>, %arg19: memref<512xi32, #tpu.memory_space<vmem>>, %arg20: memref<512xi32, #tpu.memory_space<vmem>>, %arg21: memref<512xi32, #tpu.memory_space<vmem>>, %arg22: memref<512xi32, #tpu.memory_space<vmem>>, %arg23: memref<512xi32, #tpu.memory_space<vmem>>, %arg24: memref<512xi32, #tpu.memory_space<vmem>>, %arg25: memref<512xi32, #tpu.memory_space<vmem>>, %arg26: memref<512xi32, #tpu.memory_space<vmem>>, %arg27: memref<512xi32, #tpu.memory_space<vmem>>, %arg28: memref<512xi32, #tpu.memory_space<vmem>>, %arg29: memref<512xi32, #tpu.memory_space<vmem>>, %arg30: memref<128x32xf32, #tpu.memory_space<vmem>>, %arg31: memref<128x32xf32, #tpu.memory_space<vmem>>, %arg32: memref<128x32xf32, #tpu.memory_space<vmem>>, %arg33: memref<128x32xf32, #tpu.memory_space<vmem>>, %arg34: memref<128x32xf32, #tpu.memory_space<vmem>>, %arg35: memref<128x32xf32, #tpu.memory_space<vmem>>, %arg36: memref<128x32xf32, #tpu.memory_space<vmem>>, %arg37: memref<128x32xf32, #tpu.memory_space<vmem>>, %arg38: memref<128x32xf32, #tpu.memory_space<vmem>>, %arg39: memref<128x32xf32, #tpu.memory_space<vmem>>, %arg40: memref<128x32xf32, #tpu.memory_space<vmem>>, %arg41: memref<128x32xf32, #tpu.memory_space<vmem>>, %arg42: memref<512xf32, #tpu.memory_space<vmem>>, %arg43: memref<512xf32, #tpu.memory_space<vmem>>, %arg44: memref<512xf32, #tpu.memory_space<vmem>>, %arg45: memref<512xf32, #tpu.memory_space<vmem>>, %arg46: memref<512xf32, #tpu.memory_space<vmem>>, %arg47: memref<512xf32, #tpu.memory_space<vmem>>, %arg48: memref<512xf32, #tpu.memory_space<vmem>>, %arg49: memref<512xf32, #tpu.memory_space<vmem>>, %arg50: memref<512xf32, #tpu.memory_space<vmem>>, %arg51: memref<512xf32, #tpu.memory_space<vmem>>, %arg52: memref<512xf32, #tpu.memory_space<vmem>>, %arg53: memref<512xf32, #tpu.memory_space<vmem>>, %arg54: memref<512xf32, #tpu.memory_space<vmem>>, %arg55: memref<!tpu.dma_semaphore, #tpu.memory_space<semaphore_mem>>) attributes {dimension_semantics = [#tpu.dimension_semantics<core_parallel>, #tpu.dimension_semantics<subcore_parallel>], iteration_bounds = array<i64: 2, 16>, scalar_prefetch = 0 : i64, scratch_operands = 40 : i64, tpu.core_type = #tpu.core_type<sc_vector_subcore>, window_params = [{transform_indices = #map}, {transform_indices = #map}, {transform_indices = #map}, {transform_indices = #map}, {transform_indices = #map}, {transform_indices = #map}, {transform_indices = #map}, {transform_indices = #map}, {transform_indices = #map1}, {transform_indices = #map1}, {transform_indices = #map1}, {transform_indices = #map1}, {transform_indices = #map}, {transform_indices = #map}]} {
    %mul3A = arith.constant 2 : i32
    %mul3A_0 = arith.muli %arg1, %mul3A : i32
    %add3A = arith.addi %mul3A_0, %arg0 : i32
    %mul3A_1 = arith.constant 512 : i32
    %mul3A_2 = arith.muli %add3A, %mul3A_1 : i32
    "tpu.region"() ({
      %run_scoped3A = tpu.sem_alloc : memref<!tpu.dma_semaphore, #tpu.memory_space<semaphore_mem>>
      %dma_start3A_539 = tpu.memref_slice %arg2[%mul3A_2] : memref<16384xi32, #tpu.memory_space<hbm>> -> memref<512xi32, #tpu.memory_space<hbm>>
      %dma_start3A_540 = tpu.memref_slice %arg2[%mul3A_2] : memref<16384xi32, #tpu.memory_space<hbm>> -> memref<512xi32, #tpu.memory_space<hbm>>
      tpu.enqueue_dma source(%dma_start3A_540 : memref<512xi32, #tpu.memory_space<hbm>>) target(%arg16 : memref<512xi32, #tpu.memory_space<vmem>>) target_semaphore(%run_scoped3A : memref<!tpu.dma_semaphore, #tpu.memory_space<semaphore_mem>>)
      %dma_wait3A_541 = tpu.memref_slice %arg2[%mul3A_2] : memref<16384xi32, #tpu.memory_space<hbm>> -> memref<512xi32, #tpu.memory_space<hbm>>
      %dma_wait3A_542 = tpu.memref_slice %arg2[%mul3A_2] : memref<16384xi32, #tpu.memory_space<hbm>> -> memref<512xi32, #tpu.memory_space<hbm>>
      tpu.wait_dma2 semaphore(%run_scoped3A : memref<!tpu.dma_semaphore, #tpu.memory_space<semaphore_mem>>) src(%dma_wait3A_542 : memref<512xi32, #tpu.memory_space<hbm>>) dst(%arg16 : memref<512xi32, #tpu.memory_space<vmem>>)
      tpu.yield
    }) : () -> ()
    "tpu.region"() ({
      %run_scoped3A = tpu.sem_alloc : memref<!tpu.dma_semaphore, #tpu.memory_space<semaphore_mem>>
      %dma_start3A_539 = tpu.memref_slice %arg3[%mul3A_2] : memref<16384xi32, #tpu.memory_space<hbm>> -> memref<512xi32, #tpu.memory_space<hbm>>
      %dma_start3A_540 = tpu.memref_slice %arg3[%mul3A_2] : memref<16384xi32, #tpu.memory_space<hbm>> -> memref<512xi32, #tpu.memory_space<hbm>>
      tpu.enqueue_dma source(%dma_start3A_540 : memref<512xi32, #tpu.memory_space<hbm>>) target(%arg17 : memref<512xi32, #tpu.memory_space<vmem>>) target_semaphore(%run_scoped3A : memref<!tpu.dma_semaphore, #tpu.memory_space<semaphore_mem>>)
      %dma_wait3A_541 = tpu.memref_slice %arg3[%mul3A_2] : memref<16384xi32, #tpu.memory_space<hbm>> -> memref<512xi32, #tpu.memory_space<hbm>>
      %dma_wait3A_542 = tpu.memref_slice %arg3[%mul3A_2] : memref<16384xi32, #tpu.memory_space<hbm>> -> memref<512xi32, #tpu.memory_space<hbm>>
      tpu.wait_dma2 semaphore(%run_scoped3A : memref<!tpu.dma_semaphore, #tpu.memory_space<semaphore_mem>>) src(%dma_wait3A_542 : memref<512xi32, #tpu.memory_space<hbm>>) dst(%arg17 : memref<512xi32, #tpu.memory_space<vmem>>)
      tpu.yield
    }) : () -> ()
    "tpu.region"() ({
      %run_scoped3A = tpu.sem_alloc : memref<!tpu.dma_semaphore, #tpu.memory_space<semaphore_mem>>
      %dma_start3A_539 = tpu.memref_slice %arg4[%mul3A_2] : memref<16384xi32, #tpu.memory_space<hbm>> -> memref<512xi32, #tpu.memory_space<hbm>>
      %dma_start3A_540 = tpu.memref_slice %arg4[%mul3A_2] : memref<16384xi32, #tpu.memory_space<hbm>> -> memref<512xi32, #tpu.memory_space<hbm>>
      tpu.enqueue_dma source(%dma_start3A_540 : memref<512xi32, #tpu.memory_space<hbm>>) target(%arg18 : memref<512xi32, #tpu.memory_space<vmem>>) target_semaphore(%run_scoped3A : memref<!tpu.dma_semaphore, #tpu.memory_space<semaphore_mem>>)
      %dma_wait3A_541 = tpu.memref_slice %arg4[%mul3A_2] : memref<16384xi32, #tpu.memory_space<hbm>> -> memref<512xi32, #tpu.memory_space<hbm>>
      %dma_wait3A_542 = tpu.memref_slice %arg4[%mul3A_2] : memref<16384xi32, #tpu.memory_space<hbm>> -> memref<512xi32, #tpu.memory_space<hbm>>
      tpu.wait_dma2 semaphore(%run_scoped3A : memref<!tpu.dma_semaphore, #tpu.memory_space<semaphore_mem>>) src(%dma_wait3A_542 : memref<512xi32, #tpu.memory_space<hbm>>) dst(%arg18 : memref<512xi32, #tpu.memory_space<vmem>>)
      tpu.yield
    }) : () -> ()
    "tpu.region"() ({
      %run_scoped3A = tpu.sem_alloc : memref<!tpu.dma_semaphore, #tpu.memory_space<semaphore_mem>>
      %dma_start3A_539 = tpu.memref_slice %arg5[%mul3A_2] : memref<16384xi32, #tpu.memory_space<hbm>> -> memref<512xi32, #tpu.memory_space<hbm>>
      %dma_start3A_540 = tpu.memref_slice %arg5[%mul3A_2] : memref<16384xi32, #tpu.memory_space<hbm>> -> memref<512xi32, #tpu.memory_space<hbm>>
      tpu.enqueue_dma source(%dma_start3A_540 : memref<512xi32, #tpu.memory_space<hbm>>) target(%arg19 : memref<512xi32, #tpu.memory_space<vmem>>) target_semaphore(%run_scoped3A : memref<!tpu.dma_semaphore, #tpu.memory_space<semaphore_mem>>)
      %dma_wait3A_541 = tpu.memref_slice %arg5[%mul3A_2] : memref<16384xi32, #tpu.memory_space<hbm>> -> memref<512xi32, #tpu.memory_space<hbm>>
      %dma_wait3A_542 = tpu.memref_slice %arg5[%mul3A_2] : memref<16384xi32, #tpu.memory_space<hbm>> -> memref<512xi32, #tpu.memory_space<hbm>>
      tpu.wait_dma2 semaphore(%run_scoped3A : memref<!tpu.dma_semaphore, #tpu.memory_space<semaphore_mem>>) src(%dma_wait3A_542 : memref<512xi32, #tpu.memory_space<hbm>>) dst(%arg19 : memref<512xi32, #tpu.memory_space<vmem>>)
      tpu.yield
    }) : () -> ()
    "tpu.region"() ({
      %run_scoped3A = tpu.sem_alloc : memref<!tpu.dma_semaphore, #tpu.memory_space<semaphore_mem>>
      %dma_start3A_539 = tpu.memref_slice %arg6[%mul3A_2] : memref<16384xi32, #tpu.memory_space<hbm>> -> memref<512xi32, #tpu.memory_space<hbm>>
      %dma_start3A_540 = tpu.memref_slice %arg6[%mul3A_2] : memref<16384xi32, #tpu.memory_space<hbm>> -> memref<512xi32, #tpu.memory_space<hbm>>
      tpu.enqueue_dma source(%dma_start3A_540 : memref<512xi32, #tpu.memory_space<hbm>>) target(%arg20 : memref<512xi32, #tpu.memory_space<vmem>>) target_semaphore(%run_scoped3A : memref<!tpu.dma_semaphore, #tpu.memory_space<semaphore_mem>>)
      %dma_wait3A_541 = tpu.memref_slice %arg6[%mul3A_2] : memref<16384xi32, #tpu.memory_space<hbm>> -> memref<512xi32, #tpu.memory_space<hbm>>
      %dma_wait3A_542 = tpu.memref_slice %arg6[%mul3A_2] : memref<16384xi32, #tpu.memory_space<hbm>> -> memref<512xi32, #tpu.memory_space<hbm>>
      tpu.wait_dma2 semaphore(%run_scoped3A : memref<!tpu.dma_semaphore, #tpu.memory_space<semaphore_mem>>) src(%dma_wait3A_542 : memref<512xi32, #tpu.memory_space<hbm>>) dst(%arg20 : memref<512xi32, #tpu.memory_space<vmem>>)
      tpu.yield
    }) : () -> ()
    "tpu.region"() ({
      %run_scoped3A = tpu.sem_alloc : memref<!tpu.dma_semaphore, #tpu.memory_space<semaphore_mem>>
      %dma_start3A_539 = tpu.memref_slice %arg7[%mul3A_2] : memref<16384xi32, #tpu.memory_space<hbm>> -> memref<512xi32, #tpu.memory_space<hbm>>
      %dma_start3A_540 = tpu.memref_slice %arg7[%mul3A_2] : memref<16384xi32, #tpu.memory_space<hbm>> -> memref<512xi32, #tpu.memory_space<hbm>>
      tpu.enqueue_dma source(%dma_start3A_540 : memref<512xi32, #tpu.memory_space<hbm>>) target(%arg21 : memref<512xi32, #tpu.memory_space<vmem>>) target_semaphore(%run_scoped3A : memref<!tpu.dma_semaphore, #tpu.memory_space<semaphore_mem>>)
      %dma_wait3A_541 = tpu.memref_slice %arg7[%mul3A_2] : memref<16384xi32, #tpu.memory_space<hbm>> -> memref<512xi32, #tpu.memory_space<hbm>>
      %dma_wait3A_542 = tpu.memref_slice %arg7[%mul3A_2] : memref<16384xi32, #tpu.memory_space<hbm>> -> memref<512xi32, #tpu.memory_space<hbm>>
      tpu.wait_dma2 semaphore(%run_scoped3A : memref<!tpu.dma_semaphore, #tpu.memory_space<semaphore_mem>>) src(%dma_wait3A_542 : memref<512xi32, #tpu.memory_space<hbm>>) dst(%arg21 : memref<512xi32, #tpu.memory_space<vmem>>)
      tpu.yield
    }) : () -> ()
    "tpu.region"() ({
      %run_scoped3A = tpu.sem_alloc : memref<!tpu.dma_semaphore, #tpu.memory_space<semaphore_mem>>
      %dma_start3A_539 = tpu.memref_slice %arg8[%mul3A_2] : memref<16384xi32, #tpu.memory_space<hbm>> -> memref<512xi32, #tpu.memory_space<hbm>>
      %dma_start3A_540 = tpu.memref_slice %arg8[%mul3A_2] : memref<16384xi32, #tpu.memory_space<hbm>> -> memref<512xi32, #tpu.memory_space<hbm>>
      tpu.enqueue_dma source(%dma_start3A_540 : memref<512xi32, #tpu.memory_space<hbm>>) target(%arg22 : memref<512xi32, #tpu.memory_space<vmem>>) target_semaphore(%run_scoped3A : memref<!tpu.dma_semaphore, #tpu.memory_space<semaphore_mem>>)
      %dma_wait3A_541 = tpu.memref_slice %arg8[%mul3A_2] : memref<16384xi32, #tpu.memory_space<hbm>> -> memref<512xi32, #tpu.memory_space<hbm>>
      %dma_wait3A_542 = tpu.memref_slice %arg8[%mul3A_2] : memref<16384xi32, #tpu.memory_space<hbm>> -> memref<512xi32, #tpu.memory_space<hbm>>
      tpu.wait_dma2 semaphore(%run_scoped3A : memref<!tpu.dma_semaphore, #tpu.memory_space<semaphore_mem>>) src(%dma_wait3A_542 : memref<512xi32, #tpu.memory_space<hbm>>) dst(%arg22 : memref<512xi32, #tpu.memory_space<vmem>>)
      tpu.yield
    }) : () -> ()
    "tpu.region"() ({
      %run_scoped3A = tpu.sem_alloc : memref<!tpu.dma_semaphore, #tpu.memory_space<semaphore_mem>>
      %dma_start3A_539 = tpu.memref_slice %arg9[%mul3A_2] : memref<16384xi32, #tpu.memory_space<hbm>> -> memref<512xi32, #tpu.memory_space<hbm>>
      %dma_start3A_540 = tpu.memref_slice %arg9[%mul3A_2] : memref<16384xi32, #tpu.memory_space<hbm>> -> memref<512xi32, #tpu.memory_space<hbm>>
      tpu.enqueue_dma source(%dma_start3A_540 : memref<512xi32, #tpu.memory_space<hbm>>) target(%arg23 : memref<512xi32, #tpu.memory_space<vmem>>) target_semaphore(%run_scoped3A : memref<!tpu.dma_semaphore, #tpu.memory_space<semaphore_mem>>)
      %dma_wait3A_541 = tpu.memref_slice %arg9[%mul3A_2] : memref<16384xi32, #tpu.memory_space<hbm>> -> memref<512xi32, #tpu.memory_space<hbm>>
      %dma_wait3A_542 = tpu.memref_slice %arg9[%mul3A_2] : memref<16384xi32, #tpu.memory_space<hbm>> -> memref<512xi32, #tpu.memory_space<hbm>>
      tpu.wait_dma2 semaphore(%run_scoped3A : memref<!tpu.dma_semaphore, #tpu.memory_space<semaphore_mem>>) src(%dma_wait3A_542 : memref<512xi32, #tpu.memory_space<hbm>>) dst(%arg23 : memref<512xi32, #tpu.memory_space<vmem>>)
      tpu.yield
    }) : () -> ()
    %scan3A = arith.constant 0 : i32
    %scan3A_3 = arith.constant 0 : i32
    %scan3A_4 = arith.constant 32 : i32
    %scan3A_5 = arith.addi %scan3A_3, %scan3A_4 : i32
    %scan3A_6 = arith.constant 1 : i32
    %scan3A_7 = scf.for %scan3A_539 = %scan3A_3 to %scan3A_5 step %scan3A_6 iter_args(%scan3A_540 = %scan3A) -> (i32)  : i32 {
      %mul3A_541 = arith.constant 16 : i32
      %mul3A_542 = arith.muli %scan3A_539, %mul3A_541 : i32
      %get3A = arith.index_cast %mul3A_542 : i32 to index
      %get3A_543 = tpu.vector_load %arg22[%get3A] {strides = array<i32>} : memref<512xi32, #tpu.memory_space<vmem>>, vector<16xi32>,
      %get3A_544 = arith.index_cast %mul3A_542 : i32 to index
      %get3A_545 = tpu.vector_load %arg23[%get3A_544] {strides = array<i32>} : memref<512xi32, #tpu.memory_space<vmem>>, vector<16xi32>,
      %get3A_546 = arith.index_cast %mul3A_542 : i32 to index
      %get3A_547 = tpu.vector_load %arg16[%get3A_546] {strides = array<i32>} : memref<512xi32, #tpu.memory_space<vmem>>, vector<16xi32>,
      %mul3A_548 = arith.constant 1000000 : i32
      %mul3A_549 = vector.broadcast %mul3A_548 : i32 to vector<16xi32>
      %mul3A_550 = arith.muli %get3A_543, %mul3A_549 : vector<16xi32>
      %add3A_551 = arith.addi %get3A_547, %mul3A_550 : vector<16xi32>
      %swap3A = arith.index_cast %mul3A_542 : i32 to index
      %swap3A_552 = tpu.vector_load %arg24[%swap3A] {strides = array<i32>} : memref<512xi32, #tpu.memory_space<vmem>>, vector<16xi32>,
      tpu.vector_store %arg24[%swap3A], %add3A_551 {strides = array<i32>} : memref<512xi32, #tpu.memory_space<vmem>>, vector<16xi32>,
      %get3A_553 = arith.index_cast %mul3A_542 : i32 to index
      %get3A_554 = tpu.vector_load %arg17[%get3A_553] {strides = array<i32>} : memref<512xi32, #tpu.memory_space<vmem>>, vector<16xi32>,
      %mul3A_555 = arith.constant 100000 : i32
      %mul3A_556 = vector.broadcast %mul3A_555 : i32 to vector<16xi32>
      %mul3A_557 = arith.muli %get3A_543, %mul3A_556 : vector<16xi32>
      %add3A_558 = arith.addi %get3A_554, %mul3A_557 : vector<16xi32>
      %swap3A_559 = arith.index_cast %mul3A_542 : i32 to index
      %swap3A_560 = tpu.vector_load %arg25[%swap3A_559] {strides = array<i32>} : memref<512xi32, #tpu.memory_space<vmem>>, vector<16xi32>,
      tpu.vector_store %arg25[%swap3A_559], %add3A_558 {strides = array<i32>} : memref<512xi32, #tpu.memory_space<vmem>>, vector<16xi32>,
      %get3A_561 = arith.index_cast %mul3A_542 : i32 to index
      %get3A_562 = tpu.vector_load %arg18[%get3A_561] {strides = array<i32>} : memref<512xi32, #tpu.memory_space<vmem>>, vector<16xi32>,
      %mul3A_563 = arith.constant 1000000 : i32
      %mul3A_564 = vector.broadcast %mul3A_563 : i32 to vector<16xi32>
      %mul3A_565 = arith.muli %get3A_543, %mul3A_564 : vector<16xi32>
      %add3A_566 = arith.addi %get3A_562, %mul3A_565 : vector<16xi32>
      %swap3A_567 = arith.index_cast %mul3A_542 : i32 to index
      %swap3A_568 = tpu.vector_load %arg26[%swap3A_567] {strides = array<i32>} : memref<512xi32, #tpu.memory_space<vmem>>, vector<16xi32>,
      tpu.vector_store %arg26[%swap3A_567], %add3A_566 {strides = array<i32>} : memref<512xi32, #tpu.memory_space<vmem>>, vector<16xi32>,
      %get3A_569 = arith.index_cast %mul3A_542 : i32 to index
      %get3A_570 = tpu.vector_load %arg19[%get3A_569] {strides = array<i32>} : memref<512xi32, #tpu.memory_space<vmem>>, vector<16xi32>,
      %mul3A_571 = arith.constant 100000 : i32
      %mul3A_572 = vector.broadcast %mul3A_571 : i32 to vector<16xi32>
      %mul3A_573 = arith.muli %get3A_543, %mul3A_572 : vector<16xi32>
      %add3A_574 = arith.addi %get3A_570, %mul3A_573 : vector<16xi32>
      %swap3A_575 = arith.index_cast %mul3A_542 : i32 to index
      %swap3A_576 = tpu.vector_load %arg27[%swap3A_575] {strides = array<i32>} : memref<512xi32, #tpu.memory_space<vmem>>, vector<16xi32>,
      tpu.vector_store %arg27[%swap3A_575], %add3A_574 {strides = array<i32>} : memref<512xi32, #tpu.memory_space<vmem>>, vector<16xi32>,
      %get3A_577 = arith.index_cast %mul3A_542 : i32 to index
      %get3A_578 = tpu.vector_load %arg20[%get3A_577] {strides = array<i32>} : memref<512xi32, #tpu.memory_space<vmem>>, vector<16xi32>,
      %mul3A_579 = arith.constant 1000000 : i32
      %mul3A_580 = vector.broadcast %mul3A_579 : i32 to vector<16xi32>
      %mul3A_581 = arith.muli %get3A_545, %mul3A_580 : vector<16xi32>
      %add3A_582 = arith.addi %get3A_578, %mul3A_581 : vector<16xi32>
      %swap3A_583 = arith.index_cast %mul3A_542 : i32 to index
      %swap3A_584 = tpu.vector_load %arg28[%swap3A_583] {strides = array<i32>} : memref<512xi32, #tpu.memory_space<vmem>>, vector<16xi32>,
      tpu.vector_store %arg28[%swap3A_583], %add3A_582 {strides = array<i32>} : memref<512xi32, #tpu.memory_space<vmem>>, vector<16xi32>,
      %get3A_585 = arith.index_cast %mul3A_542 : i32 to index
      %get3A_586 = tpu.vector_load %arg21[%get3A_585] {strides = array<i32>} : memref<512xi32, #tpu.memory_space<vmem>>, vector<16xi32>,
      %mul3A_587 = arith.constant 100000 : i32
      %mul3A_588 = vector.broadcast %mul3A_587 : i32 to vector<16xi32>
      %mul3A_589 = arith.muli %get3A_545, %mul3A_588 : vector<16xi32>
      %add3A_590 = arith.addi %get3A_586, %mul3A_589 : vector<16xi32>
      %swap3A_591 = arith.index_cast %mul3A_542 : i32 to index
      %swap3A_592 = tpu.vector_load %arg29[%swap3A_591] {strides = array<i32>} : memref<512xi32, #tpu.memory_space<vmem>>, vector<16xi32>,
      tpu.vector_store %arg29[%swap3A_591], %add3A_590 {strides = array<i32>} : memref<512xi32, #tpu.memory_space<vmem>>, vector<16xi32>,
      %scan3A_593 = arith.constant 0 : i32
      scf.yield %scan3A_593 : i32
    }
    %scan3A_8 = arith.constant 32 : i32
    %iota3A = tpu.iota {dimensions = array<i32: 0>} : vector<16xi32>
    %dma_start3A = arith.constant 0 : i32
    %dma_start3A_9 = tpu.memref_slice %arg16[%dma_start3A] : memref<512xi32, #tpu.memory_space<vmem>> -> memref<128xi32, #tpu.memory_space<vmem>>
    %dma_start3A_10 = arith.constant 0 : i32
    %dma_start3A_11 = arith.constant 0 : i32
    %dma_start3A_12 = tpu.memref_slice %arg10[%dma_start3A_10, %dma_start3A_11] : memref<1000000x32xf32, #tpu.memory_space<hbm>> -> memref<1000000x32xf32, #tpu.memory_space<hbm>>
    tpu.enqueue_indirect_dma source(%dma_start3A_12 : memref<1000000x32xf32, #tpu.memory_space<hbm>>) target(%arg30 : memref<128x32xf32, #tpu.memory_space<vmem>>) offsets(%dma_start3A_9 : memref<128xi32, #tpu.memory_space<vmem>>) semaphore(%arg55 : memref<!tpu.dma_semaphore, #tpu.memory_space<semaphore_mem>>)
    %dma_start3A_13 = arith.constant 0 : i32
    %dma_start3A_14 = tpu.memref_slice %arg24[%dma_start3A_13] : memref<512xi32, #tpu.memory_space<vmem>> -> memref<128xi32, #tpu.memory_space<vmem>>
    %dma_start3A_15 = arith.constant 0 : i32
    %dma_start3A_16 = arith.constant 0 : i32
    %dma_start3A_17 = tpu.memref_slice %arg12[%dma_start3A_15, %dma_start3A_16] : memref<3000000x32xf32, #tpu.memory_space<hbm>> -> memref<3000000x32xf32, #tpu.memory_space<hbm>>
    tpu.enqueue_indirect_dma source(%dma_start3A_17 : memref<3000000x32xf32, #tpu.memory_space<hbm>>) target(%arg31 : memref<128x32xf32, #tpu.memory_space<vmem>>) offsets(%dma_start3A_14 : memref<128xi32, #tpu.memory_space<vmem>>) semaphore(%arg55 : memref<!tpu.dma_semaphore, #tpu.memory_space<semaphore_mem>>)
    %dma_start3A_18 = arith.constant 0 : i32
    %dma_start3A_19 = tpu.memref_slice %arg17[%dma_start3A_18] : memref<512xi32, #tpu.memory_space<vmem>> -> memref<128xi32, #tpu.memory_space<vmem>>
    %dma_start3A_20 = arith.constant 0 : i32
    %dma_start3A_21 = arith.constant 0 : i32
    %dma_start3A_22 = tpu.memref_slice %arg11[%dma_start3A_20, %dma_start3A_21] : memref<100000x32xf32, #tpu.memory_space<hbm>> -> memref<100000x32xf32, #tpu.memory_space<hbm>>
    tpu.enqueue_indirect_dma source(%dma_start3A_22 : memref<100000x32xf32, #tpu.memory_space<hbm>>) target(%arg32 : memref<128x32xf32, #tpu.memory_space<vmem>>) offsets(%dma_start3A_19 : memref<128xi32, #tpu.memory_space<vmem>>) semaphore(%arg55 : memref<!tpu.dma_semaphore, #tpu.memory_space<semaphore_mem>>)
    %dma_start3A_23 = arith.constant 0 : i32
    %dma_start3A_24 = tpu.memref_slice %arg25[%dma_start3A_23] : memref<512xi32, #tpu.memory_space<vmem>> -> memref<128xi32, #tpu.memory_space<vmem>>
    %dma_start3A_25 = arith.constant 0 : i32
    %dma_start3A_26 = arith.constant 0 : i32
    %dma_start3A_27 = tpu.memref_slice %arg13[%dma_start3A_25, %dma_start3A_26] : memref<300000x32xf32, #tpu.memory_space<hbm>> -> memref<300000x32xf32, #tpu.memory_space<hbm>>
    tpu.enqueue_indirect_dma source(%dma_start3A_27 : memref<300000x32xf32, #tpu.memory_space<hbm>>) target(%arg33 : memref<128x32xf32, #tpu.memory_space<vmem>>) offsets(%dma_start3A_24 : memref<128xi32, #tpu.memory_space<vmem>>) semaphore(%arg55 : memref<!tpu.dma_semaphore, #tpu.memory_space<semaphore_mem>>)
    %dma_start3A_28 = arith.constant 0 : i32
    %dma_start3A_29 = tpu.memref_slice %arg18[%dma_start3A_28] : memref<512xi32, #tpu.memory_space<vmem>> -> memref<128xi32, #tpu.memory_space<vmem>>
    %dma_start3A_30 = arith.constant 0 : i32
    %dma_start3A_31 = arith.constant 0 : i32
    %dma_start3A_32 = tpu.memref_slice %arg10[%dma_start3A_30, %dma_start3A_31] : memref<1000000x32xf32, #tpu.memory_space<hbm>> -> memref<1000000x32xf32, #tpu.memory_space<hbm>>
    tpu.enqueue_indirect_dma source(%dma_start3A_32 : memref<1000000x32xf32, #tpu.memory_space<hbm>>) target(%arg34 : memref<128x32xf32, #tpu.memory_space<vmem>>) offsets(%dma_start3A_29 : memref<128xi32, #tpu.memory_space<vmem>>) semaphore(%arg55 : memref<!tpu.dma_semaphore, #tpu.memory_space<semaphore_mem>>)
    %dma_start3A_33 = arith.constant 0 : i32
    %dma_start3A_34 = tpu.memref_slice %arg26[%dma_start3A_33] : memref<512xi32, #tpu.memory_space<vmem>> -> memref<128xi32, #tpu.memory_space<vmem>>
    %dma_start3A_35 = arith.constant 0 : i32
    %dma_start3A_36 = arith.constant 0 : i32
    %dma_start3A_37 = tpu.memref_slice %arg12[%dma_start3A_35, %dma_start3A_36] : memref<3000000x32xf32, #tpu.memory_space<hbm>> -> memref<3000000x32xf32, #tpu.memory_space<hbm>>
    tpu.enqueue_indirect_dma source(%dma_start3A_37 : memref<3000000x32xf32, #tpu.memory_space<hbm>>) target(%arg35 : memref<128x32xf32, #tpu.memory_space<vmem>>) offsets(%dma_start3A_34 : memref<128xi32, #tpu.memory_space<vmem>>) semaphore(%arg55 : memref<!tpu.dma_semaphore, #tpu.memory_space<semaphore_mem>>)
    %dma_start3A_38 = arith.constant 0 : i32
    %dma_start3A_39 = tpu.memref_slice %arg19[%dma_start3A_38] : memref<512xi32, #tpu.memory_space<vmem>> -> memref<128xi32, #tpu.memory_space<vmem>>
    %dma_start3A_40 = arith.constant 0 : i32
    %dma_start3A_41 = arith.constant 0 : i32
    %dma_start3A_42 = tpu.memref_slice %arg11[%dma_start3A_40, %dma_start3A_41] : memref<100000x32xf32, #tpu.memory_space<hbm>> -> memref<100000x32xf32, #tpu.memory_space<hbm>>
    tpu.enqueue_indirect_dma source(%dma_start3A_42 : memref<100000x32xf32, #tpu.memory_space<hbm>>) target(%arg36 : memref<128x32xf32, #tpu.memory_space<vmem>>) offsets(%dma_start3A_39 : memref<128xi32, #tpu.memory_space<vmem>>) semaphore(%arg55 : memref<!tpu.dma_semaphore, #tpu.memory_space<semaphore_mem>>)
    %dma_start3A_43 = arith.constant 0 : i32
    %dma_start3A_44 = tpu.memref_slice %arg27[%dma_start3A_43] : memref<512xi32, #tpu.memory_space<vmem>> -> memref<128xi32, #tpu.memory_space<vmem>>
    %dma_start3A_45 = arith.constant 0 : i32
    %dma_start3A_46 = arith.constant 0 : i32
    %dma_start3A_47 = tpu.memref_slice %arg13[%dma_start3A_45, %dma_start3A_46] : memref<300000x32xf32, #tpu.memory_space<hbm>> -> memref<300000x32xf32, #tpu.memory_space<hbm>>
    tpu.enqueue_indirect_dma source(%dma_start3A_47 : memref<300000x32xf32, #tpu.memory_space<hbm>>) target(%arg37 : memref<128x32xf32, #tpu.memory_space<vmem>>) offsets(%dma_start3A_44 : memref<128xi32, #tpu.memory_space<vmem>>) semaphore(%arg55 : memref<!tpu.dma_semaphore, #tpu.memory_space<semaphore_mem>>)
    %dma_start3A_48 = arith.constant 0 : i32
    %dma_start3A_49 = tpu.memref_slice %arg20[%dma_start3A_48] : memref<512xi32, #tpu.memory_space<vmem>> -> memref<128xi32, #tpu.memory_space<vmem>>
    %dma_start3A_50 = arith.constant 0 : i32
    %dma_start3A_51 = arith.constant 0 : i32
    %dma_start3A_52 = tpu.memref_slice %arg10[%dma_start3A_50, %dma_start3A_51] : memref<1000000x32xf32, #tpu.memory_space<hbm>> -> memref<1000000x32xf32, #tpu.memory_space<hbm>>
    tpu.enqueue_indirect_dma source(%dma_start3A_52 : memref<1000000x32xf32, #tpu.memory_space<hbm>>) target(%arg38 : memref<128x32xf32, #tpu.memory_space<vmem>>) offsets(%dma_start3A_49 : memref<128xi32, #tpu.memory_space<vmem>>) semaphore(%arg55 : memref<!tpu.dma_semaphore, #tpu.memory_space<semaphore_mem>>)
    %dma_start3A_53 = arith.constant 0 : i32
    %dma_start3A_54 = tpu.memref_slice %arg28[%dma_start3A_53] : memref<512xi32, #tpu.memory_space<vmem>> -> memref<128xi32, #tpu.memory_space<vmem>>
    %dma_start3A_55 = arith.constant 0 : i32
    %dma_start3A_56 = arith.constant 0 : i32
    %dma_start3A_57 = tpu.memref_slice %arg12[%dma_start3A_55, %dma_start3A_56] : memref<3000000x32xf32, #tpu.memory_space<hbm>> -> memref<3000000x32xf32, #tpu.memory_space<hbm>>
    tpu.enqueue_indirect_dma source(%dma_start3A_57 : memref<3000000x32xf32, #tpu.memory_space<hbm>>) target(%arg39 : memref<128x32xf32, #tpu.memory_space<vmem>>) offsets(%dma_start3A_54 : memref<128xi32, #tpu.memory_space<vmem>>) semaphore(%arg55 : memref<!tpu.dma_semaphore, #tpu.memory_space<semaphore_mem>>)
    %dma_start3A_58 = arith.constant 0 : i32
    %dma_start3A_59 = tpu.memref_slice %arg21[%dma_start3A_58] : memref<512xi32, #tpu.memory_space<vmem>> -> memref<128xi32, #tpu.memory_space<vmem>>
    %dma_start3A_60 = arith.constant 0 : i32
    %dma_start3A_61 = arith.constant 0 : i32
    %dma_start3A_62 = tpu.memref_slice %arg11[%dma_start3A_60, %dma_start3A_61] : memref<100000x32xf32, #tpu.memory_space<hbm>> -> memref<100000x32xf32, #tpu.memory_space<hbm>>
    tpu.enqueue_indirect_dma source(%dma_start3A_62 : memref<100000x32xf32, #tpu.memory_space<hbm>>) target(%arg40 : memref<128x32xf32, #tpu.memory_space<vmem>>) offsets(%dma_start3A_59 : memref<128xi32, #tpu.memory_space<vmem>>) semaphore(%arg55 : memref<!tpu.dma_semaphore, #tpu.memory_space<semaphore_mem>>)
    %dma_start3A_63 = arith.constant 0 : i32
    %dma_start3A_64 = tpu.memref_slice %arg29[%dma_start3A_63] : memref<512xi32, #tpu.memory_space<vmem>> -> memref<128xi32, #tpu.memory_space<vmem>>
    %dma_start3A_65 = arith.constant 0 : i32
    %dma_start3A_66 = arith.constant 0 : i32
    %dma_start3A_67 = tpu.memref_slice %arg13[%dma_start3A_65, %dma_start3A_66] : memref<300000x32xf32, #tpu.memory_space<hbm>> -> memref<300000x32xf32, #tpu.memory_space<hbm>>
    tpu.enqueue_indirect_dma source(%dma_start3A_67 : memref<300000x32xf32, #tpu.memory_space<hbm>>) target(%arg41 : memref<128x32xf32, #tpu.memory_space<vmem>>) offsets(%dma_start3A_64 : memref<128xi32, #tpu.memory_space<vmem>>) semaphore(%arg55 : memref<!tpu.dma_semaphore, #tpu.memory_space<semaphore_mem>>)
    %dma_wait3A = arith.constant 0 : i32
    %dma_wait3A_68 = tpu.memref_slice %arg16[%dma_wait3A] : memref<512xi32, #tpu.memory_space<vmem>> -> memref<128xi32, #tpu.memory_space<vmem>>
    %dma_wait3A_69 = arith.constant 0 : i32
    %dma_wait3A_70 = arith.constant 0 : i32
    %dma_wait3A_71 = tpu.memref_slice %arg10[%dma_wait3A_69, %dma_wait3A_70] : memref<1000000x32xf32, #tpu.memory_space<hbm>> -> memref<1000000x32xf32, #tpu.memory_space<hbm>>
    tpu.wait_indirect_dma semaphore(%arg55 : memref<!tpu.dma_semaphore, #tpu.memory_space<semaphore_mem>>) src(%dma_wait3A_71 : memref<1000000x32xf32, #tpu.memory_space<hbm>>) dst(%arg30 : memref<128x32xf32, #tpu.memory_space<vmem>>)
    %dma_wait3A_72 = arith.constant 0 : i32
    %dma_wait3A_73 = tpu.memref_slice %arg24[%dma_wait3A_72] : memref<512xi32, #tpu.memory_space<vmem>> -> memref<128xi32, #tpu.memory_space<vmem>>
    %dma_wait3A_74 = arith.constant 0 : i32
    %dma_wait3A_75 = arith.constant 0 : i32
    %dma_wait3A_76 = tpu.memref_slice %arg12[%dma_wait3A_74, %dma_wait3A_75] : memref<3000000x32xf32, #tpu.memory_space<hbm>> -> memref<3000000x32xf32, #tpu.memory_space<hbm>>
    tpu.wait_indirect_dma semaphore(%arg55 : memref<!tpu.dma_semaphore, #tpu.memory_space<semaphore_mem>>) src(%dma_wait3A_76 : memref<3000000x32xf32, #tpu.memory_space<hbm>>) dst(%arg31 : memref<128x32xf32, #tpu.memory_space<vmem>>)
    %dma_wait3A_77 = arith.constant 0 : i32
    %dma_wait3A_78 = tpu.memref_slice %arg17[%dma_wait3A_77] : memref<512xi32, #tpu.memory_space<vmem>> -> memref<128xi32, #tpu.memory_space<vmem>>
    %dma_wait3A_79 = arith.constant 0 : i32
    %dma_wait3A_80 = arith.constant 0 : i32
    %dma_wait3A_81 = tpu.memref_slice %arg11[%dma_wait3A_79, %dma_wait3A_80] : memref<100000x32xf32, #tpu.memory_space<hbm>> -> memref<100000x32xf32, #tpu.memory_space<hbm>>
    tpu.wait_indirect_dma semaphore(%arg55 : memref<!tpu.dma_semaphore, #tpu.memory_space<semaphore_mem>>) src(%dma_wait3A_81 : memref<100000x32xf32, #tpu.memory_space<hbm>>) dst(%arg32 : memref<128x32xf32, #tpu.memory_space<vmem>>)
    %dma_wait3A_82 = arith.constant 0 : i32
    %dma_wait3A_83 = tpu.memref_slice %arg25[%dma_wait3A_82] : memref<512xi32, #tpu.memory_space<vmem>> -> memref<128xi32, #tpu.memory_space<vmem>>
    %dma_wait3A_84 = arith.constant 0 : i32
    %dma_wait3A_85 = arith.constant 0 : i32
    %dma_wait3A_86 = tpu.memref_slice %arg13[%dma_wait3A_84, %dma_wait3A_85] : memref<300000x32xf32, #tpu.memory_space<hbm>> -> memref<300000x32xf32, #tpu.memory_space<hbm>>
    tpu.wait_indirect_dma semaphore(%arg55 : memref<!tpu.dma_semaphore, #tpu.memory_space<semaphore_mem>>) src(%dma_wait3A_86 : memref<300000x32xf32, #tpu.memory_space<hbm>>) dst(%arg33 : memref<128x32xf32, #tpu.memory_space<vmem>>)
    %dma_wait3A_87 = arith.constant 0 : i32
    %dma_wait3A_88 = tpu.memref_slice %arg18[%dma_wait3A_87] : memref<512xi32, #tpu.memory_space<vmem>> -> memref<128xi32, #tpu.memory_space<vmem>>
    %dma_wait3A_89 = arith.constant 0 : i32
    %dma_wait3A_90 = arith.constant 0 : i32
    %dma_wait3A_91 = tpu.memref_slice %arg10[%dma_wait3A_89, %dma_wait3A_90] : memref<1000000x32xf32, #tpu.memory_space<hbm>> -> memref<1000000x32xf32, #tpu.memory_space<hbm>>
    tpu.wait_indirect_dma semaphore(%arg55 : memref<!tpu.dma_semaphore, #tpu.memory_space<semaphore_mem>>) src(%dma_wait3A_91 : memref<1000000x32xf32, #tpu.memory_space<hbm>>) dst(%arg34 : memref<128x32xf32, #tpu.memory_space<vmem>>)
    %dma_wait3A_92 = arith.constant 0 : i32
    %dma_wait3A_93 = tpu.memref_slice %arg26[%dma_wait3A_92] : memref<512xi32, #tpu.memory_space<vmem>> -> memref<128xi32, #tpu.memory_space<vmem>>
    %dma_wait3A_94 = arith.constant 0 : i32
    %dma_wait3A_95 = arith.constant 0 : i32
    %dma_wait3A_96 = tpu.memref_slice %arg12[%dma_wait3A_94, %dma_wait3A_95] : memref<3000000x32xf32, #tpu.memory_space<hbm>> -> memref<3000000x32xf32, #tpu.memory_space<hbm>>
    tpu.wait_indirect_dma semaphore(%arg55 : memref<!tpu.dma_semaphore, #tpu.memory_space<semaphore_mem>>) src(%dma_wait3A_96 : memref<3000000x32xf32, #tpu.memory_space<hbm>>) dst(%arg35 : memref<128x32xf32, #tpu.memory_space<vmem>>)
    %dma_wait3A_97 = arith.constant 0 : i32
    %dma_wait3A_98 = tpu.memref_slice %arg19[%dma_wait3A_97] : memref<512xi32, #tpu.memory_space<vmem>> -> memref<128xi32, #tpu.memory_space<vmem>>
    %dma_wait3A_99 = arith.constant 0 : i32
    %dma_wait3A_100 = arith.constant 0 : i32
    %dma_wait3A_101 = tpu.memref_slice %arg11[%dma_wait3A_99, %dma_wait3A_100] : memref<100000x32xf32, #tpu.memory_space<hbm>> -> memref<100000x32xf32, #tpu.memory_space<hbm>>
    tpu.wait_indirect_dma semaphore(%arg55 : memref<!tpu.dma_semaphore, #tpu.memory_space<semaphore_mem>>) src(%dma_wait3A_101 : memref<100000x32xf32, #tpu.memory_space<hbm>>) dst(%arg36 : memref<128x32xf32, #tpu.memory_space<vmem>>)
    %dma_wait3A_102 = arith.constant 0 : i32
    %dma_wait3A_103 = tpu.memref_slice %arg27[%dma_wait3A_102] : memref<512xi32, #tpu.memory_space<vmem>> -> memref<128xi32, #tpu.memory_space<vmem>>
    %dma_wait3A_104 = arith.constant 0 : i32
    %dma_wait3A_105 = arith.constant 0 : i32
    %dma_wait3A_106 = tpu.memref_slice %arg13[%dma_wait3A_104, %dma_wait3A_105] : memref<300000x32xf32, #tpu.memory_space<hbm>> -> memref<300000x32xf32, #tpu.memory_space<hbm>>
    tpu.wait_indirect_dma semaphore(%arg55 : memref<!tpu.dma_semaphore, #tpu.memory_space<semaphore_mem>>) src(%dma_wait3A_106 : memref<300000x32xf32, #tpu.memory_space<hbm>>) dst(%arg37 : memref<128x32xf32, #tpu.memory_space<vmem>>)
    %dma_wait3A_107 = arith.constant 0 : i32
    %dma_wait3A_108 = tpu.memref_slice %arg20[%dma_wait3A_107] : memref<512xi32, #tpu.memory_space<vmem>> -> memref<128xi32, #tpu.memory_space<vmem>>
    %dma_wait3A_109 = arith.constant 0 : i32
    %dma_wait3A_110 = arith.constant 0 : i32
    %dma_wait3A_111 = tpu.memref_slice %arg10[%dma_wait3A_109, %dma_wait3A_110] : memref<1000000x32xf32, #tpu.memory_space<hbm>> -> memref<1000000x32xf32, #tpu.memory_space<hbm>>
    tpu.wait_indirect_dma semaphore(%arg55 : memref<!tpu.dma_semaphore, #tpu.memory_space<semaphore_mem>>) src(%dma_wait3A_111 : memref<1000000x32xf32, #tpu.memory_space<hbm>>) dst(%arg38 : memref<128x32xf32, #tpu.memory_space<vmem>>)
    %dma_wait3A_112 = arith.constant 0 : i32
    %dma_wait3A_113 = tpu.memref_slice %arg28[%dma_wait3A_112] : memref<512xi32, #tpu.memory_space<vmem>> -> memref<128xi32, #tpu.memory_space<vmem>>
    %dma_wait3A_114 = arith.constant 0 : i32
    %dma_wait3A_115 = arith.constant 0 : i32
    %dma_wait3A_116 = tpu.memref_slice %arg12[%dma_wait3A_114, %dma_wait3A_115] : memref<3000000x32xf32, #tpu.memory_space<hbm>> -> memref<3000000x32xf32, #tpu.memory_space<hbm>>
    tpu.wait_indirect_dma semaphore(%arg55 : memref<!tpu.dma_semaphore, #tpu.memory_space<semaphore_mem>>) src(%dma_wait3A_116 : memref<3000000x32xf32, #tpu.memory_space<hbm>>) dst(%arg39 : memref<128x32xf32, #tpu.memory_space<vmem>>)
    %dma_wait3A_117 = arith.constant 0 : i32
    %dma_wait3A_118 = tpu.memref_slice %arg21[%dma_wait3A_117] : memref<512xi32, #tpu.memory_space<vmem>> -> memref<128xi32, #tpu.memory_space<vmem>>
    %dma_wait3A_119 = arith.constant 0 : i32
    %dma_wait3A_120 = arith.constant 0 : i32
    %dma_wait3A_121 = tpu.memref_slice %arg11[%dma_wait3A_119, %dma_wait3A_120] : memref<100000x32xf32, #tpu.memory_space<hbm>> -> memref<100000x32xf32, #tpu.memory_space<hbm>>
    tpu.wait_indirect_dma semaphore(%arg55 : memref<!tpu.dma_semaphore, #tpu.memory_space<semaphore_mem>>) src(%dma_wait3A_121 : memref<100000x32xf32, #tpu.memory_space<hbm>>) dst(%arg40 : memref<128x32xf32, #tpu.memory_space<vmem>>)
    %dma_wait3A_122 = arith.constant 0 : i32
    %dma_wait3A_123 = tpu.memref_slice %arg29[%dma_wait3A_122] : memref<512xi32, #tpu.memory_space<vmem>> -> memref<128xi32, #tpu.memory_space<vmem>>
    %dma_wait3A_124 = arith.constant 0 : i32
    %dma_wait3A_125 = arith.constant 0 : i32
    %dma_wait3A_126 = tpu.memref_slice %arg13[%dma_wait3A_124, %dma_wait3A_125] : memref<300000x32xf32, #tpu.memory_space<hbm>> -> memref<300000x32xf32, #tpu.memory_space<hbm>>
    tpu.wait_indirect_dma semaphore(%arg55 : memref<!tpu.dma_semaphore, #tpu.memory_space<semaphore_mem>>) src(%dma_wait3A_126 : memref<300000x32xf32, #tpu.memory_space<hbm>>) dst(%arg41 : memref<128x32xf32, #tpu.memory_space<vmem>>)
    %scan3A_127 = arith.constant 0 : i32
    %scan3A_128 = arith.constant 0 : i32
    %scan3A_129 = arith.constant 8 : i32
    %scan3A_130 = arith.addi %scan3A_128, %scan3A_129 : i32
    %scan3A_131 = arith.constant 1 : i32
    %scan3A_132 = scf.for %scan3A_539 = %scan3A_128 to %scan3A_130 step %scan3A_131 iter_args(%scan3A_540 = %scan3A_127) -> (i32)  : i32 {
      %mul3A_541 = arith.constant 16 : i32
      %mul3A_542 = arith.muli %scan3A_539, %mul3A_541 : i32
      %add3A_543 = vector.broadcast %mul3A_542 : i32 to vector<16xi32>
      %add3A_544 = arith.addi %add3A_543, %iota3A : vector<16xi32>
      %broadcast_in_dim3A = arith.constant 0.000000e+00 : f32
      %broadcast_in_dim3A_545 = vector.broadcast %broadcast_in_dim3A : f32 to vector<16xf32>
      %scan3A_546 = arith.constant 0 : i32
      %scan3A_547 = arith.constant 32 : i32
      %scan3A_548 = arith.addi %scan3A_546, %scan3A_547 : i32
      %scan3A_549 = arith.constant 1 : i32
      %scan3A_550:13 = scf.for %scan3A_582 = %scan3A_546 to %scan3A_548 step %scan3A_549 iter_args(%scan3A_583 = %broadcast_in_dim3A_545, %scan3A_584 = %broadcast_in_dim3A_545, %scan3A_585 = %broadcast_in_dim3A_545, %scan3A_586 = %broadcast_in_dim3A_545, %scan3A_587 = %broadcast_in_dim3A_545, %scan3A_588 = %broadcast_in_dim3A_545, %scan3A_589 = %broadcast_in_dim3A_545, %scan3A_590 = %broadcast_in_dim3A_545, %scan3A_591 = %broadcast_in_dim3A_545, %scan3A_592 = %broadcast_in_dim3A_545, %scan3A_593 = %broadcast_in_dim3A_545, %scan3A_594 = %broadcast_in_dim3A_545, %scan3A_595 = %broadcast_in_dim3A_545) -> (vector<16xf32>, vector<16xf32>, vector<16xf32>, vector<16xf32>, vector<16xf32>, vector<16xf32>, vector<16xf32>, vector<16xf32>, vector<16xf32>, vector<16xf32>, vector<16xf32>, vector<16xf32>, vector<16xf32>)  : i32 {
        %broadcast_in_dim3A_596 = vector.broadcast %scan3A_582 : i32 to vector<16xi32>
        %gather3A = tpu.vector_load_idx %arg30[%add3A_544, %broadcast_in_dim3A_596] : memref<128x32xf32, #tpu.memory_space<vmem>>[vector<16xi32>, vector<16xi32>], vector<16xf32>,
        %gather3A_597 = tpu.vector_load_idx %arg31[%add3A_544, %broadcast_in_dim3A_596] : memref<128x32xf32, #tpu.memory_space<vmem>>[vector<16xi32>, vector<16xi32>], vector<16xf32>,
        %gather3A_598 = tpu.vector_load_idx %arg32[%add3A_544, %broadcast_in_dim3A_596] : memref<128x32xf32, #tpu.memory_space<vmem>>[vector<16xi32>, vector<16xi32>], vector<16xf32>,
        %gather3A_599 = tpu.vector_load_idx %arg33[%add3A_544, %broadcast_in_dim3A_596] : memref<128x32xf32, #tpu.memory_space<vmem>>[vector<16xi32>, vector<16xi32>], vector<16xf32>,
        %gather3A_600 = tpu.vector_load_idx %arg34[%add3A_544, %broadcast_in_dim3A_596] : memref<128x32xf32, #tpu.memory_space<vmem>>[vector<16xi32>, vector<16xi32>], vector<16xf32>,
        %gather3A_601 = tpu.vector_load_idx %arg35[%add3A_544, %broadcast_in_dim3A_596] : memref<128x32xf32, #tpu.memory_space<vmem>>[vector<16xi32>, vector<16xi32>], vector<16xf32>,
        %gather3A_602 = tpu.vector_load_idx %arg36[%add3A_544, %broadcast_in_dim3A_596] : memref<128x32xf32, #tpu.memory_space<vmem>>[vector<16xi32>, vector<16xi32>], vector<16xf32>,
        %gather3A_603 = tpu.vector_load_idx %arg37[%add3A_544, %broadcast_in_dim3A_596] : memref<128x32xf32, #tpu.memory_space<vmem>>[vector<16xi32>, vector<16xi32>], vector<16xf32>,
        %gather3A_604 = tpu.vector_load_idx %arg38[%add3A_544, %broadcast_in_dim3A_596] : memref<128x32xf32, #tpu.memory_space<vmem>>[vector<16xi32>, vector<16xi32>], vector<16xf32>,
        %gather3A_605 = tpu.vector_load_idx %arg39[%add3A_544, %broadcast_in_dim3A_596] : memref<128x32xf32, #tpu.memory_space<vmem>>[vector<16xi32>, vector<16xi32>], vector<16xf32>,
        %gather3A_606 = tpu.vector_load_idx %arg40[%add3A_544, %broadcast_in_dim3A_596] : memref<128x32xf32, #tpu.memory_space<vmem>>[vector<16xi32>, vector<16xi32>], vector<16xf32>,
        %gather3A_607 = tpu.vector_load_idx %arg41[%add3A_544, %broadcast_in_dim3A_596] : memref<128x32xf32, #tpu.memory_space<vmem>>[vector<16xi32>, vector<16xi32>], vector<16xf32>,
        %add3A_608 = arith.addf %gather3A, %gather3A_597 : vector<16xf32>
        %add3A_609 = arith.addf %gather3A_598, %gather3A_599 : vector<16xf32>
        %add3A_610 = arith.addf %add3A_608, %add3A_609 : vector<16xf32>
        %add3A_611 = arith.addf %gather3A_600, %gather3A_601 : vector<16xf32>
        %add3A_612 = arith.addf %gather3A_602, %gather3A_603 : vector<16xf32>
        %add3A_613 = arith.addf %add3A_611, %add3A_612 : vector<16xf32>
        %add3A_614 = arith.addf %gather3A_604, %gather3A_605 : vector<16xf32>
        %add3A_615 = arith.addf %gather3A_606, %gather3A_607 : vector<16xf32>
        %add3A_616 = arith.addf %add3A_614, %add3A_615 : vector<16xf32>
        %sub3A = arith.subf %add3A_613, %add3A_616 : vector<16xf32>
        %mul3A_617 = arith.mulf %add3A_610, %sub3A : vector<16xf32>
        %add3A_618 = arith.addf %scan3A_583, %mul3A_617 : vector<16xf32>
        %mul3A_619 = arith.mulf %gather3A, %gather3A : vector<16xf32>
        %add3A_620 = arith.addf %scan3A_584, %mul3A_619 : vector<16xf32>
        %mul3A_621 = arith.mulf %gather3A_597, %gather3A_597 : vector<16xf32>
        %add3A_622 = arith.addf %scan3A_585, %mul3A_621 : vector<16xf32>
        %mul3A_623 = arith.mulf %gather3A_598, %gather3A_598 : vector<16xf32>
        %add3A_624 = arith.addf %scan3A_586, %mul3A_623 : vector<16xf32>
        %mul3A_625 = arith.mulf %gather3A_599, %gather3A_599 : vector<16xf32>
        %add3A_626 = arith.addf %scan3A_587, %mul3A_625 : vector<16xf32>
        %mul3A_627 = arith.mulf %gather3A_600, %gather3A_600 : vector<16xf32>
        %add3A_628 = arith.addf %scan3A_588, %mul3A_627 : vector<16xf32>
        %mul3A_629 = arith.mulf %gather3A_601, %gather3A_601 : vector<16xf32>
        %add3A_630 = arith.addf %scan3A_589, %mul3A_629 : vector<16xf32>
        %mul3A_631 = arith.mulf %gather3A_602, %gather3A_602 : vector<16xf32>
        %add3A_632 = arith.addf %scan3A_590, %mul3A_631 : vector<16xf32>
        %mul3A_633 = arith.mulf %gather3A_603, %gather3A_603 : vector<16xf32>
        %add3A_634 = arith.addf %scan3A_591, %mul3A_633 : vector<16xf32>
        %mul3A_635 = arith.mulf %gather3A_604, %gather3A_604 : vector<16xf32>
        %add3A_636 = arith.addf %scan3A_592, %mul3A_635 : vector<16xf32>
        %mul3A_637 = arith.mulf %gather3A_605, %gather3A_605 : vector<16xf32>
        %add3A_638 = arith.addf %scan3A_593, %mul3A_637 : vector<16xf32>
        %mul3A_639 = arith.mulf %gather3A_606, %gather3A_606 : vector<16xf32>
        %add3A_640 = arith.addf %scan3A_594, %mul3A_639 : vector<16xf32>
        %mul3A_641 = arith.mulf %gather3A_607, %gather3A_607 : vector<16xf32>
        %add3A_642 = arith.addf %scan3A_595, %mul3A_641 : vector<16xf32>
        scf.yield %add3A_618, %add3A_620, %add3A_622, %add3A_624, %add3A_626, %add3A_628, %add3A_630, %add3A_632, %add3A_634, %add3A_636, %add3A_638, %add3A_640, %add3A_642 : vector<16xf32>, vector<16xf32>, vector<16xf32>, vector<16xf32>, vector<16xf32>, vector<16xf32>, vector<16xf32>, vector<16xf32>, vector<16xf32>, vector<16xf32>, vector<16xf32>, vector<16xf32>, vector<16xf32>
      }
      %scan3A_551 = arith.constant 32 : i32
      %mul3A_552 = arith.constant 16 : i32
      %mul3A_553 = arith.muli %scan3A_539, %mul3A_552 : i32
      %add3A_554 = arith.constant 0 : i32
      %add3A_555 = arith.addi %add3A_554, %mul3A_553 : i32
      %swap3A = arith.index_cast %add3A_555 : i32 to index
      %swap3A_556 = tpu.vector_load %arg42[%swap3A] {strides = array<i32>} : memref<512xf32, #tpu.memory_space<vmem>>, vector<16xf32>,
      tpu.vector_store %arg42[%swap3A], %scan3A_550#0 {strides = array<i32>} : memref<512xf32, #tpu.memory_space<vmem>>, vector<16xf32>,
      %swap3A_557 = arith.index_cast %add3A_555 : i32 to index
      %swap3A_558 = tpu.vector_load %arg43[%swap3A_557] {strides = array<i32>} : memref<512xf32, #tpu.memory_space<vmem>>, vector<16xf32>,
      tpu.vector_store %arg43[%swap3A_557], %scan3A_550#1 {strides = array<i32>} : memref<512xf32, #tpu.memory_space<vmem>>, vector<16xf32>,
      %swap3A_559 = arith.index_cast %add3A_555 : i32 to index
      %swap3A_560 = tpu.vector_load %arg44[%swap3A_559] {strides = array<i32>} : memref<512xf32, #tpu.memory_space<vmem>>, vector<16xf32>,
      tpu.vector_store %arg44[%swap3A_559], %scan3A_550#2 {strides = array<i32>} : memref<512xf32, #tpu.memory_space<vmem>>, vector<16xf32>,
      %swap3A_561 = arith.index_cast %add3A_555 : i32 to index
      %swap3A_562 = tpu.vector_load %arg45[%swap3A_561] {strides = array<i32>} : memref<512xf32, #tpu.memory_space<vmem>>, vector<16xf32>,
      tpu.vector_store %arg45[%swap3A_561], %scan3A_550#3 {strides = array<i32>} : memref<512xf32, #tpu.memory_space<vmem>>, vector<16xf32>,
      %swap3A_563 = arith.index_cast %add3A_555 : i32 to index
      %swap3A_564 = tpu.vector_load %arg46[%swap3A_563] {strides = array<i32>} : memref<512xf32, #tpu.memory_space<vmem>>, vector<16xf32>,
      tpu.vector_store %arg46[%swap3A_563], %scan3A_550#4 {strides = array<i32>} : memref<512xf32, #tpu.memory_space<vmem>>, vector<16xf32>,
      %swap3A_565 = arith.index_cast %add3A_555 : i32 to index
      %swap3A_566 = tpu.vector_load %arg47[%swap3A_565] {strides = array<i32>} : memref<512xf32, #tpu.memory_space<vmem>>, vector<16xf32>,
      tpu.vector_store %arg47[%swap3A_565], %scan3A_550#5 {strides = array<i32>} : memref<512xf32, #tpu.memory_space<vmem>>, vector<16xf32>,
      %swap3A_567 = arith.index_cast %add3A_555 : i32 to index
      %swap3A_568 = tpu.vector_load %arg48[%swap3A_567] {strides = array<i32>} : memref<512xf32, #tpu.memory_space<vmem>>, vector<16xf32>,
      tpu.vector_store %arg48[%swap3A_567], %scan3A_550#6 {strides = array<i32>} : memref<512xf32, #tpu.memory_space<vmem>>, vector<16xf32>,
      %swap3A_569 = arith.index_cast %add3A_555 : i32 to index
      %swap3A_570 = tpu.vector_load %arg49[%swap3A_569] {strides = array<i32>} : memref<512xf32, #tpu.memory_space<vmem>>, vector<16xf32>,
      tpu.vector_store %arg49[%swap3A_569], %scan3A_550#7 {strides = array<i32>} : memref<512xf32, #tpu.memory_space<vmem>>, vector<16xf32>,
      %swap3A_571 = arith.index_cast %add3A_555 : i32 to index
      %swap3A_572 = tpu.vector_load %arg50[%swap3A_571] {strides = array<i32>} : memref<512xf32, #tpu.memory_space<vmem>>, vector<16xf32>,
      tpu.vector_store %arg50[%swap3A_571], %scan3A_550#8 {strides = array<i32>} : memref<512xf32, #tpu.memory_space<vmem>>, vector<16xf32>,
      %swap3A_573 = arith.index_cast %add3A_555 : i32 to index
      %swap3A_574 = tpu.vector_load %arg51[%swap3A_573] {strides = array<i32>} : memref<512xf32, #tpu.memory_space<vmem>>, vector<16xf32>,
      tpu.vector_store %arg51[%swap3A_573], %scan3A_550#9 {strides = array<i32>} : memref<512xf32, #tpu.memory_space<vmem>>, vector<16xf32>,
      %swap3A_575 = arith.index_cast %add3A_555 : i32 to index
      %swap3A_576 = tpu.vector_load %arg52[%swap3A_575] {strides = array<i32>} : memref<512xf32, #tpu.memory_space<vmem>>, vector<16xf32>,
      tpu.vector_store %arg52[%swap3A_575], %scan3A_550#10 {strides = array<i32>} : memref<512xf32, #tpu.memory_space<vmem>>, vector<16xf32>,
      %swap3A_577 = arith.index_cast %add3A_555 : i32 to index
      %swap3A_578 = tpu.vector_load %arg53[%swap3A_577] {strides = array<i32>} : memref<512xf32, #tpu.memory_space<vmem>>, vector<16xf32>,
      tpu.vector_store %arg53[%swap3A_577], %scan3A_550#11 {strides = array<i32>} : memref<512xf32, #tpu.memory_space<vmem>>, vector<16xf32>,
      %swap3A_579 = arith.index_cast %add3A_555 : i32 to index
      %swap3A_580 = tpu.vector_load %arg54[%swap3A_579] {strides = array<i32>} : memref<512xf32, #tpu.memory_space<vmem>>, vector<16xf32>,
      tpu.vector_store %arg54[%swap3A_579], %scan3A_550#12 {strides = array<i32>} : memref<512xf32, #tpu.memory_space<vmem>>, vector<16xf32>,
      %scan3A_581 = arith.constant 0 : i32
      scf.yield %scan3A_581 : i32
    }
    %scan3A_133 = arith.constant 8 : i32
    %dma_start3A_134 = arith.constant 128 : i32
    %dma_start3A_135 = tpu.memref_slice %arg16[%dma_start3A_134] : memref<512xi32, #tpu.memory_space<vmem>> -> memref<128xi32, #tpu.memory_space<vmem>>
    %dma_start3A_136 = arith.constant 0 : i32
    %dma_start3A_137 = arith.constant 0 : i32
    %dma_start3A_138 = tpu.memref_slice %arg10[%dma_start3A_136, %dma_start3A_137] : memref<1000000x32xf32, #tpu.memory_space<hbm>> -> memref<1000000x32xf32, #tpu.memory_space<hbm>>
    tpu.enqueue_indirect_dma source(%dma_start3A_138 : memref<1000000x32xf32, #tpu.memory_space<hbm>>) target(%arg30 : memref<128x32xf32, #tpu.memory_space<vmem>>) offsets(%dma_start3A_135 : memref<128xi32, #tpu.memory_space<vmem>>) semaphore(%arg55 : memref<!tpu.dma_semaphore, #tpu.memory_space<semaphore_mem>>)
    %dma_start3A_139 = arith.constant 128 : i32
    %dma_start3A_140 = tpu.memref_slice %arg24[%dma_start3A_139] : memref<512xi32, #tpu.memory_space<vmem>> -> memref<128xi32, #tpu.memory_space<vmem>>
    %dma_start3A_141 = arith.constant 0 : i32
    %dma_start3A_142 = arith.constant 0 : i32
    %dma_start3A_143 = tpu.memref_slice %arg12[%dma_start3A_141, %dma_start3A_142] : memref<3000000x32xf32, #tpu.memory_space<hbm>> -> memref<3000000x32xf32, #tpu.memory_space<hbm>>
    tpu.enqueue_indirect_dma source(%dma_start3A_143 : memref<3000000x32xf32, #tpu.memory_space<hbm>>) target(%arg31 : memref<128x32xf32, #tpu.memory_space<vmem>>) offsets(%dma_start3A_140 : memref<128xi32, #tpu.memory_space<vmem>>) semaphore(%arg55 : memref<!tpu.dma_semaphore, #tpu.memory_space<semaphore_mem>>)
    %dma_start3A_144 = arith.constant 128 : i32
    %dma_start3A_145 = tpu.memref_slice %arg17[%dma_start3A_144] : memref<512xi32, #tpu.memory_space<vmem>> -> memref<128xi32, #tpu.memory_space<vmem>>
    %dma_start3A_146 = arith.constant 0 : i32
    %dma_start3A_147 = arith.constant 0 : i32
    %dma_start3A_148 = tpu.memref_slice %arg11[%dma_start3A_146, %dma_start3A_147] : memref<100000x32xf32, #tpu.memory_space<hbm>> -> memref<100000x32xf32, #tpu.memory_space<hbm>>
    tpu.enqueue_indirect_dma source(%dma_start3A_148 : memref<100000x32xf32, #tpu.memory_space<hbm>>) target(%arg32 : memref<128x32xf32, #tpu.memory_space<vmem>>) offsets(%dma_start3A_145 : memref<128xi32, #tpu.memory_space<vmem>>) semaphore(%arg55 : memref<!tpu.dma_semaphore, #tpu.memory_space<semaphore_mem>>)
    %dma_start3A_149 = arith.constant 128 : i32
    %dma_start3A_150 = tpu.memref_slice %arg25[%dma_start3A_149] : memref<512xi32, #tpu.memory_space<vmem>> -> memref<128xi32, #tpu.memory_space<vmem>>
    %dma_start3A_151 = arith.constant 0 : i32
    %dma_start3A_152 = arith.constant 0 : i32
    %dma_start3A_153 = tpu.memref_slice %arg13[%dma_start3A_151, %dma_start3A_152] : memref<300000x32xf32, #tpu.memory_space<hbm>> -> memref<300000x32xf32, #tpu.memory_space<hbm>>
    tpu.enqueue_indirect_dma source(%dma_start3A_153 : memref<300000x32xf32, #tpu.memory_space<hbm>>) target(%arg33 : memref<128x32xf32, #tpu.memory_space<vmem>>) offsets(%dma_start3A_150 : memref<128xi32, #tpu.memory_space<vmem>>) semaphore(%arg55 : memref<!tpu.dma_semaphore, #tpu.memory_space<semaphore_mem>>)
    %dma_start3A_154 = arith.constant 128 : i32
    %dma_start3A_155 = tpu.memref_slice %arg18[%dma_start3A_154] : memref<512xi32, #tpu.memory_space<vmem>> -> memref<128xi32, #tpu.memory_space<vmem>>
    %dma_start3A_156 = arith.constant 0 : i32
    %dma_start3A_157 = arith.constant 0 : i32
    %dma_start3A_158 = tpu.memref_slice %arg10[%dma_start3A_156, %dma_start3A_157] : memref<1000000x32xf32, #tpu.memory_space<hbm>> -> memref<1000000x32xf32, #tpu.memory_space<hbm>>
    tpu.enqueue_indirect_dma source(%dma_start3A_158 : memref<1000000x32xf32, #tpu.memory_space<hbm>>) target(%arg34 : memref<128x32xf32, #tpu.memory_space<vmem>>) offsets(%dma_start3A_155 : memref<128xi32, #tpu.memory_space<vmem>>) semaphore(%arg55 : memref<!tpu.dma_semaphore, #tpu.memory_space<semaphore_mem>>)
    %dma_start3A_159 = arith.constant 128 : i32
    %dma_start3A_160 = tpu.memref_slice %arg26[%dma_start3A_159] : memref<512xi32, #tpu.memory_space<vmem>> -> memref<128xi32, #tpu.memory_space<vmem>>
    %dma_start3A_161 = arith.constant 0 : i32
    %dma_start3A_162 = arith.constant 0 : i32
    %dma_start3A_163 = tpu.memref_slice %arg12[%dma_start3A_161, %dma_start3A_162] : memref<3000000x32xf32, #tpu.memory_space<hbm>> -> memref<3000000x32xf32, #tpu.memory_space<hbm>>
    tpu.enqueue_indirect_dma source(%dma_start3A_163 : memref<3000000x32xf32, #tpu.memory_space<hbm>>) target(%arg35 : memref<128x32xf32, #tpu.memory_space<vmem>>) offsets(%dma_start3A_160 : memref<128xi32, #tpu.memory_space<vmem>>) semaphore(%arg55 : memref<!tpu.dma_semaphore, #tpu.memory_space<semaphore_mem>>)
    %dma_start3A_164 = arith.constant 128 : i32
    %dma_start3A_165 = tpu.memref_slice %arg19[%dma_start3A_164] : memref<512xi32, #tpu.memory_space<vmem>> -> memref<128xi32, #tpu.memory_space<vmem>>
    %dma_start3A_166 = arith.constant 0 : i32
    %dma_start3A_167 = arith.constant 0 : i32
    %dma_start3A_168 = tpu.memref_slice %arg11[%dma_start3A_166, %dma_start3A_167] : memref<100000x32xf32, #tpu.memory_space<hbm>> -> memref<100000x32xf32, #tpu.memory_space<hbm>>
    tpu.enqueue_indirect_dma source(%dma_start3A_168 : memref<100000x32xf32, #tpu.memory_space<hbm>>) target(%arg36 : memref<128x32xf32, #tpu.memory_space<vmem>>) offsets(%dma_start3A_165 : memref<128xi32, #tpu.memory_space<vmem>>) semaphore(%arg55 : memref<!tpu.dma_semaphore, #tpu.memory_space<semaphore_mem>>)
    %dma_start3A_169 = arith.constant 128 : i32
    %dma_start3A_170 = tpu.memref_slice %arg27[%dma_start3A_169] : memref<512xi32, #tpu.memory_space<vmem>> -> memref<128xi32, #tpu.memory_space<vmem>>
    %dma_start3A_171 = arith.constant 0 : i32
    %dma_start3A_172 = arith.constant 0 : i32
    %dma_start3A_173 = tpu.memref_slice %arg13[%dma_start3A_171, %dma_start3A_172] : memref<300000x32xf32, #tpu.memory_space<hbm>> -> memref<300000x32xf32, #tpu.memory_space<hbm>>
    tpu.enqueue_indirect_dma source(%dma_start3A_173 : memref<300000x32xf32, #tpu.memory_space<hbm>>) target(%arg37 : memref<128x32xf32, #tpu.memory_space<vmem>>) offsets(%dma_start3A_170 : memref<128xi32, #tpu.memory_space<vmem>>) semaphore(%arg55 : memref<!tpu.dma_semaphore, #tpu.memory_space<semaphore_mem>>)
    %dma_start3A_174 = arith.constant 128 : i32
    %dma_start3A_175 = tpu.memref_slice %arg20[%dma_start3A_174] : memref<512xi32, #tpu.memory_space<vmem>> -> memref<128xi32, #tpu.memory_space<vmem>>
    %dma_start3A_176 = arith.constant 0 : i32
    %dma_start3A_177 = arith.constant 0 : i32
    %dma_start3A_178 = tpu.memref_slice %arg10[%dma_start3A_176, %dma_start3A_177] : memref<1000000x32xf32, #tpu.memory_space<hbm>> -> memref<1000000x32xf32, #tpu.memory_space<hbm>>
    tpu.enqueue_indirect_dma source(%dma_start3A_178 : memref<1000000x32xf32, #tpu.memory_space<hbm>>) target(%arg38 : memref<128x32xf32, #tpu.memory_space<vmem>>) offsets(%dma_start3A_175 : memref<128xi32, #tpu.memory_space<vmem>>) semaphore(%arg55 : memref<!tpu.dma_semaphore, #tpu.memory_space<semaphore_mem>>)
    %dma_start3A_179 = arith.constant 128 : i32
    %dma_start3A_180 = tpu.memref_slice %arg28[%dma_start3A_179] : memref<512xi32, #tpu.memory_space<vmem>> -> memref<128xi32, #tpu.memory_space<vmem>>
    %dma_start3A_181 = arith.constant 0 : i32
    %dma_start3A_182 = arith.constant 0 : i32
    %dma_start3A_183 = tpu.memref_slice %arg12[%dma_start3A_181, %dma_start3A_182] : memref<3000000x32xf32, #tpu.memory_space<hbm>> -> memref<3000000x32xf32, #tpu.memory_space<hbm>>
    tpu.enqueue_indirect_dma source(%dma_start3A_183 : memref<3000000x32xf32, #tpu.memory_space<hbm>>) target(%arg39 : memref<128x32xf32, #tpu.memory_space<vmem>>) offsets(%dma_start3A_180 : memref<128xi32, #tpu.memory_space<vmem>>) semaphore(%arg55 : memref<!tpu.dma_semaphore, #tpu.memory_space<semaphore_mem>>)
    %dma_start3A_184 = arith.constant 128 : i32
    %dma_start3A_185 = tpu.memref_slice %arg21[%dma_start3A_184] : memref<512xi32, #tpu.memory_space<vmem>> -> memref<128xi32, #tpu.memory_space<vmem>>
    %dma_start3A_186 = arith.constant 0 : i32
    %dma_start3A_187 = arith.constant 0 : i32
    %dma_start3A_188 = tpu.memref_slice %arg11[%dma_start3A_186, %dma_start3A_187] : memref<100000x32xf32, #tpu.memory_space<hbm>> -> memref<100000x32xf32, #tpu.memory_space<hbm>>
    tpu.enqueue_indirect_dma source(%dma_start3A_188 : memref<100000x32xf32, #tpu.memory_space<hbm>>) target(%arg40 : memref<128x32xf32, #tpu.memory_space<vmem>>) offsets(%dma_start3A_185 : memref<128xi32, #tpu.memory_space<vmem>>) semaphore(%arg55 : memref<!tpu.dma_semaphore, #tpu.memory_space<semaphore_mem>>)
    %dma_start3A_189 = arith.constant 128 : i32
    %dma_start3A_190 = tpu.memref_slice %arg29[%dma_start3A_189] : memref<512xi32, #tpu.memory_space<vmem>> -> memref<128xi32, #tpu.memory_space<vmem>>
    %dma_start3A_191 = arith.constant 0 : i32
    %dma_start3A_192 = arith.constant 0 : i32
    %dma_start3A_193 = tpu.memref_slice %arg13[%dma_start3A_191, %dma_start3A_192] : memref<300000x32xf32, #tpu.memory_space<hbm>> -> memref<300000x32xf32, #tpu.memory_space<hbm>>
    tpu.enqueue_indirect_dma source(%dma_start3A_193 : memref<300000x32xf32, #tpu.memory_space<hbm>>) target(%arg41 : memref<128x32xf32, #tpu.memory_space<vmem>>) offsets(%dma_start3A_190 : memref<128xi32, #tpu.memory_space<vmem>>) semaphore(%arg55 : memref<!tpu.dma_semaphore, #tpu.memory_space<semaphore_mem>>)
    %dma_wait3A_194 = arith.constant 128 : i32
    %dma_wait3A_195 = tpu.memref_slice %arg16[%dma_wait3A_194] : memref<512xi32, #tpu.memory_space<vmem>> -> memref<128xi32, #tpu.memory_space<vmem>>
    %dma_wait3A_196 = arith.constant 0 : i32
    %dma_wait3A_197 = arith.constant 0 : i32
    %dma_wait3A_198 = tpu.memref_slice %arg10[%dma_wait3A_196, %dma_wait3A_197] : memref<1000000x32xf32, #tpu.memory_space<hbm>> -> memref<1000000x32xf32, #tpu.memory_space<hbm>>
    tpu.wait_indirect_dma semaphore(%arg55 : memref<!tpu.dma_semaphore, #tpu.memory_space<semaphore_mem>>) src(%dma_wait3A_198 : memref<1000000x32xf32, #tpu.memory_space<hbm>>) dst(%arg30 : memref<128x32xf32, #tpu.memory_space<vmem>>)
    %dma_wait3A_199 = arith.constant 128 : i32
    %dma_wait3A_200 = tpu.memref_slice %arg24[%dma_wait3A_199] : memref<512xi32, #tpu.memory_space<vmem>> -> memref<128xi32, #tpu.memory_space<vmem>>
    %dma_wait3A_201 = arith.constant 0 : i32
    %dma_wait3A_202 = arith.constant 0 : i32
    %dma_wait3A_203 = tpu.memref_slice %arg12[%dma_wait3A_201, %dma_wait3A_202] : memref<3000000x32xf32, #tpu.memory_space<hbm>> -> memref<3000000x32xf32, #tpu.memory_space<hbm>>
    tpu.wait_indirect_dma semaphore(%arg55 : memref<!tpu.dma_semaphore, #tpu.memory_space<semaphore_mem>>) src(%dma_wait3A_203 : memref<3000000x32xf32, #tpu.memory_space<hbm>>) dst(%arg31 : memref<128x32xf32, #tpu.memory_space<vmem>>)
    %dma_wait3A_204 = arith.constant 128 : i32
    %dma_wait3A_205 = tpu.memref_slice %arg17[%dma_wait3A_204] : memref<512xi32, #tpu.memory_space<vmem>> -> memref<128xi32, #tpu.memory_space<vmem>>
    %dma_wait3A_206 = arith.constant 0 : i32
    %dma_wait3A_207 = arith.constant 0 : i32
    %dma_wait3A_208 = tpu.memref_slice %arg11[%dma_wait3A_206, %dma_wait3A_207] : memref<100000x32xf32, #tpu.memory_space<hbm>> -> memref<100000x32xf32, #tpu.memory_space<hbm>>
    tpu.wait_indirect_dma semaphore(%arg55 : memref<!tpu.dma_semaphore, #tpu.memory_space<semaphore_mem>>) src(%dma_wait3A_208 : memref<100000x32xf32, #tpu.memory_space<hbm>>) dst(%arg32 : memref<128x32xf32, #tpu.memory_space<vmem>>)
    %dma_wait3A_209 = arith.constant 128 : i32
    %dma_wait3A_210 = tpu.memref_slice %arg25[%dma_wait3A_209] : memref<512xi32, #tpu.memory_space<vmem>> -> memref<128xi32, #tpu.memory_space<vmem>>
    %dma_wait3A_211 = arith.constant 0 : i32
    %dma_wait3A_212 = arith.constant 0 : i32
    %dma_wait3A_213 = tpu.memref_slice %arg13[%dma_wait3A_211, %dma_wait3A_212] : memref<300000x32xf32, #tpu.memory_space<hbm>> -> memref<300000x32xf32, #tpu.memory_space<hbm>>
    tpu.wait_indirect_dma semaphore(%arg55 : memref<!tpu.dma_semaphore, #tpu.memory_space<semaphore_mem>>) src(%dma_wait3A_213 : memref<300000x32xf32, #tpu.memory_space<hbm>>) dst(%arg33 : memref<128x32xf32, #tpu.memory_space<vmem>>)
    %dma_wait3A_214 = arith.constant 128 : i32
    %dma_wait3A_215 = tpu.memref_slice %arg18[%dma_wait3A_214] : memref<512xi32, #tpu.memory_space<vmem>> -> memref<128xi32, #tpu.memory_space<vmem>>
    %dma_wait3A_216 = arith.constant 0 : i32
    %dma_wait3A_217 = arith.constant 0 : i32
    %dma_wait3A_218 = tpu.memref_slice %arg10[%dma_wait3A_216, %dma_wait3A_217] : memref<1000000x32xf32, #tpu.memory_space<hbm>> -> memref<1000000x32xf32, #tpu.memory_space<hbm>>
    tpu.wait_indirect_dma semaphore(%arg55 : memref<!tpu.dma_semaphore, #tpu.memory_space<semaphore_mem>>) src(%dma_wait3A_218 : memref<1000000x32xf32, #tpu.memory_space<hbm>>) dst(%arg34 : memref<128x32xf32, #tpu.memory_space<vmem>>)
    %dma_wait3A_219 = arith.constant 128 : i32
    %dma_wait3A_220 = tpu.memref_slice %arg26[%dma_wait3A_219] : memref<512xi32, #tpu.memory_space<vmem>> -> memref<128xi32, #tpu.memory_space<vmem>>
    %dma_wait3A_221 = arith.constant 0 : i32
    %dma_wait3A_222 = arith.constant 0 : i32
    %dma_wait3A_223 = tpu.memref_slice %arg12[%dma_wait3A_221, %dma_wait3A_222] : memref<3000000x32xf32, #tpu.memory_space<hbm>> -> memref<3000000x32xf32, #tpu.memory_space<hbm>>
    tpu.wait_indirect_dma semaphore(%arg55 : memref<!tpu.dma_semaphore, #tpu.memory_space<semaphore_mem>>) src(%dma_wait3A_223 : memref<3000000x32xf32, #tpu.memory_space<hbm>>) dst(%arg35 : memref<128x32xf32, #tpu.memory_space<vmem>>)
    %dma_wait3A_224 = arith.constant 128 : i32
    %dma_wait3A_225 = tpu.memref_slice %arg19[%dma_wait3A_224] : memref<512xi32, #tpu.memory_space<vmem>> -> memref<128xi32, #tpu.memory_space<vmem>>
    %dma_wait3A_226 = arith.constant 0 : i32
    %dma_wait3A_227 = arith.constant 0 : i32
    %dma_wait3A_228 = tpu.memref_slice %arg11[%dma_wait3A_226, %dma_wait3A_227] : memref<100000x32xf32, #tpu.memory_space<hbm>> -> memref<100000x32xf32, #tpu.memory_space<hbm>>
    tpu.wait_indirect_dma semaphore(%arg55 : memref<!tpu.dma_semaphore, #tpu.memory_space<semaphore_mem>>) src(%dma_wait3A_228 : memref<100000x32xf32, #tpu.memory_space<hbm>>) dst(%arg36 : memref<128x32xf32, #tpu.memory_space<vmem>>)
    %dma_wait3A_229 = arith.constant 128 : i32
    %dma_wait3A_230 = tpu.memref_slice %arg27[%dma_wait3A_229] : memref<512xi32, #tpu.memory_space<vmem>> -> memref<128xi32, #tpu.memory_space<vmem>>
    %dma_wait3A_231 = arith.constant 0 : i32
    %dma_wait3A_232 = arith.constant 0 : i32
    %dma_wait3A_233 = tpu.memref_slice %arg13[%dma_wait3A_231, %dma_wait3A_232] : memref<300000x32xf32, #tpu.memory_space<hbm>> -> memref<300000x32xf32, #tpu.memory_space<hbm>>
    tpu.wait_indirect_dma semaphore(%arg55 : memref<!tpu.dma_semaphore, #tpu.memory_space<semaphore_mem>>) src(%dma_wait3A_233 : memref<300000x32xf32, #tpu.memory_space<hbm>>) dst(%arg37 : memref<128x32xf32, #tpu.memory_space<vmem>>)
    %dma_wait3A_234 = arith.constant 128 : i32
    %dma_wait3A_235 = tpu.memref_slice %arg20[%dma_wait3A_234] : memref<512xi32, #tpu.memory_space<vmem>> -> memref<128xi32, #tpu.memory_space<vmem>>
    %dma_wait3A_236 = arith.constant 0 : i32
    %dma_wait3A_237 = arith.constant 0 : i32
    %dma_wait3A_238 = tpu.memref_slice %arg10[%dma_wait3A_236, %dma_wait3A_237] : memref<1000000x32xf32, #tpu.memory_space<hbm>> -> memref<1000000x32xf32, #tpu.memory_space<hbm>>
    tpu.wait_indirect_dma semaphore(%arg55 : memref<!tpu.dma_semaphore, #tpu.memory_space<semaphore_mem>>) src(%dma_wait3A_238 : memref<1000000x32xf32, #tpu.memory_space<hbm>>) dst(%arg38 : memref<128x32xf32, #tpu.memory_space<vmem>>)
    %dma_wait3A_239 = arith.constant 128 : i32
    %dma_wait3A_240 = tpu.memref_slice %arg28[%dma_wait3A_239] : memref<512xi32, #tpu.memory_space<vmem>> -> memref<128xi32, #tpu.memory_space<vmem>>
    %dma_wait3A_241 = arith.constant 0 : i32
    %dma_wait3A_242 = arith.constant 0 : i32
    %dma_wait3A_243 = tpu.memref_slice %arg12[%dma_wait3A_241, %dma_wait3A_242] : memref<3000000x32xf32, #tpu.memory_space<hbm>> -> memref<3000000x32xf32, #tpu.memory_space<hbm>>
    tpu.wait_indirect_dma semaphore(%arg55 : memref<!tpu.dma_semaphore, #tpu.memory_space<semaphore_mem>>) src(%dma_wait3A_243 : memref<3000000x32xf32, #tpu.memory_space<hbm>>) dst(%arg39 : memref<128x32xf32, #tpu.memory_space<vmem>>)
    %dma_wait3A_244 = arith.constant 128 : i32
    %dma_wait3A_245 = tpu.memref_slice %arg21[%dma_wait3A_244] : memref<512xi32, #tpu.memory_space<vmem>> -> memref<128xi32, #tpu.memory_space<vmem>>
    %dma_wait3A_246 = arith.constant 0 : i32
    %dma_wait3A_247 = arith.constant 0 : i32
    %dma_wait3A_248 = tpu.memref_slice %arg11[%dma_wait3A_246, %dma_wait3A_247] : memref<100000x32xf32, #tpu.memory_space<hbm>> -> memref<100000x32xf32, #tpu.memory_space<hbm>>
    tpu.wait_indirect_dma semaphore(%arg55 : memref<!tpu.dma_semaphore, #tpu.memory_space<semaphore_mem>>) src(%dma_wait3A_248 : memref<100000x32xf32, #tpu.memory_space<hbm>>) dst(%arg40 : memref<128x32xf32, #tpu.memory_space<vmem>>)
    %dma_wait3A_249 = arith.constant 128 : i32
    %dma_wait3A_250 = tpu.memref_slice %arg29[%dma_wait3A_249] : memref<512xi32, #tpu.memory_space<vmem>> -> memref<128xi32, #tpu.memory_space<vmem>>
    %dma_wait3A_251 = arith.constant 0 : i32
    %dma_wait3A_252 = arith.constant 0 : i32
    %dma_wait3A_253 = tpu.memref_slice %arg13[%dma_wait3A_251, %dma_wait3A_252] : memref<300000x32xf32, #tpu.memory_space<hbm>> -> memref<300000x32xf32, #tpu.memory_space<hbm>>
    tpu.wait_indirect_dma semaphore(%arg55 : memref<!tpu.dma_semaphore, #tpu.memory_space<semaphore_mem>>) src(%dma_wait3A_253 : memref<300000x32xf32, #tpu.memory_space<hbm>>) dst(%arg41 : memref<128x32xf32, #tpu.memory_space<vmem>>)
    %scan3A_254 = arith.constant 0 : i32
    %scan3A_255 = arith.constant 0 : i32
    %scan3A_256 = arith.constant 8 : i32
    %scan3A_257 = arith.addi %scan3A_255, %scan3A_256 : i32
    %scan3A_258 = arith.constant 1 : i32
    %scan3A_259 = scf.for %scan3A_539 = %scan3A_255 to %scan3A_257 step %scan3A_258 iter_args(%scan3A_540 = %scan3A_254) -> (i32)  : i32 {
      %mul3A_541 = arith.constant 16 : i32
      %mul3A_542 = arith.muli %scan3A_539, %mul3A_541 : i32
      %add3A_543 = vector.broadcast %mul3A_542 : i32 to vector<16xi32>
      %add3A_544 = arith.addi %add3A_543, %iota3A : vector<16xi32>
      %broadcast_in_dim3A = arith.constant 0.000000e+00 : f32
      %broadcast_in_dim3A_545 = vector.broadcast %broadcast_in_dim3A : f32 to vector<16xf32>
      %scan3A_546 = arith.constant 0 : i32
      %scan3A_547 = arith.constant 32 : i32
      %scan3A_548 = arith.addi %scan3A_546, %scan3A_547 : i32
      %scan3A_549 = arith.constant 1 : i32
      %scan3A_550:13 = scf.for %scan3A_582 = %scan3A_546 to %scan3A_548 step %scan3A_549 iter_args(%scan3A_583 = %broadcast_in_dim3A_545, %scan3A_584 = %broadcast_in_dim3A_545, %scan3A_585 = %broadcast_in_dim3A_545, %scan3A_586 = %broadcast_in_dim3A_545, %scan3A_587 = %broadcast_in_dim3A_545, %scan3A_588 = %broadcast_in_dim3A_545, %scan3A_589 = %broadcast_in_dim3A_545, %scan3A_590 = %broadcast_in_dim3A_545, %scan3A_591 = %broadcast_in_dim3A_545, %scan3A_592 = %broadcast_in_dim3A_545, %scan3A_593 = %broadcast_in_dim3A_545, %scan3A_594 = %broadcast_in_dim3A_545, %scan3A_595 = %broadcast_in_dim3A_545) -> (vector<16xf32>, vector<16xf32>, vector<16xf32>, vector<16xf32>, vector<16xf32>, vector<16xf32>, vector<16xf32>, vector<16xf32>, vector<16xf32>, vector<16xf32>, vector<16xf32>, vector<16xf32>, vector<16xf32>)  : i32 {
        %broadcast_in_dim3A_596 = vector.broadcast %scan3A_582 : i32 to vector<16xi32>
        %gather3A = tpu.vector_load_idx %arg30[%add3A_544, %broadcast_in_dim3A_596] : memref<128x32xf32, #tpu.memory_space<vmem>>[vector<16xi32>, vector<16xi32>], vector<16xf32>,
        %gather3A_597 = tpu.vector_load_idx %arg31[%add3A_544, %broadcast_in_dim3A_596] : memref<128x32xf32, #tpu.memory_space<vmem>>[vector<16xi32>, vector<16xi32>], vector<16xf32>,
        %gather3A_598 = tpu.vector_load_idx %arg32[%add3A_544, %broadcast_in_dim3A_596] : memref<128x32xf32, #tpu.memory_space<vmem>>[vector<16xi32>, vector<16xi32>], vector<16xf32>,
        %gather3A_599 = tpu.vector_load_idx %arg33[%add3A_544, %broadcast_in_dim3A_596] : memref<128x32xf32, #tpu.memory_space<vmem>>[vector<16xi32>, vector<16xi32>], vector<16xf32>,
        %gather3A_600 = tpu.vector_load_idx %arg34[%add3A_544, %broadcast_in_dim3A_596] : memref<128x32xf32, #tpu.memory_space<vmem>>[vector<16xi32>, vector<16xi32>], vector<16xf32>,
        %gather3A_601 = tpu.vector_load_idx %arg35[%add3A_544, %broadcast_in_dim3A_596] : memref<128x32xf32, #tpu.memory_space<vmem>>[vector<16xi32>, vector<16xi32>], vector<16xf32>,
        %gather3A_602 = tpu.vector_load_idx %arg36[%add3A_544, %broadcast_in_dim3A_596] : memref<128x32xf32, #tpu.memory_space<vmem>>[vector<16xi32>, vector<16xi32>], vector<16xf32>,
        %gather3A_603 = tpu.vector_load_idx %arg37[%add3A_544, %broadcast_in_dim3A_596] : memref<128x32xf32, #tpu.memory_space<vmem>>[vector<16xi32>, vector<16xi32>], vector<16xf32>,
        %gather3A_604 = tpu.vector_load_idx %arg38[%add3A_544, %broadcast_in_dim3A_596] : memref<128x32xf32, #tpu.memory_space<vmem>>[vector<16xi32>, vector<16xi32>], vector<16xf32>,
        %gather3A_605 = tpu.vector_load_idx %arg39[%add3A_544, %broadcast_in_dim3A_596] : memref<128x32xf32, #tpu.memory_space<vmem>>[vector<16xi32>, vector<16xi32>], vector<16xf32>,
        %gather3A_606 = tpu.vector_load_idx %arg40[%add3A_544, %broadcast_in_dim3A_596] : memref<128x32xf32, #tpu.memory_space<vmem>>[vector<16xi32>, vector<16xi32>], vector<16xf32>,
        %gather3A_607 = tpu.vector_load_idx %arg41[%add3A_544, %broadcast_in_dim3A_596] : memref<128x32xf32, #tpu.memory_space<vmem>>[vector<16xi32>, vector<16xi32>], vector<16xf32>,
        %add3A_608 = arith.addf %gather3A, %gather3A_597 : vector<16xf32>
        %add3A_609 = arith.addf %gather3A_598, %gather3A_599 : vector<16xf32>
        %add3A_610 = arith.addf %add3A_608, %add3A_609 : vector<16xf32>
        %add3A_611 = arith.addf %gather3A_600, %gather3A_601 : vector<16xf32>
        %add3A_612 = arith.addf %gather3A_602, %gather3A_603 : vector<16xf32>
        %add3A_613 = arith.addf %add3A_611, %add3A_612 : vector<16xf32>
        %add3A_614 = arith.addf %gather3A_604, %gather3A_605 : vector<16xf32>
        %add3A_615 = arith.addf %gather3A_606, %gather3A_607 : vector<16xf32>
        %add3A_616 = arith.addf %add3A_614, %add3A_615 : vector<16xf32>
        %sub3A = arith.subf %add3A_613, %add3A_616 : vector<16xf32>
        %mul3A_617 = arith.mulf %add3A_610, %sub3A : vector<16xf32>
        %add3A_618 = arith.addf %scan3A_583, %mul3A_617 : vector<16xf32>
        %mul3A_619 = arith.mulf %gather3A, %gather3A : vector<16xf32>
        %add3A_620 = arith.addf %scan3A_584, %mul3A_619 : vector<16xf32>
        %mul3A_621 = arith.mulf %gather3A_597, %gather3A_597 : vector<16xf32>
        %add3A_622 = arith.addf %scan3A_585, %mul3A_621 : vector<16xf32>
        %mul3A_623 = arith.mulf %gather3A_598, %gather3A_598 : vector<16xf32>
        %add3A_624 = arith.addf %scan3A_586, %mul3A_623 : vector<16xf32>
        %mul3A_625 = arith.mulf %gather3A_599, %gather3A_599 : vector<16xf32>
        %add3A_626 = arith.addf %scan3A_587, %mul3A_625 : vector<16xf32>
        %mul3A_627 = arith.mulf %gather3A_600, %gather3A_600 : vector<16xf32>
        %add3A_628 = arith.addf %scan3A_588, %mul3A_627 : vector<16xf32>
        %mul3A_629 = arith.mulf %gather3A_601, %gather3A_601 : vector<16xf32>
        %add3A_630 = arith.addf %scan3A_589, %mul3A_629 : vector<16xf32>
        %mul3A_631 = arith.mulf %gather3A_602, %gather3A_602 : vector<16xf32>
        %add3A_632 = arith.addf %scan3A_590, %mul3A_631 : vector<16xf32>
        %mul3A_633 = arith.mulf %gather3A_603, %gather3A_603 : vector<16xf32>
        %add3A_634 = arith.addf %scan3A_591, %mul3A_633 : vector<16xf32>
        %mul3A_635 = arith.mulf %gather3A_604, %gather3A_604 : vector<16xf32>
        %add3A_636 = arith.addf %scan3A_592, %mul3A_635 : vector<16xf32>
        %mul3A_637 = arith.mulf %gather3A_605, %gather3A_605 : vector<16xf32>
        %add3A_638 = arith.addf %scan3A_593, %mul3A_637 : vector<16xf32>
        %mul3A_639 = arith.mulf %gather3A_606, %gather3A_606 : vector<16xf32>
        %add3A_640 = arith.addf %scan3A_594, %mul3A_639 : vector<16xf32>
        %mul3A_641 = arith.mulf %gather3A_607, %gather3A_607 : vector<16xf32>
        %add3A_642 = arith.addf %scan3A_595, %mul3A_641 : vector<16xf32>
        scf.yield %add3A_618, %add3A_620, %add3A_622, %add3A_624, %add3A_626, %add3A_628, %add3A_630, %add3A_632, %add3A_634, %add3A_636, %add3A_638, %add3A_640, %add3A_642 : vector<16xf32>, vector<16xf32>, vector<16xf32>, vector<16xf32>, vector<16xf32>, vector<16xf32>, vector<16xf32>, vector<16xf32>, vector<16xf32>, vector<16xf32>, vector<16xf32>, vector<16xf32>, vector<16xf32>
      }
      %scan3A_551 = arith.constant 32 : i32
      %mul3A_552 = arith.constant 16 : i32
      %mul3A_553 = arith.muli %scan3A_539, %mul3A_552 : i32
      %add3A_554 = arith.constant 128 : i32
      %add3A_555 = arith.addi %add3A_554, %mul3A_553 : i32
      %swap3A = arith.index_cast %add3A_555 : i32 to index
      %swap3A_556 = tpu.vector_load %arg42[%swap3A] {strides = array<i32>} : memref<512xf32, #tpu.memory_space<vmem>>, vector<16xf32>,
      tpu.vector_store %arg42[%swap3A], %scan3A_550#0 {strides = array<i32>} : memref<512xf32, #tpu.memory_space<vmem>>, vector<16xf32>,
      %swap3A_557 = arith.index_cast %add3A_555 : i32 to index
      %swap3A_558 = tpu.vector_load %arg43[%swap3A_557] {strides = array<i32>} : memref<512xf32, #tpu.memory_space<vmem>>, vector<16xf32>,
      tpu.vector_store %arg43[%swap3A_557], %scan3A_550#1 {strides = array<i32>} : memref<512xf32, #tpu.memory_space<vmem>>, vector<16xf32>,
      %swap3A_559 = arith.index_cast %add3A_555 : i32 to index
      %swap3A_560 = tpu.vector_load %arg44[%swap3A_559] {strides = array<i32>} : memref<512xf32, #tpu.memory_space<vmem>>, vector<16xf32>,
      tpu.vector_store %arg44[%swap3A_559], %scan3A_550#2 {strides = array<i32>} : memref<512xf32, #tpu.memory_space<vmem>>, vector<16xf32>,
      %swap3A_561 = arith.index_cast %add3A_555 : i32 to index
      %swap3A_562 = tpu.vector_load %arg45[%swap3A_561] {strides = array<i32>} : memref<512xf32, #tpu.memory_space<vmem>>, vector<16xf32>,
      tpu.vector_store %arg45[%swap3A_561], %scan3A_550#3 {strides = array<i32>} : memref<512xf32, #tpu.memory_space<vmem>>, vector<16xf32>,
      %swap3A_563 = arith.index_cast %add3A_555 : i32 to index
      %swap3A_564 = tpu.vector_load %arg46[%swap3A_563] {strides = array<i32>} : memref<512xf32, #tpu.memory_space<vmem>>, vector<16xf32>,
      tpu.vector_store %arg46[%swap3A_563], %scan3A_550#4 {strides = array<i32>} : memref<512xf32, #tpu.memory_space<vmem>>, vector<16xf32>,
      %swap3A_565 = arith.index_cast %add3A_555 : i32 to index
      %swap3A_566 = tpu.vector_load %arg47[%swap3A_565] {strides = array<i32>} : memref<512xf32, #tpu.memory_space<vmem>>, vector<16xf32>,
      tpu.vector_store %arg47[%swap3A_565], %scan3A_550#5 {strides = array<i32>} : memref<512xf32, #tpu.memory_space<vmem>>, vector<16xf32>,
      %swap3A_567 = arith.index_cast %add3A_555 : i32 to index
      %swap3A_568 = tpu.vector_load %arg48[%swap3A_567] {strides = array<i32>} : memref<512xf32, #tpu.memory_space<vmem>>, vector<16xf32>,
      tpu.vector_store %arg48[%swap3A_567], %scan3A_550#6 {strides = array<i32>} : memref<512xf32, #tpu.memory_space<vmem>>, vector<16xf32>,
      %swap3A_569 = arith.index_cast %add3A_555 : i32 to index
      %swap3A_570 = tpu.vector_load %arg49[%swap3A_569] {strides = array<i32>} : memref<512xf32, #tpu.memory_space<vmem>>, vector<16xf32>,
      tpu.vector_store %arg49[%swap3A_569], %scan3A_550#7 {strides = array<i32>} : memref<512xf32, #tpu.memory_space<vmem>>, vector<16xf32>,
      %swap3A_571 = arith.index_cast %add3A_555 : i32 to index
      %swap3A_572 = tpu.vector_load %arg50[%swap3A_571] {strides = array<i32>} : memref<512xf32, #tpu.memory_space<vmem>>, vector<16xf32>,
      tpu.vector_store %arg50[%swap3A_571], %scan3A_550#8 {strides = array<i32>} : memref<512xf32, #tpu.memory_space<vmem>>, vector<16xf32>,
      %swap3A_573 = arith.index_cast %add3A_555 : i32 to index
      %swap3A_574 = tpu.vector_load %arg51[%swap3A_573] {strides = array<i32>} : memref<512xf32, #tpu.memory_space<vmem>>, vector<16xf32>,
      tpu.vector_store %arg51[%swap3A_573], %scan3A_550#9 {strides = array<i32>} : memref<512xf32, #tpu.memory_space<vmem>>, vector<16xf32>,
      %swap3A_575 = arith.index_cast %add3A_555 : i32 to index
      %swap3A_576 = tpu.vector_load %arg52[%swap3A_575] {strides = array<i32>} : memref<512xf32, #tpu.memory_space<vmem>>, vector<16xf32>,
      tpu.vector_store %arg52[%swap3A_575], %scan3A_550#10 {strides = array<i32>} : memref<512xf32, #tpu.memory_space<vmem>>, vector<16xf32>,
      %swap3A_577 = arith.index_cast %add3A_555 : i32 to index
      %swap3A_578 = tpu.vector_load %arg53[%swap3A_577] {strides = array<i32>} : memref<512xf32, #tpu.memory_space<vmem>>, vector<16xf32>,
      tpu.vector_store %arg53[%swap3A_577], %scan3A_550#11 {strides = array<i32>} : memref<512xf32, #tpu.memory_space<vmem>>, vector<16xf32>,
      %swap3A_579 = arith.index_cast %add3A_555 : i32 to index
      %swap3A_580 = tpu.vector_load %arg54[%swap3A_579] {strides = array<i32>} : memref<512xf32, #tpu.memory_space<vmem>>, vector<16xf32>,
      tpu.vector_store %arg54[%swap3A_579], %scan3A_550#12 {strides = array<i32>} : memref<512xf32, #tpu.memory_space<vmem>>, vector<16xf32>,
      %scan3A_581 = arith.constant 0 : i32
      scf.yield %scan3A_581 : i32
    }
    %scan3A_260 = arith.constant 8 : i32
    %dma_start3A_261 = arith.constant 256 : i32
    %dma_start3A_262 = tpu.memref_slice %arg16[%dma_start3A_261] : memref<512xi32, #tpu.memory_space<vmem>> -> memref<128xi32, #tpu.memory_space<vmem>>
    %dma_start3A_263 = arith.constant 0 : i32
    %dma_start3A_264 = arith.constant 0 : i32
    %dma_start3A_265 = tpu.memref_slice %arg10[%dma_start3A_263, %dma_start3A_264] : memref<1000000x32xf32, #tpu.memory_space<hbm>> -> memref<1000000x32xf32, #tpu.memory_space<hbm>>
    tpu.enqueue_indirect_dma source(%dma_start3A_265 : memref<1000000x32xf32, #tpu.memory_space<hbm>>) target(%arg30 : memref<128x32xf32, #tpu.memory_space<vmem>>) offsets(%dma_start3A_262 : memref<128xi32, #tpu.memory_space<vmem>>) semaphore(%arg55 : memref<!tpu.dma_semaphore, #tpu.memory_space<semaphore_mem>>)
    %dma_start3A_266 = arith.constant 256 : i32
    %dma_start3A_267 = tpu.memref_slice %arg24[%dma_start3A_266] : memref<512xi32, #tpu.memory_space<vmem>> -> memref<128xi32, #tpu.memory_space<vmem>>
    %dma_start3A_268 = arith.constant 0 : i32
    %dma_start3A_269 = arith.constant 0 : i32
    %dma_start3A_270 = tpu.memref_slice %arg12[%dma_start3A_268, %dma_start3A_269] : memref<3000000x32xf32, #tpu.memory_space<hbm>> -> memref<3000000x32xf32, #tpu.memory_space<hbm>>
    tpu.enqueue_indirect_dma source(%dma_start3A_270 : memref<3000000x32xf32, #tpu.memory_space<hbm>>) target(%arg31 : memref<128x32xf32, #tpu.memory_space<vmem>>) offsets(%dma_start3A_267 : memref<128xi32, #tpu.memory_space<vmem>>) semaphore(%arg55 : memref<!tpu.dma_semaphore, #tpu.memory_space<semaphore_mem>>)
    %dma_start3A_271 = arith.constant 256 : i32
    %dma_start3A_272 = tpu.memref_slice %arg17[%dma_start3A_271] : memref<512xi32, #tpu.memory_space<vmem>> -> memref<128xi32, #tpu.memory_space<vmem>>
    %dma_start3A_273 = arith.constant 0 : i32
    %dma_start3A_274 = arith.constant 0 : i32
    %dma_start3A_275 = tpu.memref_slice %arg11[%dma_start3A_273, %dma_start3A_274] : memref<100000x32xf32, #tpu.memory_space<hbm>> -> memref<100000x32xf32, #tpu.memory_space<hbm>>
    tpu.enqueue_indirect_dma source(%dma_start3A_275 : memref<100000x32xf32, #tpu.memory_space<hbm>>) target(%arg32 : memref<128x32xf32, #tpu.memory_space<vmem>>) offsets(%dma_start3A_272 : memref<128xi32, #tpu.memory_space<vmem>>) semaphore(%arg55 : memref<!tpu.dma_semaphore, #tpu.memory_space<semaphore_mem>>)
    %dma_start3A_276 = arith.constant 256 : i32
    %dma_start3A_277 = tpu.memref_slice %arg25[%dma_start3A_276] : memref<512xi32, #tpu.memory_space<vmem>> -> memref<128xi32, #tpu.memory_space<vmem>>
    %dma_start3A_278 = arith.constant 0 : i32
    %dma_start3A_279 = arith.constant 0 : i32
    %dma_start3A_280 = tpu.memref_slice %arg13[%dma_start3A_278, %dma_start3A_279] : memref<300000x32xf32, #tpu.memory_space<hbm>> -> memref<300000x32xf32, #tpu.memory_space<hbm>>
    tpu.enqueue_indirect_dma source(%dma_start3A_280 : memref<300000x32xf32, #tpu.memory_space<hbm>>) target(%arg33 : memref<128x32xf32, #tpu.memory_space<vmem>>) offsets(%dma_start3A_277 : memref<128xi32, #tpu.memory_space<vmem>>) semaphore(%arg55 : memref<!tpu.dma_semaphore, #tpu.memory_space<semaphore_mem>>)
    %dma_start3A_281 = arith.constant 256 : i32
    %dma_start3A_282 = tpu.memref_slice %arg18[%dma_start3A_281] : memref<512xi32, #tpu.memory_space<vmem>> -> memref<128xi32, #tpu.memory_space<vmem>>
    %dma_start3A_283 = arith.constant 0 : i32
    %dma_start3A_284 = arith.constant 0 : i32
    %dma_start3A_285 = tpu.memref_slice %arg10[%dma_start3A_283, %dma_start3A_284] : memref<1000000x32xf32, #tpu.memory_space<hbm>> -> memref<1000000x32xf32, #tpu.memory_space<hbm>>
    tpu.enqueue_indirect_dma source(%dma_start3A_285 : memref<1000000x32xf32, #tpu.memory_space<hbm>>) target(%arg34 : memref<128x32xf32, #tpu.memory_space<vmem>>) offsets(%dma_start3A_282 : memref<128xi32, #tpu.memory_space<vmem>>) semaphore(%arg55 : memref<!tpu.dma_semaphore, #tpu.memory_space<semaphore_mem>>)
    %dma_start3A_286 = arith.constant 256 : i32
    %dma_start3A_287 = tpu.memref_slice %arg26[%dma_start3A_286] : memref<512xi32, #tpu.memory_space<vmem>> -> memref<128xi32, #tpu.memory_space<vmem>>
    %dma_start3A_288 = arith.constant 0 : i32
    %dma_start3A_289 = arith.constant 0 : i32
    %dma_start3A_290 = tpu.memref_slice %arg12[%dma_start3A_288, %dma_start3A_289] : memref<3000000x32xf32, #tpu.memory_space<hbm>> -> memref<3000000x32xf32, #tpu.memory_space<hbm>>
    tpu.enqueue_indirect_dma source(%dma_start3A_290 : memref<3000000x32xf32, #tpu.memory_space<hbm>>) target(%arg35 : memref<128x32xf32, #tpu.memory_space<vmem>>) offsets(%dma_start3A_287 : memref<128xi32, #tpu.memory_space<vmem>>) semaphore(%arg55 : memref<!tpu.dma_semaphore, #tpu.memory_space<semaphore_mem>>)
    %dma_start3A_291 = arith.constant 256 : i32
    %dma_start3A_292 = tpu.memref_slice %arg19[%dma_start3A_291] : memref<512xi32, #tpu.memory_space<vmem>> -> memref<128xi32, #tpu.memory_space<vmem>>
    %dma_start3A_293 = arith.constant 0 : i32
    %dma_start3A_294 = arith.constant 0 : i32
    %dma_start3A_295 = tpu.memref_slice %arg11[%dma_start3A_293, %dma_start3A_294] : memref<100000x32xf32, #tpu.memory_space<hbm>> -> memref<100000x32xf32, #tpu.memory_space<hbm>>
    tpu.enqueue_indirect_dma source(%dma_start3A_295 : memref<100000x32xf32, #tpu.memory_space<hbm>>) target(%arg36 : memref<128x32xf32, #tpu.memory_space<vmem>>) offsets(%dma_start3A_292 : memref<128xi32, #tpu.memory_space<vmem>>) semaphore(%arg55 : memref<!tpu.dma_semaphore, #tpu.memory_space<semaphore_mem>>)
    %dma_start3A_296 = arith.constant 256 : i32
    %dma_start3A_297 = tpu.memref_slice %arg27[%dma_start3A_296] : memref<512xi32, #tpu.memory_space<vmem>> -> memref<128xi32, #tpu.memory_space<vmem>>
    %dma_start3A_298 = arith.constant 0 : i32
    %dma_start3A_299 = arith.constant 0 : i32
    %dma_start3A_300 = tpu.memref_slice %arg13[%dma_start3A_298, %dma_start3A_299] : memref<300000x32xf32, #tpu.memory_space<hbm>> -> memref<300000x32xf32, #tpu.memory_space<hbm>>
    tpu.enqueue_indirect_dma source(%dma_start3A_300 : memref<300000x32xf32, #tpu.memory_space<hbm>>) target(%arg37 : memref<128x32xf32, #tpu.memory_space<vmem>>) offsets(%dma_start3A_297 : memref<128xi32, #tpu.memory_space<vmem>>) semaphore(%arg55 : memref<!tpu.dma_semaphore, #tpu.memory_space<semaphore_mem>>)
    %dma_start3A_301 = arith.constant 256 : i32
    %dma_start3A_302 = tpu.memref_slice %arg20[%dma_start3A_301] : memref<512xi32, #tpu.memory_space<vmem>> -> memref<128xi32, #tpu.memory_space<vmem>>
    %dma_start3A_303 = arith.constant 0 : i32
    %dma_start3A_304 = arith.constant 0 : i32
    %dma_start3A_305 = tpu.memref_slice %arg10[%dma_start3A_303, %dma_start3A_304] : memref<1000000x32xf32, #tpu.memory_space<hbm>> -> memref<1000000x32xf32, #tpu.memory_space<hbm>>
    tpu.enqueue_indirect_dma source(%dma_start3A_305 : memref<1000000x32xf32, #tpu.memory_space<hbm>>) target(%arg38 : memref<128x32xf32, #tpu.memory_space<vmem>>) offsets(%dma_start3A_302 : memref<128xi32, #tpu.memory_space<vmem>>) semaphore(%arg55 : memref<!tpu.dma_semaphore, #tpu.memory_space<semaphore_mem>>)
    %dma_start3A_306 = arith.constant 256 : i32
    %dma_start3A_307 = tpu.memref_slice %arg28[%dma_start3A_306] : memref<512xi32, #tpu.memory_space<vmem>> -> memref<128xi32, #tpu.memory_space<vmem>>
    %dma_start3A_308 = arith.constant 0 : i32
    %dma_start3A_309 = arith.constant 0 : i32
    %dma_start3A_310 = tpu.memref_slice %arg12[%dma_start3A_308, %dma_start3A_309] : memref<3000000x32xf32, #tpu.memory_space<hbm>> -> memref<3000000x32xf32, #tpu.memory_space<hbm>>
    tpu.enqueue_indirect_dma source(%dma_start3A_310 : memref<3000000x32xf32, #tpu.memory_space<hbm>>) target(%arg39 : memref<128x32xf32, #tpu.memory_space<vmem>>) offsets(%dma_start3A_307 : memref<128xi32, #tpu.memory_space<vmem>>) semaphore(%arg55 : memref<!tpu.dma_semaphore, #tpu.memory_space<semaphore_mem>>)
    %dma_start3A_311 = arith.constant 256 : i32
    %dma_start3A_312 = tpu.memref_slice %arg21[%dma_start3A_311] : memref<512xi32, #tpu.memory_space<vmem>> -> memref<128xi32, #tpu.memory_space<vmem>>
    %dma_start3A_313 = arith.constant 0 : i32
    %dma_start3A_314 = arith.constant 0 : i32
    %dma_start3A_315 = tpu.memref_slice %arg11[%dma_start3A_313, %dma_start3A_314] : memref<100000x32xf32, #tpu.memory_space<hbm>> -> memref<100000x32xf32, #tpu.memory_space<hbm>>
    tpu.enqueue_indirect_dma source(%dma_start3A_315 : memref<100000x32xf32, #tpu.memory_space<hbm>>) target(%arg40 : memref<128x32xf32, #tpu.memory_space<vmem>>) offsets(%dma_start3A_312 : memref<128xi32, #tpu.memory_space<vmem>>) semaphore(%arg55 : memref<!tpu.dma_semaphore, #tpu.memory_space<semaphore_mem>>)
    %dma_start3A_316 = arith.constant 256 : i32
    %dma_start3A_317 = tpu.memref_slice %arg29[%dma_start3A_316] : memref<512xi32, #tpu.memory_space<vmem>> -> memref<128xi32, #tpu.memory_space<vmem>>
    %dma_start3A_318 = arith.constant 0 : i32
    %dma_start3A_319 = arith.constant 0 : i32
    %dma_start3A_320 = tpu.memref_slice %arg13[%dma_start3A_318, %dma_start3A_319] : memref<300000x32xf32, #tpu.memory_space<hbm>> -> memref<300000x32xf32, #tpu.memory_space<hbm>>
    tpu.enqueue_indirect_dma source(%dma_start3A_320 : memref<300000x32xf32, #tpu.memory_space<hbm>>) target(%arg41 : memref<128x32xf32, #tpu.memory_space<vmem>>) offsets(%dma_start3A_317 : memref<128xi32, #tpu.memory_space<vmem>>) semaphore(%arg55 : memref<!tpu.dma_semaphore, #tpu.memory_space<semaphore_mem>>)
    %dma_wait3A_321 = arith.constant 256 : i32
    %dma_wait3A_322 = tpu.memref_slice %arg16[%dma_wait3A_321] : memref<512xi32, #tpu.memory_space<vmem>> -> memref<128xi32, #tpu.memory_space<vmem>>
    %dma_wait3A_323 = arith.constant 0 : i32
    %dma_wait3A_324 = arith.constant 0 : i32
    %dma_wait3A_325 = tpu.memref_slice %arg10[%dma_wait3A_323, %dma_wait3A_324] : memref<1000000x32xf32, #tpu.memory_space<hbm>> -> memref<1000000x32xf32, #tpu.memory_space<hbm>>
    tpu.wait_indirect_dma semaphore(%arg55 : memref<!tpu.dma_semaphore, #tpu.memory_space<semaphore_mem>>) src(%dma_wait3A_325 : memref<1000000x32xf32, #tpu.memory_space<hbm>>) dst(%arg30 : memref<128x32xf32, #tpu.memory_space<vmem>>)
    %dma_wait3A_326 = arith.constant 256 : i32
    %dma_wait3A_327 = tpu.memref_slice %arg24[%dma_wait3A_326] : memref<512xi32, #tpu.memory_space<vmem>> -> memref<128xi32, #tpu.memory_space<vmem>>
    %dma_wait3A_328 = arith.constant 0 : i32
    %dma_wait3A_329 = arith.constant 0 : i32
    %dma_wait3A_330 = tpu.memref_slice %arg12[%dma_wait3A_328, %dma_wait3A_329] : memref<3000000x32xf32, #tpu.memory_space<hbm>> -> memref<3000000x32xf32, #tpu.memory_space<hbm>>
    tpu.wait_indirect_dma semaphore(%arg55 : memref<!tpu.dma_semaphore, #tpu.memory_space<semaphore_mem>>) src(%dma_wait3A_330 : memref<3000000x32xf32, #tpu.memory_space<hbm>>) dst(%arg31 : memref<128x32xf32, #tpu.memory_space<vmem>>)
    %dma_wait3A_331 = arith.constant 256 : i32
    %dma_wait3A_332 = tpu.memref_slice %arg17[%dma_wait3A_331] : memref<512xi32, #tpu.memory_space<vmem>> -> memref<128xi32, #tpu.memory_space<vmem>>
    %dma_wait3A_333 = arith.constant 0 : i32
    %dma_wait3A_334 = arith.constant 0 : i32
    %dma_wait3A_335 = tpu.memref_slice %arg11[%dma_wait3A_333, %dma_wait3A_334] : memref<100000x32xf32, #tpu.memory_space<hbm>> -> memref<100000x32xf32, #tpu.memory_space<hbm>>
    tpu.wait_indirect_dma semaphore(%arg55 : memref<!tpu.dma_semaphore, #tpu.memory_space<semaphore_mem>>) src(%dma_wait3A_335 : memref<100000x32xf32, #tpu.memory_space<hbm>>) dst(%arg32 : memref<128x32xf32, #tpu.memory_space<vmem>>)
    %dma_wait3A_336 = arith.constant 256 : i32
    %dma_wait3A_337 = tpu.memref_slice %arg25[%dma_wait3A_336] : memref<512xi32, #tpu.memory_space<vmem>> -> memref<128xi32, #tpu.memory_space<vmem>>
    %dma_wait3A_338 = arith.constant 0 : i32
    %dma_wait3A_339 = arith.constant 0 : i32
    %dma_wait3A_340 = tpu.memref_slice %arg13[%dma_wait3A_338, %dma_wait3A_339] : memref<300000x32xf32, #tpu.memory_space<hbm>> -> memref<300000x32xf32, #tpu.memory_space<hbm>>
    tpu.wait_indirect_dma semaphore(%arg55 : memref<!tpu.dma_semaphore, #tpu.memory_space<semaphore_mem>>) src(%dma_wait3A_340 : memref<300000x32xf32, #tpu.memory_space<hbm>>) dst(%arg33 : memref<128x32xf32, #tpu.memory_space<vmem>>)
    %dma_wait3A_341 = arith.constant 256 : i32
    %dma_wait3A_342 = tpu.memref_slice %arg18[%dma_wait3A_341] : memref<512xi32, #tpu.memory_space<vmem>> -> memref<128xi32, #tpu.memory_space<vmem>>
    %dma_wait3A_343 = arith.constant 0 : i32
    %dma_wait3A_344 = arith.constant 0 : i32
    %dma_wait3A_345 = tpu.memref_slice %arg10[%dma_wait3A_343, %dma_wait3A_344] : memref<1000000x32xf32, #tpu.memory_space<hbm>> -> memref<1000000x32xf32, #tpu.memory_space<hbm>>
    tpu.wait_indirect_dma semaphore(%arg55 : memref<!tpu.dma_semaphore, #tpu.memory_space<semaphore_mem>>) src(%dma_wait3A_345 : memref<1000000x32xf32, #tpu.memory_space<hbm>>) dst(%arg34 : memref<128x32xf32, #tpu.memory_space<vmem>>)
    %dma_wait3A_346 = arith.constant 256 : i32
    %dma_wait3A_347 = tpu.memref_slice %arg26[%dma_wait3A_346] : memref<512xi32, #tpu.memory_space<vmem>> -> memref<128xi32, #tpu.memory_space<vmem>>
    %dma_wait3A_348 = arith.constant 0 : i32
    %dma_wait3A_349 = arith.constant 0 : i32
    %dma_wait3A_350 = tpu.memref_slice %arg12[%dma_wait3A_348, %dma_wait3A_349] : memref<3000000x32xf32, #tpu.memory_space<hbm>> -> memref<3000000x32xf32, #tpu.memory_space<hbm>>
    tpu.wait_indirect_dma semaphore(%arg55 : memref<!tpu.dma_semaphore, #tpu.memory_space<semaphore_mem>>) src(%dma_wait3A_350 : memref<3000000x32xf32, #tpu.memory_space<hbm>>) dst(%arg35 : memref<128x32xf32, #tpu.memory_space<vmem>>)
    %dma_wait3A_351 = arith.constant 256 : i32
    %dma_wait3A_352 = tpu.memref_slice %arg19[%dma_wait3A_351] : memref<512xi32, #tpu.memory_space<vmem>> -> memref<128xi32, #tpu.memory_space<vmem>>
    %dma_wait3A_353 = arith.constant 0 : i32
    %dma_wait3A_354 = arith.constant 0 : i32
    %dma_wait3A_355 = tpu.memref_slice %arg11[%dma_wait3A_353, %dma_wait3A_354] : memref<100000x32xf32, #tpu.memory_space<hbm>> -> memref<100000x32xf32, #tpu.memory_space<hbm>>
    tpu.wait_indirect_dma semaphore(%arg55 : memref<!tpu.dma_semaphore, #tpu.memory_space<semaphore_mem>>) src(%dma_wait3A_355 : memref<100000x32xf32, #tpu.memory_space<hbm>>) dst(%arg36 : memref<128x32xf32, #tpu.memory_space<vmem>>)
    %dma_wait3A_356 = arith.constant 256 : i32
    %dma_wait3A_357 = tpu.memref_slice %arg27[%dma_wait3A_356] : memref<512xi32, #tpu.memory_space<vmem>> -> memref<128xi32, #tpu.memory_space<vmem>>
    %dma_wait3A_358 = arith.constant 0 : i32
    %dma_wait3A_359 = arith.constant 0 : i32
    %dma_wait3A_360 = tpu.memref_slice %arg13[%dma_wait3A_358, %dma_wait3A_359] : memref<300000x32xf32, #tpu.memory_space<hbm>> -> memref<300000x32xf32, #tpu.memory_space<hbm>>
    tpu.wait_indirect_dma semaphore(%arg55 : memref<!tpu.dma_semaphore, #tpu.memory_space<semaphore_mem>>) src(%dma_wait3A_360 : memref<300000x32xf32, #tpu.memory_space<hbm>>) dst(%arg37 : memref<128x32xf32, #tpu.memory_space<vmem>>)
    %dma_wait3A_361 = arith.constant 256 : i32
    %dma_wait3A_362 = tpu.memref_slice %arg20[%dma_wait3A_361] : memref<512xi32, #tpu.memory_space<vmem>> -> memref<128xi32, #tpu.memory_space<vmem>>
    %dma_wait3A_363 = arith.constant 0 : i32
    %dma_wait3A_364 = arith.constant 0 : i32
    %dma_wait3A_365 = tpu.memref_slice %arg10[%dma_wait3A_363, %dma_wait3A_364] : memref<1000000x32xf32, #tpu.memory_space<hbm>> -> memref<1000000x32xf32, #tpu.memory_space<hbm>>
    tpu.wait_indirect_dma semaphore(%arg55 : memref<!tpu.dma_semaphore, #tpu.memory_space<semaphore_mem>>) src(%dma_wait3A_365 : memref<1000000x32xf32, #tpu.memory_space<hbm>>) dst(%arg38 : memref<128x32xf32, #tpu.memory_space<vmem>>)
    %dma_wait3A_366 = arith.constant 256 : i32
    %dma_wait3A_367 = tpu.memref_slice %arg28[%dma_wait3A_366] : memref<512xi32, #tpu.memory_space<vmem>> -> memref<128xi32, #tpu.memory_space<vmem>>
    %dma_wait3A_368 = arith.constant 0 : i32
    %dma_wait3A_369 = arith.constant 0 : i32
    %dma_wait3A_370 = tpu.memref_slice %arg12[%dma_wait3A_368, %dma_wait3A_369] : memref<3000000x32xf32, #tpu.memory_space<hbm>> -> memref<3000000x32xf32, #tpu.memory_space<hbm>>
    tpu.wait_indirect_dma semaphore(%arg55 : memref<!tpu.dma_semaphore, #tpu.memory_space<semaphore_mem>>) src(%dma_wait3A_370 : memref<3000000x32xf32, #tpu.memory_space<hbm>>) dst(%arg39 : memref<128x32xf32, #tpu.memory_space<vmem>>)
    %dma_wait3A_371 = arith.constant 256 : i32
    %dma_wait3A_372 = tpu.memref_slice %arg21[%dma_wait3A_371] : memref<512xi32, #tpu.memory_space<vmem>> -> memref<128xi32, #tpu.memory_space<vmem>>
    %dma_wait3A_373 = arith.constant 0 : i32
    %dma_wait3A_374 = arith.constant 0 : i32
    %dma_wait3A_375 = tpu.memref_slice %arg11[%dma_wait3A_373, %dma_wait3A_374] : memref<100000x32xf32, #tpu.memory_space<hbm>> -> memref<100000x32xf32, #tpu.memory_space<hbm>>
    tpu.wait_indirect_dma semaphore(%arg55 : memref<!tpu.dma_semaphore, #tpu.memory_space<semaphore_mem>>) src(%dma_wait3A_375 : memref<100000x32xf32, #tpu.memory_space<hbm>>) dst(%arg40 : memref<128x32xf32, #tpu.memory_space<vmem>>)
    %dma_wait3A_376 = arith.constant 256 : i32
    %dma_wait3A_377 = tpu.memref_slice %arg29[%dma_wait3A_376] : memref<512xi32, #tpu.memory_space<vmem>> -> memref<128xi32, #tpu.memory_space<vmem>>
    %dma_wait3A_378 = arith.constant 0 : i32
    %dma_wait3A_379 = arith.constant 0 : i32
    %dma_wait3A_380 = tpu.memref_slice %arg13[%dma_wait3A_378, %dma_wait3A_379] : memref<300000x32xf32, #tpu.memory_space<hbm>> -> memref<300000x32xf32, #tpu.memory_space<hbm>>
    tpu.wait_indirect_dma semaphore(%arg55 : memref<!tpu.dma_semaphore, #tpu.memory_space<semaphore_mem>>) src(%dma_wait3A_380 : memref<300000x32xf32, #tpu.memory_space<hbm>>) dst(%arg41 : memref<128x32xf32, #tpu.memory_space<vmem>>)
    %scan3A_381 = arith.constant 0 : i32
    %scan3A_382 = arith.constant 0 : i32
    %scan3A_383 = arith.constant 8 : i32
    %scan3A_384 = arith.addi %scan3A_382, %scan3A_383 : i32
    %scan3A_385 = arith.constant 1 : i32
    %scan3A_386 = scf.for %scan3A_539 = %scan3A_382 to %scan3A_384 step %scan3A_385 iter_args(%scan3A_540 = %scan3A_381) -> (i32)  : i32 {
      %mul3A_541 = arith.constant 16 : i32
      %mul3A_542 = arith.muli %scan3A_539, %mul3A_541 : i32
      %add3A_543 = vector.broadcast %mul3A_542 : i32 to vector<16xi32>
      %add3A_544 = arith.addi %add3A_543, %iota3A : vector<16xi32>
      %broadcast_in_dim3A = arith.constant 0.000000e+00 : f32
      %broadcast_in_dim3A_545 = vector.broadcast %broadcast_in_dim3A : f32 to vector<16xf32>
      %scan3A_546 = arith.constant 0 : i32
      %scan3A_547 = arith.constant 32 : i32
      %scan3A_548 = arith.addi %scan3A_546, %scan3A_547 : i32
      %scan3A_549 = arith.constant 1 : i32
      %scan3A_550:13 = scf.for %scan3A_582 = %scan3A_546 to %scan3A_548 step %scan3A_549 iter_args(%scan3A_583 = %broadcast_in_dim3A_545, %scan3A_584 = %broadcast_in_dim3A_545, %scan3A_585 = %broadcast_in_dim3A_545, %scan3A_586 = %broadcast_in_dim3A_545, %scan3A_587 = %broadcast_in_dim3A_545, %scan3A_588 = %broadcast_in_dim3A_545, %scan3A_589 = %broadcast_in_dim3A_545, %scan3A_590 = %broadcast_in_dim3A_545, %scan3A_591 = %broadcast_in_dim3A_545, %scan3A_592 = %broadcast_in_dim3A_545, %scan3A_593 = %broadcast_in_dim3A_545, %scan3A_594 = %broadcast_in_dim3A_545, %scan3A_595 = %broadcast_in_dim3A_545) -> (vector<16xf32>, vector<16xf32>, vector<16xf32>, vector<16xf32>, vector<16xf32>, vector<16xf32>, vector<16xf32>, vector<16xf32>, vector<16xf32>, vector<16xf32>, vector<16xf32>, vector<16xf32>, vector<16xf32>)  : i32 {
        %broadcast_in_dim3A_596 = vector.broadcast %scan3A_582 : i32 to vector<16xi32>
        %gather3A = tpu.vector_load_idx %arg30[%add3A_544, %broadcast_in_dim3A_596] : memref<128x32xf32, #tpu.memory_space<vmem>>[vector<16xi32>, vector<16xi32>], vector<16xf32>,
        %gather3A_597 = tpu.vector_load_idx %arg31[%add3A_544, %broadcast_in_dim3A_596] : memref<128x32xf32, #tpu.memory_space<vmem>>[vector<16xi32>, vector<16xi32>], vector<16xf32>,
        %gather3A_598 = tpu.vector_load_idx %arg32[%add3A_544, %broadcast_in_dim3A_596] : memref<128x32xf32, #tpu.memory_space<vmem>>[vector<16xi32>, vector<16xi32>], vector<16xf32>,
        %gather3A_599 = tpu.vector_load_idx %arg33[%add3A_544, %broadcast_in_dim3A_596] : memref<128x32xf32, #tpu.memory_space<vmem>>[vector<16xi32>, vector<16xi32>], vector<16xf32>,
        %gather3A_600 = tpu.vector_load_idx %arg34[%add3A_544, %broadcast_in_dim3A_596] : memref<128x32xf32, #tpu.memory_space<vmem>>[vector<16xi32>, vector<16xi32>], vector<16xf32>,
        %gather3A_601 = tpu.vector_load_idx %arg35[%add3A_544, %broadcast_in_dim3A_596] : memref<128x32xf32, #tpu.memory_space<vmem>>[vector<16xi32>, vector<16xi32>], vector<16xf32>,
        %gather3A_602 = tpu.vector_load_idx %arg36[%add3A_544, %broadcast_in_dim3A_596] : memref<128x32xf32, #tpu.memory_space<vmem>>[vector<16xi32>, vector<16xi32>], vector<16xf32>,
        %gather3A_603 = tpu.vector_load_idx %arg37[%add3A_544, %broadcast_in_dim3A_596] : memref<128x32xf32, #tpu.memory_space<vmem>>[vector<16xi32>, vector<16xi32>], vector<16xf32>,
        %gather3A_604 = tpu.vector_load_idx %arg38[%add3A_544, %broadcast_in_dim3A_596] : memref<128x32xf32, #tpu.memory_space<vmem>>[vector<16xi32>, vector<16xi32>], vector<16xf32>,
        %gather3A_605 = tpu.vector_load_idx %arg39[%add3A_544, %broadcast_in_dim3A_596] : memref<128x32xf32, #tpu.memory_space<vmem>>[vector<16xi32>, vector<16xi32>], vector<16xf32>,
        %gather3A_606 = tpu.vector_load_idx %arg40[%add3A_544, %broadcast_in_dim3A_596] : memref<128x32xf32, #tpu.memory_space<vmem>>[vector<16xi32>, vector<16xi32>], vector<16xf32>,
        %gather3A_607 = tpu.vector_load_idx %arg41[%add3A_544, %broadcast_in_dim3A_596] : memref<128x32xf32, #tpu.memory_space<vmem>>[vector<16xi32>, vector<16xi32>], vector<16xf32>,
        %add3A_608 = arith.addf %gather3A, %gather3A_597 : vector<16xf32>
        %add3A_609 = arith.addf %gather3A_598, %gather3A_599 : vector<16xf32>
        %add3A_610 = arith.addf %add3A_608, %add3A_609 : vector<16xf32>
        %add3A_611 = arith.addf %gather3A_600, %gather3A_601 : vector<16xf32>
        %add3A_612 = arith.addf %gather3A_602, %gather3A_603 : vector<16xf32>
        %add3A_613 = arith.addf %add3A_611, %add3A_612 : vector<16xf32>
        %add3A_614 = arith.addf %gather3A_604, %gather3A_605 : vector<16xf32>
        %add3A_615 = arith.addf %gather3A_606, %gather3A_607 : vector<16xf32>
        %add3A_616 = arith.addf %add3A_614, %add3A_615 : vector<16xf32>
        %sub3A = arith.subf %add3A_613, %add3A_616 : vector<16xf32>
        %mul3A_617 = arith.mulf %add3A_610, %sub3A : vector<16xf32>
        %add3A_618 = arith.addf %scan3A_583, %mul3A_617 : vector<16xf32>
        %mul3A_619 = arith.mulf %gather3A, %gather3A : vector<16xf32>
        %add3A_620 = arith.addf %scan3A_584, %mul3A_619 : vector<16xf32>
        %mul3A_621 = arith.mulf %gather3A_597, %gather3A_597 : vector<16xf32>
        %add3A_622 = arith.addf %scan3A_585, %mul3A_621 : vector<16xf32>
        %mul3A_623 = arith.mulf %gather3A_598, %gather3A_598 : vector<16xf32>
        %add3A_624 = arith.addf %scan3A_586, %mul3A_623 : vector<16xf32>
        %mul3A_625 = arith.mulf %gather3A_599, %gather3A_599 : vector<16xf32>
        %add3A_626 = arith.addf %scan3A_587, %mul3A_625 : vector<16xf32>
        %mul3A_627 = arith.mulf %gather3A_600, %gather3A_600 : vector<16xf32>
        %add3A_628 = arith.addf %scan3A_588, %mul3A_627 : vector<16xf32>
        %mul3A_629 = arith.mulf %gather3A_601, %gather3A_601 : vector<16xf32>
        %add3A_630 = arith.addf %scan3A_589, %mul3A_629 : vector<16xf32>
        %mul3A_631 = arith.mulf %gather3A_602, %gather3A_602 : vector<16xf32>
        %add3A_632 = arith.addf %scan3A_590, %mul3A_631 : vector<16xf32>
        %mul3A_633 = arith.mulf %gather3A_603, %gather3A_603 : vector<16xf32>
        %add3A_634 = arith.addf %scan3A_591, %mul3A_633 : vector<16xf32>
        %mul3A_635 = arith.mulf %gather3A_604, %gather3A_604 : vector<16xf32>
        %add3A_636 = arith.addf %scan3A_592, %mul3A_635 : vector<16xf32>
        %mul3A_637 = arith.mulf %gather3A_605, %gather3A_605 : vector<16xf32>
        %add3A_638 = arith.addf %scan3A_593, %mul3A_637 : vector<16xf32>
        %mul3A_639 = arith.mulf %gather3A_606, %gather3A_606 : vector<16xf32>
        %add3A_640 = arith.addf %scan3A_594, %mul3A_639 : vector<16xf32>
        %mul3A_641 = arith.mulf %gather3A_607, %gather3A_607 : vector<16xf32>
        %add3A_642 = arith.addf %scan3A_595, %mul3A_641 : vector<16xf32>
        scf.yield %add3A_618, %add3A_620, %add3A_622, %add3A_624, %add3A_626, %add3A_628, %add3A_630, %add3A_632, %add3A_634, %add3A_636, %add3A_638, %add3A_640, %add3A_642 : vector<16xf32>, vector<16xf32>, vector<16xf32>, vector<16xf32>, vector<16xf32>, vector<16xf32>, vector<16xf32>, vector<16xf32>, vector<16xf32>, vector<16xf32>, vector<16xf32>, vector<16xf32>, vector<16xf32>
      }
      %scan3A_551 = arith.constant 32 : i32
      %mul3A_552 = arith.constant 16 : i32
      %mul3A_553 = arith.muli %scan3A_539, %mul3A_552 : i32
      %add3A_554 = arith.constant 256 : i32
      %add3A_555 = arith.addi %add3A_554, %mul3A_553 : i32
      %swap3A = arith.index_cast %add3A_555 : i32 to index
      %swap3A_556 = tpu.vector_load %arg42[%swap3A] {strides = array<i32>} : memref<512xf32, #tpu.memory_space<vmem>>, vector<16xf32>,
      tpu.vector_store %arg42[%swap3A], %scan3A_550#0 {strides = array<i32>} : memref<512xf32, #tpu.memory_space<vmem>>, vector<16xf32>,
      %swap3A_557 = arith.index_cast %add3A_555 : i32 to index
      %swap3A_558 = tpu.vector_load %arg43[%swap3A_557] {strides = array<i32>} : memref<512xf32, #tpu.memory_space<vmem>>, vector<16xf32>,
      tpu.vector_store %arg43[%swap3A_557], %scan3A_550#1 {strides = array<i32>} : memref<512xf32, #tpu.memory_space<vmem>>, vector<16xf32>,
      %swap3A_559 = arith.index_cast %add3A_555 : i32 to index
      %swap3A_560 = tpu.vector_load %arg44[%swap3A_559] {strides = array<i32>} : memref<512xf32, #tpu.memory_space<vmem>>, vector<16xf32>,
      tpu.vector_store %arg44[%swap3A_559], %scan3A_550#2 {strides = array<i32>} : memref<512xf32, #tpu.memory_space<vmem>>, vector<16xf32>,
      %swap3A_561 = arith.index_cast %add3A_555 : i32 to index
      %swap3A_562 = tpu.vector_load %arg45[%swap3A_561] {strides = array<i32>} : memref<512xf32, #tpu.memory_space<vmem>>, vector<16xf32>,
      tpu.vector_store %arg45[%swap3A_561], %scan3A_550#3 {strides = array<i32>} : memref<512xf32, #tpu.memory_space<vmem>>, vector<16xf32>,
      %swap3A_563 = arith.index_cast %add3A_555 : i32 to index
      %swap3A_564 = tpu.vector_load %arg46[%swap3A_563] {strides = array<i32>} : memref<512xf32, #tpu.memory_space<vmem>>, vector<16xf32>,
      tpu.vector_store %arg46[%swap3A_563], %scan3A_550#4 {strides = array<i32>} : memref<512xf32, #tpu.memory_space<vmem>>, vector<16xf32>,
      %swap3A_565 = arith.index_cast %add3A_555 : i32 to index
      %swap3A_566 = tpu.vector_load %arg47[%swap3A_565] {strides = array<i32>} : memref<512xf32, #tpu.memory_space<vmem>>, vector<16xf32>,
      tpu.vector_store %arg47[%swap3A_565], %scan3A_550#5 {strides = array<i32>} : memref<512xf32, #tpu.memory_space<vmem>>, vector<16xf32>,
      %swap3A_567 = arith.index_cast %add3A_555 : i32 to index
      %swap3A_568 = tpu.vector_load %arg48[%swap3A_567] {strides = array<i32>} : memref<512xf32, #tpu.memory_space<vmem>>, vector<16xf32>,
      tpu.vector_store %arg48[%swap3A_567], %scan3A_550#6 {strides = array<i32>} : memref<512xf32, #tpu.memory_space<vmem>>, vector<16xf32>,
      %swap3A_569 = arith.index_cast %add3A_555 : i32 to index
      %swap3A_570 = tpu.vector_load %arg49[%swap3A_569] {strides = array<i32>} : memref<512xf32, #tpu.memory_space<vmem>>, vector<16xf32>,
      tpu.vector_store %arg49[%swap3A_569], %scan3A_550#7 {strides = array<i32>} : memref<512xf32, #tpu.memory_space<vmem>>, vector<16xf32>,
      %swap3A_571 = arith.index_cast %add3A_555 : i32 to index
      %swap3A_572 = tpu.vector_load %arg50[%swap3A_571] {strides = array<i32>} : memref<512xf32, #tpu.memory_space<vmem>>, vector<16xf32>,
      tpu.vector_store %arg50[%swap3A_571], %scan3A_550#8 {strides = array<i32>} : memref<512xf32, #tpu.memory_space<vmem>>, vector<16xf32>,
      %swap3A_573 = arith.index_cast %add3A_555 : i32 to index
      %swap3A_574 = tpu.vector_load %arg51[%swap3A_573] {strides = array<i32>} : memref<512xf32, #tpu.memory_space<vmem>>, vector<16xf32>,
      tpu.vector_store %arg51[%swap3A_573], %scan3A_550#9 {strides = array<i32>} : memref<512xf32, #tpu.memory_space<vmem>>, vector<16xf32>,
      %swap3A_575 = arith.index_cast %add3A_555 : i32 to index
      %swap3A_576 = tpu.vector_load %arg52[%swap3A_575] {strides = array<i32>} : memref<512xf32, #tpu.memory_space<vmem>>, vector<16xf32>,
      tpu.vector_store %arg52[%swap3A_575], %scan3A_550#10 {strides = array<i32>} : memref<512xf32, #tpu.memory_space<vmem>>, vector<16xf32>,
      %swap3A_577 = arith.index_cast %add3A_555 : i32 to index
      %swap3A_578 = tpu.vector_load %arg53[%swap3A_577] {strides = array<i32>} : memref<512xf32, #tpu.memory_space<vmem>>, vector<16xf32>,
      tpu.vector_store %arg53[%swap3A_577], %scan3A_550#11 {strides = array<i32>} : memref<512xf32, #tpu.memory_space<vmem>>, vector<16xf32>,
      %swap3A_579 = arith.index_cast %add3A_555 : i32 to index
      %swap3A_580 = tpu.vector_load %arg54[%swap3A_579] {strides = array<i32>} : memref<512xf32, #tpu.memory_space<vmem>>, vector<16xf32>,
      tpu.vector_store %arg54[%swap3A_579], %scan3A_550#12 {strides = array<i32>} : memref<512xf32, #tpu.memory_space<vmem>>, vector<16xf32>,
      %scan3A_581 = arith.constant 0 : i32
      scf.yield %scan3A_581 : i32
    }
    %scan3A_387 = arith.constant 8 : i32
    %dma_start3A_388 = arith.constant 384 : i32
    %dma_start3A_389 = tpu.memref_slice %arg16[%dma_start3A_388] : memref<512xi32, #tpu.memory_space<vmem>> -> memref<128xi32, #tpu.memory_space<vmem>>
    %dma_start3A_390 = arith.constant 0 : i32
    %dma_start3A_391 = arith.constant 0 : i32
    %dma_start3A_392 = tpu.memref_slice %arg10[%dma_start3A_390, %dma_start3A_391] : memref<1000000x32xf32, #tpu.memory_space<hbm>> -> memref<1000000x32xf32, #tpu.memory_space<hbm>>
    tpu.enqueue_indirect_dma source(%dma_start3A_392 : memref<1000000x32xf32, #tpu.memory_space<hbm>>) target(%arg30 : memref<128x32xf32, #tpu.memory_space<vmem>>) offsets(%dma_start3A_389 : memref<128xi32, #tpu.memory_space<vmem>>) semaphore(%arg55 : memref<!tpu.dma_semaphore, #tpu.memory_space<semaphore_mem>>)
    %dma_start3A_393 = arith.constant 384 : i32
    %dma_start3A_394 = tpu.memref_slice %arg24[%dma_start3A_393] : memref<512xi32, #tpu.memory_space<vmem>> -> memref<128xi32, #tpu.memory_space<vmem>>
    %dma_start3A_395 = arith.constant 0 : i32
    %dma_start3A_396 = arith.constant 0 : i32
    %dma_start3A_397 = tpu.memref_slice %arg12[%dma_start3A_395, %dma_start3A_396] : memref<3000000x32xf32, #tpu.memory_space<hbm>> -> memref<3000000x32xf32, #tpu.memory_space<hbm>>
    tpu.enqueue_indirect_dma source(%dma_start3A_397 : memref<3000000x32xf32, #tpu.memory_space<hbm>>) target(%arg31 : memref<128x32xf32, #tpu.memory_space<vmem>>) offsets(%dma_start3A_394 : memref<128xi32, #tpu.memory_space<vmem>>) semaphore(%arg55 : memref<!tpu.dma_semaphore, #tpu.memory_space<semaphore_mem>>)
    %dma_start3A_398 = arith.constant 384 : i32
    %dma_start3A_399 = tpu.memref_slice %arg17[%dma_start3A_398] : memref<512xi32, #tpu.memory_space<vmem>> -> memref<128xi32, #tpu.memory_space<vmem>>
    %dma_start3A_400 = arith.constant 0 : i32
    %dma_start3A_401 = arith.constant 0 : i32
    %dma_start3A_402 = tpu.memref_slice %arg11[%dma_start3A_400, %dma_start3A_401] : memref<100000x32xf32, #tpu.memory_space<hbm>> -> memref<100000x32xf32, #tpu.memory_space<hbm>>
    tpu.enqueue_indirect_dma source(%dma_start3A_402 : memref<100000x32xf32, #tpu.memory_space<hbm>>) target(%arg32 : memref<128x32xf32, #tpu.memory_space<vmem>>) offsets(%dma_start3A_399 : memref<128xi32, #tpu.memory_space<vmem>>) semaphore(%arg55 : memref<!tpu.dma_semaphore, #tpu.memory_space<semaphore_mem>>)
    %dma_start3A_403 = arith.constant 384 : i32
    %dma_start3A_404 = tpu.memref_slice %arg25[%dma_start3A_403] : memref<512xi32, #tpu.memory_space<vmem>> -> memref<128xi32, #tpu.memory_space<vmem>>
    %dma_start3A_405 = arith.constant 0 : i32
    %dma_start3A_406 = arith.constant 0 : i32
    %dma_start3A_407 = tpu.memref_slice %arg13[%dma_start3A_405, %dma_start3A_406] : memref<300000x32xf32, #tpu.memory_space<hbm>> -> memref<300000x32xf32, #tpu.memory_space<hbm>>
    tpu.enqueue_indirect_dma source(%dma_start3A_407 : memref<300000x32xf32, #tpu.memory_space<hbm>>) target(%arg33 : memref<128x32xf32, #tpu.memory_space<vmem>>) offsets(%dma_start3A_404 : memref<128xi32, #tpu.memory_space<vmem>>) semaphore(%arg55 : memref<!tpu.dma_semaphore, #tpu.memory_space<semaphore_mem>>)
    %dma_start3A_408 = arith.constant 384 : i32
    %dma_start3A_409 = tpu.memref_slice %arg18[%dma_start3A_408] : memref<512xi32, #tpu.memory_space<vmem>> -> memref<128xi32, #tpu.memory_space<vmem>>
    %dma_start3A_410 = arith.constant 0 : i32
    %dma_start3A_411 = arith.constant 0 : i32
    %dma_start3A_412 = tpu.memref_slice %arg10[%dma_start3A_410, %dma_start3A_411] : memref<1000000x32xf32, #tpu.memory_space<hbm>> -> memref<1000000x32xf32, #tpu.memory_space<hbm>>
    tpu.enqueue_indirect_dma source(%dma_start3A_412 : memref<1000000x32xf32, #tpu.memory_space<hbm>>) target(%arg34 : memref<128x32xf32, #tpu.memory_space<vmem>>) offsets(%dma_start3A_409 : memref<128xi32, #tpu.memory_space<vmem>>) semaphore(%arg55 : memref<!tpu.dma_semaphore, #tpu.memory_space<semaphore_mem>>)
    %dma_start3A_413 = arith.constant 384 : i32
    %dma_start3A_414 = tpu.memref_slice %arg26[%dma_start3A_413] : memref<512xi32, #tpu.memory_space<vmem>> -> memref<128xi32, #tpu.memory_space<vmem>>
    %dma_start3A_415 = arith.constant 0 : i32
    %dma_start3A_416 = arith.constant 0 : i32
    %dma_start3A_417 = tpu.memref_slice %arg12[%dma_start3A_415, %dma_start3A_416] : memref<3000000x32xf32, #tpu.memory_space<hbm>> -> memref<3000000x32xf32, #tpu.memory_space<hbm>>
    tpu.enqueue_indirect_dma source(%dma_start3A_417 : memref<3000000x32xf32, #tpu.memory_space<hbm>>) target(%arg35 : memref<128x32xf32, #tpu.memory_space<vmem>>) offsets(%dma_start3A_414 : memref<128xi32, #tpu.memory_space<vmem>>) semaphore(%arg55 : memref<!tpu.dma_semaphore, #tpu.memory_space<semaphore_mem>>)
    %dma_start3A_418 = arith.constant 384 : i32
    %dma_start3A_419 = tpu.memref_slice %arg19[%dma_start3A_418] : memref<512xi32, #tpu.memory_space<vmem>> -> memref<128xi32, #tpu.memory_space<vmem>>
    %dma_start3A_420 = arith.constant 0 : i32
    %dma_start3A_421 = arith.constant 0 : i32
    %dma_start3A_422 = tpu.memref_slice %arg11[%dma_start3A_420, %dma_start3A_421] : memref<100000x32xf32, #tpu.memory_space<hbm>> -> memref<100000x32xf32, #tpu.memory_space<hbm>>
    tpu.enqueue_indirect_dma source(%dma_start3A_422 : memref<100000x32xf32, #tpu.memory_space<hbm>>) target(%arg36 : memref<128x32xf32, #tpu.memory_space<vmem>>) offsets(%dma_start3A_419 : memref<128xi32, #tpu.memory_space<vmem>>) semaphore(%arg55 : memref<!tpu.dma_semaphore, #tpu.memory_space<semaphore_mem>>)
    %dma_start3A_423 = arith.constant 384 : i32
    %dma_start3A_424 = tpu.memref_slice %arg27[%dma_start3A_423] : memref<512xi32, #tpu.memory_space<vmem>> -> memref<128xi32, #tpu.memory_space<vmem>>
    %dma_start3A_425 = arith.constant 0 : i32
    %dma_start3A_426 = arith.constant 0 : i32
    %dma_start3A_427 = tpu.memref_slice %arg13[%dma_start3A_425, %dma_start3A_426] : memref<300000x32xf32, #tpu.memory_space<hbm>> -> memref<300000x32xf32, #tpu.memory_space<hbm>>
    tpu.enqueue_indirect_dma source(%dma_start3A_427 : memref<300000x32xf32, #tpu.memory_space<hbm>>) target(%arg37 : memref<128x32xf32, #tpu.memory_space<vmem>>) offsets(%dma_start3A_424 : memref<128xi32, #tpu.memory_space<vmem>>) semaphore(%arg55 : memref<!tpu.dma_semaphore, #tpu.memory_space<semaphore_mem>>)
    %dma_start3A_428 = arith.constant 384 : i32
    %dma_start3A_429 = tpu.memref_slice %arg20[%dma_start3A_428] : memref<512xi32, #tpu.memory_space<vmem>> -> memref<128xi32, #tpu.memory_space<vmem>>
    %dma_start3A_430 = arith.constant 0 : i32
    %dma_start3A_431 = arith.constant 0 : i32
    %dma_start3A_432 = tpu.memref_slice %arg10[%dma_start3A_430, %dma_start3A_431] : memref<1000000x32xf32, #tpu.memory_space<hbm>> -> memref<1000000x32xf32, #tpu.memory_space<hbm>>
    tpu.enqueue_indirect_dma source(%dma_start3A_432 : memref<1000000x32xf32, #tpu.memory_space<hbm>>) target(%arg38 : memref<128x32xf32, #tpu.memory_space<vmem>>) offsets(%dma_start3A_429 : memref<128xi32, #tpu.memory_space<vmem>>) semaphore(%arg55 : memref<!tpu.dma_semaphore, #tpu.memory_space<semaphore_mem>>)
    %dma_start3A_433 = arith.constant 384 : i32
    %dma_start3A_434 = tpu.memref_slice %arg28[%dma_start3A_433] : memref<512xi32, #tpu.memory_space<vmem>> -> memref<128xi32, #tpu.memory_space<vmem>>
    %dma_start3A_435 = arith.constant 0 : i32
    %dma_start3A_436 = arith.constant 0 : i32
    %dma_start3A_437 = tpu.memref_slice %arg12[%dma_start3A_435, %dma_start3A_436] : memref<3000000x32xf32, #tpu.memory_space<hbm>> -> memref<3000000x32xf32, #tpu.memory_space<hbm>>
    tpu.enqueue_indirect_dma source(%dma_start3A_437 : memref<3000000x32xf32, #tpu.memory_space<hbm>>) target(%arg39 : memref<128x32xf32, #tpu.memory_space<vmem>>) offsets(%dma_start3A_434 : memref<128xi32, #tpu.memory_space<vmem>>) semaphore(%arg55 : memref<!tpu.dma_semaphore, #tpu.memory_space<semaphore_mem>>)
    %dma_start3A_438 = arith.constant 384 : i32
    %dma_start3A_439 = tpu.memref_slice %arg21[%dma_start3A_438] : memref<512xi32, #tpu.memory_space<vmem>> -> memref<128xi32, #tpu.memory_space<vmem>>
    %dma_start3A_440 = arith.constant 0 : i32
    %dma_start3A_441 = arith.constant 0 : i32
    %dma_start3A_442 = tpu.memref_slice %arg11[%dma_start3A_440, %dma_start3A_441] : memref<100000x32xf32, #tpu.memory_space<hbm>> -> memref<100000x32xf32, #tpu.memory_space<hbm>>
    tpu.enqueue_indirect_dma source(%dma_start3A_442 : memref<100000x32xf32, #tpu.memory_space<hbm>>) target(%arg40 : memref<128x32xf32, #tpu.memory_space<vmem>>) offsets(%dma_start3A_439 : memref<128xi32, #tpu.memory_space<vmem>>) semaphore(%arg55 : memref<!tpu.dma_semaphore, #tpu.memory_space<semaphore_mem>>)
    %dma_start3A_443 = arith.constant 384 : i32
    %dma_start3A_444 = tpu.memref_slice %arg29[%dma_start3A_443] : memref<512xi32, #tpu.memory_space<vmem>> -> memref<128xi32, #tpu.memory_space<vmem>>
    %dma_start3A_445 = arith.constant 0 : i32
    %dma_start3A_446 = arith.constant 0 : i32
    %dma_start3A_447 = tpu.memref_slice %arg13[%dma_start3A_445, %dma_start3A_446] : memref<300000x32xf32, #tpu.memory_space<hbm>> -> memref<300000x32xf32, #tpu.memory_space<hbm>>
    tpu.enqueue_indirect_dma source(%dma_start3A_447 : memref<300000x32xf32, #tpu.memory_space<hbm>>) target(%arg41 : memref<128x32xf32, #tpu.memory_space<vmem>>) offsets(%dma_start3A_444 : memref<128xi32, #tpu.memory_space<vmem>>) semaphore(%arg55 : memref<!tpu.dma_semaphore, #tpu.memory_space<semaphore_mem>>)
    %dma_wait3A_448 = arith.constant 384 : i32
    %dma_wait3A_449 = tpu.memref_slice %arg16[%dma_wait3A_448] : memref<512xi32, #tpu.memory_space<vmem>> -> memref<128xi32, #tpu.memory_space<vmem>>
    %dma_wait3A_450 = arith.constant 0 : i32
    %dma_wait3A_451 = arith.constant 0 : i32
    %dma_wait3A_452 = tpu.memref_slice %arg10[%dma_wait3A_450, %dma_wait3A_451] : memref<1000000x32xf32, #tpu.memory_space<hbm>> -> memref<1000000x32xf32, #tpu.memory_space<hbm>>
    tpu.wait_indirect_dma semaphore(%arg55 : memref<!tpu.dma_semaphore, #tpu.memory_space<semaphore_mem>>) src(%dma_wait3A_452 : memref<1000000x32xf32, #tpu.memory_space<hbm>>) dst(%arg30 : memref<128x32xf32, #tpu.memory_space<vmem>>)
    %dma_wait3A_453 = arith.constant 384 : i32
    %dma_wait3A_454 = tpu.memref_slice %arg24[%dma_wait3A_453] : memref<512xi32, #tpu.memory_space<vmem>> -> memref<128xi32, #tpu.memory_space<vmem>>
    %dma_wait3A_455 = arith.constant 0 : i32
    %dma_wait3A_456 = arith.constant 0 : i32
    %dma_wait3A_457 = tpu.memref_slice %arg12[%dma_wait3A_455, %dma_wait3A_456] : memref<3000000x32xf32, #tpu.memory_space<hbm>> -> memref<3000000x32xf32, #tpu.memory_space<hbm>>
    tpu.wait_indirect_dma semaphore(%arg55 : memref<!tpu.dma_semaphore, #tpu.memory_space<semaphore_mem>>) src(%dma_wait3A_457 : memref<3000000x32xf32, #tpu.memory_space<hbm>>) dst(%arg31 : memref<128x32xf32, #tpu.memory_space<vmem>>)
    %dma_wait3A_458 = arith.constant 384 : i32
    %dma_wait3A_459 = tpu.memref_slice %arg17[%dma_wait3A_458] : memref<512xi32, #tpu.memory_space<vmem>> -> memref<128xi32, #tpu.memory_space<vmem>>
    %dma_wait3A_460 = arith.constant 0 : i32
    %dma_wait3A_461 = arith.constant 0 : i32
    %dma_wait3A_462 = tpu.memref_slice %arg11[%dma_wait3A_460, %dma_wait3A_461] : memref<100000x32xf32, #tpu.memory_space<hbm>> -> memref<100000x32xf32, #tpu.memory_space<hbm>>
    tpu.wait_indirect_dma semaphore(%arg55 : memref<!tpu.dma_semaphore, #tpu.memory_space<semaphore_mem>>) src(%dma_wait3A_462 : memref<100000x32xf32, #tpu.memory_space<hbm>>) dst(%arg32 : memref<128x32xf32, #tpu.memory_space<vmem>>)
    %dma_wait3A_463 = arith.constant 384 : i32
    %dma_wait3A_464 = tpu.memref_slice %arg25[%dma_wait3A_463] : memref<512xi32, #tpu.memory_space<vmem>> -> memref<128xi32, #tpu.memory_space<vmem>>
    %dma_wait3A_465 = arith.constant 0 : i32
    %dma_wait3A_466 = arith.constant 0 : i32
    %dma_wait3A_467 = tpu.memref_slice %arg13[%dma_wait3A_465, %dma_wait3A_466] : memref<300000x32xf32, #tpu.memory_space<hbm>> -> memref<300000x32xf32, #tpu.memory_space<hbm>>
    tpu.wait_indirect_dma semaphore(%arg55 : memref<!tpu.dma_semaphore, #tpu.memory_space<semaphore_mem>>) src(%dma_wait3A_467 : memref<300000x32xf32, #tpu.memory_space<hbm>>) dst(%arg33 : memref<128x32xf32, #tpu.memory_space<vmem>>)
    %dma_wait3A_468 = arith.constant 384 : i32
    %dma_wait3A_469 = tpu.memref_slice %arg18[%dma_wait3A_468] : memref<512xi32, #tpu.memory_space<vmem>> -> memref<128xi32, #tpu.memory_space<vmem>>
    %dma_wait3A_470 = arith.constant 0 : i32
    %dma_wait3A_471 = arith.constant 0 : i32
    %dma_wait3A_472 = tpu.memref_slice %arg10[%dma_wait3A_470, %dma_wait3A_471] : memref<1000000x32xf32, #tpu.memory_space<hbm>> -> memref<1000000x32xf32, #tpu.memory_space<hbm>>
    tpu.wait_indirect_dma semaphore(%arg55 : memref<!tpu.dma_semaphore, #tpu.memory_space<semaphore_mem>>) src(%dma_wait3A_472 : memref<1000000x32xf32, #tpu.memory_space<hbm>>) dst(%arg34 : memref<128x32xf32, #tpu.memory_space<vmem>>)
    %dma_wait3A_473 = arith.constant 384 : i32
    %dma_wait3A_474 = tpu.memref_slice %arg26[%dma_wait3A_473] : memref<512xi32, #tpu.memory_space<vmem>> -> memref<128xi32, #tpu.memory_space<vmem>>
    %dma_wait3A_475 = arith.constant 0 : i32
    %dma_wait3A_476 = arith.constant 0 : i32
    %dma_wait3A_477 = tpu.memref_slice %arg12[%dma_wait3A_475, %dma_wait3A_476] : memref<3000000x32xf32, #tpu.memory_space<hbm>> -> memref<3000000x32xf32, #tpu.memory_space<hbm>>
    tpu.wait_indirect_dma semaphore(%arg55 : memref<!tpu.dma_semaphore, #tpu.memory_space<semaphore_mem>>) src(%dma_wait3A_477 : memref<3000000x32xf32, #tpu.memory_space<hbm>>) dst(%arg35 : memref<128x32xf32, #tpu.memory_space<vmem>>)
    %dma_wait3A_478 = arith.constant 384 : i32
    %dma_wait3A_479 = tpu.memref_slice %arg19[%dma_wait3A_478] : memref<512xi32, #tpu.memory_space<vmem>> -> memref<128xi32, #tpu.memory_space<vmem>>
    %dma_wait3A_480 = arith.constant 0 : i32
    %dma_wait3A_481 = arith.constant 0 : i32
    %dma_wait3A_482 = tpu.memref_slice %arg11[%dma_wait3A_480, %dma_wait3A_481] : memref<100000x32xf32, #tpu.memory_space<hbm>> -> memref<100000x32xf32, #tpu.memory_space<hbm>>
    tpu.wait_indirect_dma semaphore(%arg55 : memref<!tpu.dma_semaphore, #tpu.memory_space<semaphore_mem>>) src(%dma_wait3A_482 : memref<100000x32xf32, #tpu.memory_space<hbm>>) dst(%arg36 : memref<128x32xf32, #tpu.memory_space<vmem>>)
    %dma_wait3A_483 = arith.constant 384 : i32
    %dma_wait3A_484 = tpu.memref_slice %arg27[%dma_wait3A_483] : memref<512xi32, #tpu.memory_space<vmem>> -> memref<128xi32, #tpu.memory_space<vmem>>
    %dma_wait3A_485 = arith.constant 0 : i32
    %dma_wait3A_486 = arith.constant 0 : i32
    %dma_wait3A_487 = tpu.memref_slice %arg13[%dma_wait3A_485, %dma_wait3A_486] : memref<300000x32xf32, #tpu.memory_space<hbm>> -> memref<300000x32xf32, #tpu.memory_space<hbm>>
    tpu.wait_indirect_dma semaphore(%arg55 : memref<!tpu.dma_semaphore, #tpu.memory_space<semaphore_mem>>) src(%dma_wait3A_487 : memref<300000x32xf32, #tpu.memory_space<hbm>>) dst(%arg37 : memref<128x32xf32, #tpu.memory_space<vmem>>)
    %dma_wait3A_488 = arith.constant 384 : i32
    %dma_wait3A_489 = tpu.memref_slice %arg20[%dma_wait3A_488] : memref<512xi32, #tpu.memory_space<vmem>> -> memref<128xi32, #tpu.memory_space<vmem>>
    %dma_wait3A_490 = arith.constant 0 : i32
    %dma_wait3A_491 = arith.constant 0 : i32
    %dma_wait3A_492 = tpu.memref_slice %arg10[%dma_wait3A_490, %dma_wait3A_491] : memref<1000000x32xf32, #tpu.memory_space<hbm>> -> memref<1000000x32xf32, #tpu.memory_space<hbm>>
    tpu.wait_indirect_dma semaphore(%arg55 : memref<!tpu.dma_semaphore, #tpu.memory_space<semaphore_mem>>) src(%dma_wait3A_492 : memref<1000000x32xf32, #tpu.memory_space<hbm>>) dst(%arg38 : memref<128x32xf32, #tpu.memory_space<vmem>>)
    %dma_wait3A_493 = arith.constant 384 : i32
    %dma_wait3A_494 = tpu.memref_slice %arg28[%dma_wait3A_493] : memref<512xi32, #tpu.memory_space<vmem>> -> memref<128xi32, #tpu.memory_space<vmem>>
    %dma_wait3A_495 = arith.constant 0 : i32
    %dma_wait3A_496 = arith.constant 0 : i32
    %dma_wait3A_497 = tpu.memref_slice %arg12[%dma_wait3A_495, %dma_wait3A_496] : memref<3000000x32xf32, #tpu.memory_space<hbm>> -> memref<3000000x32xf32, #tpu.memory_space<hbm>>
    tpu.wait_indirect_dma semaphore(%arg55 : memref<!tpu.dma_semaphore, #tpu.memory_space<semaphore_mem>>) src(%dma_wait3A_497 : memref<3000000x32xf32, #tpu.memory_space<hbm>>) dst(%arg39 : memref<128x32xf32, #tpu.memory_space<vmem>>)
    %dma_wait3A_498 = arith.constant 384 : i32
    %dma_wait3A_499 = tpu.memref_slice %arg21[%dma_wait3A_498] : memref<512xi32, #tpu.memory_space<vmem>> -> memref<128xi32, #tpu.memory_space<vmem>>
    %dma_wait3A_500 = arith.constant 0 : i32
    %dma_wait3A_501 = arith.constant 0 : i32
    %dma_wait3A_502 = tpu.memref_slice %arg11[%dma_wait3A_500, %dma_wait3A_501] : memref<100000x32xf32, #tpu.memory_space<hbm>> -> memref<100000x32xf32, #tpu.memory_space<hbm>>
    tpu.wait_indirect_dma semaphore(%arg55 : memref<!tpu.dma_semaphore, #tpu.memory_space<semaphore_mem>>) src(%dma_wait3A_502 : memref<100000x32xf32, #tpu.memory_space<hbm>>) dst(%arg40 : memref<128x32xf32, #tpu.memory_space<vmem>>)
    %dma_wait3A_503 = arith.constant 384 : i32
    %dma_wait3A_504 = tpu.memref_slice %arg29[%dma_wait3A_503] : memref<512xi32, #tpu.memory_space<vmem>> -> memref<128xi32, #tpu.memory_space<vmem>>
    %dma_wait3A_505 = arith.constant 0 : i32
    %dma_wait3A_506 = arith.constant 0 : i32
    %dma_wait3A_507 = tpu.memref_slice %arg13[%dma_wait3A_505, %dma_wait3A_506] : memref<300000x32xf32, #tpu.memory_space<hbm>> -> memref<300000x32xf32, #tpu.memory_space<hbm>>
    tpu.wait_indirect_dma semaphore(%arg55 : memref<!tpu.dma_semaphore, #tpu.memory_space<semaphore_mem>>) src(%dma_wait3A_507 : memref<300000x32xf32, #tpu.memory_space<hbm>>) dst(%arg41 : memref<128x32xf32, #tpu.memory_space<vmem>>)
    %scan3A_508 = arith.constant 0 : i32
    %scan3A_509 = arith.constant 0 : i32
    %scan3A_510 = arith.constant 8 : i32
    %scan3A_511 = arith.addi %scan3A_509, %scan3A_510 : i32
    %scan3A_512 = arith.constant 1 : i32
    %scan3A_513 = scf.for %scan3A_539 = %scan3A_509 to %scan3A_511 step %scan3A_512 iter_args(%scan3A_540 = %scan3A_508) -> (i32)  : i32 {
      %mul3A_541 = arith.constant 16 : i32
      %mul3A_542 = arith.muli %scan3A_539, %mul3A_541 : i32
      %add3A_543 = vector.broadcast %mul3A_542 : i32 to vector<16xi32>
      %add3A_544 = arith.addi %add3A_543, %iota3A : vector<16xi32>
      %broadcast_in_dim3A = arith.constant 0.000000e+00 : f32
      %broadcast_in_dim3A_545 = vector.broadcast %broadcast_in_dim3A : f32 to vector<16xf32>
      %scan3A_546 = arith.constant 0 : i32
      %scan3A_547 = arith.constant 32 : i32
      %scan3A_548 = arith.addi %scan3A_546, %scan3A_547 : i32
      %scan3A_549 = arith.constant 1 : i32
      %scan3A_550:13 = scf.for %scan3A_582 = %scan3A_546 to %scan3A_548 step %scan3A_549 iter_args(%scan3A_583 = %broadcast_in_dim3A_545, %scan3A_584 = %broadcast_in_dim3A_545, %scan3A_585 = %broadcast_in_dim3A_545, %scan3A_586 = %broadcast_in_dim3A_545, %scan3A_587 = %broadcast_in_dim3A_545, %scan3A_588 = %broadcast_in_dim3A_545, %scan3A_589 = %broadcast_in_dim3A_545, %scan3A_590 = %broadcast_in_dim3A_545, %scan3A_591 = %broadcast_in_dim3A_545, %scan3A_592 = %broadcast_in_dim3A_545, %scan3A_593 = %broadcast_in_dim3A_545, %scan3A_594 = %broadcast_in_dim3A_545, %scan3A_595 = %broadcast_in_dim3A_545) -> (vector<16xf32>, vector<16xf32>, vector<16xf32>, vector<16xf32>, vector<16xf32>, vector<16xf32>, vector<16xf32>, vector<16xf32>, vector<16xf32>, vector<16xf32>, vector<16xf32>, vector<16xf32>, vector<16xf32>)  : i32 {
        %broadcast_in_dim3A_596 = vector.broadcast %scan3A_582 : i32 to vector<16xi32>
        %gather3A = tpu.vector_load_idx %arg30[%add3A_544, %broadcast_in_dim3A_596] : memref<128x32xf32, #tpu.memory_space<vmem>>[vector<16xi32>, vector<16xi32>], vector<16xf32>,
        %gather3A_597 = tpu.vector_load_idx %arg31[%add3A_544, %broadcast_in_dim3A_596] : memref<128x32xf32, #tpu.memory_space<vmem>>[vector<16xi32>, vector<16xi32>], vector<16xf32>,
        %gather3A_598 = tpu.vector_load_idx %arg32[%add3A_544, %broadcast_in_dim3A_596] : memref<128x32xf32, #tpu.memory_space<vmem>>[vector<16xi32>, vector<16xi32>], vector<16xf32>,
        %gather3A_599 = tpu.vector_load_idx %arg33[%add3A_544, %broadcast_in_dim3A_596] : memref<128x32xf32, #tpu.memory_space<vmem>>[vector<16xi32>, vector<16xi32>], vector<16xf32>,
        %gather3A_600 = tpu.vector_load_idx %arg34[%add3A_544, %broadcast_in_dim3A_596] : memref<128x32xf32, #tpu.memory_space<vmem>>[vector<16xi32>, vector<16xi32>], vector<16xf32>,
        %gather3A_601 = tpu.vector_load_idx %arg35[%add3A_544, %broadcast_in_dim3A_596] : memref<128x32xf32, #tpu.memory_space<vmem>>[vector<16xi32>, vector<16xi32>], vector<16xf32>,
        %gather3A_602 = tpu.vector_load_idx %arg36[%add3A_544, %broadcast_in_dim3A_596] : memref<128x32xf32, #tpu.memory_space<vmem>>[vector<16xi32>, vector<16xi32>], vector<16xf32>,
        %gather3A_603 = tpu.vector_load_idx %arg37[%add3A_544, %broadcast_in_dim3A_596] : memref<128x32xf32, #tpu.memory_space<vmem>>[vector<16xi32>, vector<16xi32>], vector<16xf32>,
        %gather3A_604 = tpu.vector_load_idx %arg38[%add3A_544, %broadcast_in_dim3A_596] : memref<128x32xf32, #tpu.memory_space<vmem>>[vector<16xi32>, vector<16xi32>], vector<16xf32>,
        %gather3A_605 = tpu.vector_load_idx %arg39[%add3A_544, %broadcast_in_dim3A_596] : memref<128x32xf32, #tpu.memory_space<vmem>>[vector<16xi32>, vector<16xi32>], vector<16xf32>,
        %gather3A_606 = tpu.vector_load_idx %arg40[%add3A_544, %broadcast_in_dim3A_596] : memref<128x32xf32, #tpu.memory_space<vmem>>[vector<16xi32>, vector<16xi32>], vector<16xf32>,
        %gather3A_607 = tpu.vector_load_idx %arg41[%add3A_544, %broadcast_in_dim3A_596] : memref<128x32xf32, #tpu.memory_space<vmem>>[vector<16xi32>, vector<16xi32>], vector<16xf32>,
        %add3A_608 = arith.addf %gather3A, %gather3A_597 : vector<16xf32>
        %add3A_609 = arith.addf %gather3A_598, %gather3A_599 : vector<16xf32>
        %add3A_610 = arith.addf %add3A_608, %add3A_609 : vector<16xf32>
        %add3A_611 = arith.addf %gather3A_600, %gather3A_601 : vector<16xf32>
        %add3A_612 = arith.addf %gather3A_602, %gather3A_603 : vector<16xf32>
        %add3A_613 = arith.addf %add3A_611, %add3A_612 : vector<16xf32>
        %add3A_614 = arith.addf %gather3A_604, %gather3A_605 : vector<16xf32>
        %add3A_615 = arith.addf %gather3A_606, %gather3A_607 : vector<16xf32>
        %add3A_616 = arith.addf %add3A_614, %add3A_615 : vector<16xf32>
        %sub3A = arith.subf %add3A_613, %add3A_616 : vector<16xf32>
        %mul3A_617 = arith.mulf %add3A_610, %sub3A : vector<16xf32>
        %add3A_618 = arith.addf %scan3A_583, %mul3A_617 : vector<16xf32>
        %mul3A_619 = arith.mulf %gather3A, %gather3A : vector<16xf32>
        %add3A_620 = arith.addf %scan3A_584, %mul3A_619 : vector<16xf32>
        %mul3A_621 = arith.mulf %gather3A_597, %gather3A_597 : vector<16xf32>
        %add3A_622 = arith.addf %scan3A_585, %mul3A_621 : vector<16xf32>
        %mul3A_623 = arith.mulf %gather3A_598, %gather3A_598 : vector<16xf32>
        %add3A_624 = arith.addf %scan3A_586, %mul3A_623 : vector<16xf32>
        %mul3A_625 = arith.mulf %gather3A_599, %gather3A_599 : vector<16xf32>
        %add3A_626 = arith.addf %scan3A_587, %mul3A_625 : vector<16xf32>
        %mul3A_627 = arith.mulf %gather3A_600, %gather3A_600 : vector<16xf32>
        %add3A_628 = arith.addf %scan3A_588, %mul3A_627 : vector<16xf32>
        %mul3A_629 = arith.mulf %gather3A_601, %gather3A_601 : vector<16xf32>
        %add3A_630 = arith.addf %scan3A_589, %mul3A_629 : vector<16xf32>
        %mul3A_631 = arith.mulf %gather3A_602, %gather3A_602 : vector<16xf32>
        %add3A_632 = arith.addf %scan3A_590, %mul3A_631 : vector<16xf32>
        %mul3A_633 = arith.mulf %gather3A_603, %gather3A_603 : vector<16xf32>
        %add3A_634 = arith.addf %scan3A_591, %mul3A_633 : vector<16xf32>
        %mul3A_635 = arith.mulf %gather3A_604, %gather3A_604 : vector<16xf32>
        %add3A_636 = arith.addf %scan3A_592, %mul3A_635 : vector<16xf32>
        %mul3A_637 = arith.mulf %gather3A_605, %gather3A_605 : vector<16xf32>
        %add3A_638 = arith.addf %scan3A_593, %mul3A_637 : vector<16xf32>
        %mul3A_639 = arith.mulf %gather3A_606, %gather3A_606 : vector<16xf32>
        %add3A_640 = arith.addf %scan3A_594, %mul3A_639 : vector<16xf32>
        %mul3A_641 = arith.mulf %gather3A_607, %gather3A_607 : vector<16xf32>
        %add3A_642 = arith.addf %scan3A_595, %mul3A_641 : vector<16xf32>
        scf.yield %add3A_618, %add3A_620, %add3A_622, %add3A_624, %add3A_626, %add3A_628, %add3A_630, %add3A_632, %add3A_634, %add3A_636, %add3A_638, %add3A_640, %add3A_642 : vector<16xf32>, vector<16xf32>, vector<16xf32>, vector<16xf32>, vector<16xf32>, vector<16xf32>, vector<16xf32>, vector<16xf32>, vector<16xf32>, vector<16xf32>, vector<16xf32>, vector<16xf32>, vector<16xf32>
      }
      %scan3A_551 = arith.constant 32 : i32
      %mul3A_552 = arith.constant 16 : i32
      %mul3A_553 = arith.muli %scan3A_539, %mul3A_552 : i32
      %add3A_554 = arith.constant 384 : i32
      %add3A_555 = arith.addi %add3A_554, %mul3A_553 : i32
      %swap3A = arith.index_cast %add3A_555 : i32 to index
      %swap3A_556 = tpu.vector_load %arg42[%swap3A] {strides = array<i32>} : memref<512xf32, #tpu.memory_space<vmem>>, vector<16xf32>,
      tpu.vector_store %arg42[%swap3A], %scan3A_550#0 {strides = array<i32>} : memref<512xf32, #tpu.memory_space<vmem>>, vector<16xf32>,
      %swap3A_557 = arith.index_cast %add3A_555 : i32 to index
      %swap3A_558 = tpu.vector_load %arg43[%swap3A_557] {strides = array<i32>} : memref<512xf32, #tpu.memory_space<vmem>>, vector<16xf32>,
      tpu.vector_store %arg43[%swap3A_557], %scan3A_550#1 {strides = array<i32>} : memref<512xf32, #tpu.memory_space<vmem>>, vector<16xf32>,
      %swap3A_559 = arith.index_cast %add3A_555 : i32 to index
      %swap3A_560 = tpu.vector_load %arg44[%swap3A_559] {strides = array<i32>} : memref<512xf32, #tpu.memory_space<vmem>>, vector<16xf32>,
      tpu.vector_store %arg44[%swap3A_559], %scan3A_550#2 {strides = array<i32>} : memref<512xf32, #tpu.memory_space<vmem>>, vector<16xf32>,
      %swap3A_561 = arith.index_cast %add3A_555 : i32 to index
      %swap3A_562 = tpu.vector_load %arg45[%swap3A_561] {strides = array<i32>} : memref<512xf32, #tpu.memory_space<vmem>>, vector<16xf32>,
      tpu.vector_store %arg45[%swap3A_561], %scan3A_550#3 {strides = array<i32>} : memref<512xf32, #tpu.memory_space<vmem>>, vector<16xf32>,
      %swap3A_563 = arith.index_cast %add3A_555 : i32 to index
      %swap3A_564 = tpu.vector_load %arg46[%swap3A_563] {strides = array<i32>} : memref<512xf32, #tpu.memory_space<vmem>>, vector<16xf32>,
      tpu.vector_store %arg46[%swap3A_563], %scan3A_550#4 {strides = array<i32>} : memref<512xf32, #tpu.memory_space<vmem>>, vector<16xf32>,
      %swap3A_565 = arith.index_cast %add3A_555 : i32 to index
      %swap3A_566 = tpu.vector_load %arg47[%swap3A_565] {strides = array<i32>} : memref<512xf32, #tpu.memory_space<vmem>>, vector<16xf32>,
      tpu.vector_store %arg47[%swap3A_565], %scan3A_550#5 {strides = array<i32>} : memref<512xf32, #tpu.memory_space<vmem>>, vector<16xf32>,
      %swap3A_567 = arith.index_cast %add3A_555 : i32 to index
      %swap3A_568 = tpu.vector_load %arg48[%swap3A_567] {strides = array<i32>} : memref<512xf32, #tpu.memory_space<vmem>>, vector<16xf32>,
      tpu.vector_store %arg48[%swap3A_567], %scan3A_550#6 {strides = array<i32>} : memref<512xf32, #tpu.memory_space<vmem>>, vector<16xf32>,
      %swap3A_569 = arith.index_cast %add3A_555 : i32 to index
      %swap3A_570 = tpu.vector_load %arg49[%swap3A_569] {strides = array<i32>} : memref<512xf32, #tpu.memory_space<vmem>>, vector<16xf32>,
      tpu.vector_store %arg49[%swap3A_569], %scan3A_550#7 {strides = array<i32>} : memref<512xf32, #tpu.memory_space<vmem>>, vector<16xf32>,
      %swap3A_571 = arith.index_cast %add3A_555 : i32 to index
      %swap3A_572 = tpu.vector_load %arg50[%swap3A_571] {strides = array<i32>} : memref<512xf32, #tpu.memory_space<vmem>>, vector<16xf32>,
      tpu.vector_store %arg50[%swap3A_571], %scan3A_550#8 {strides = array<i32>} : memref<512xf32, #tpu.memory_space<vmem>>, vector<16xf32>,
      %swap3A_573 = arith.index_cast %add3A_555 : i32 to index
      %swap3A_574 = tpu.vector_load %arg51[%swap3A_573] {strides = array<i32>} : memref<512xf32, #tpu.memory_space<vmem>>, vector<16xf32>,
      tpu.vector_store %arg51[%swap3A_573], %scan3A_550#9 {strides = array<i32>} : memref<512xf32, #tpu.memory_space<vmem>>, vector<16xf32>,
      %swap3A_575 = arith.index_cast %add3A_555 : i32 to index
      %swap3A_576 = tpu.vector_load %arg52[%swap3A_575] {strides = array<i32>} : memref<512xf32, #tpu.memory_space<vmem>>, vector<16xf32>,
      tpu.vector_store %arg52[%swap3A_575], %scan3A_550#10 {strides = array<i32>} : memref<512xf32, #tpu.memory_space<vmem>>, vector<16xf32>,
      %swap3A_577 = arith.index_cast %add3A_555 : i32 to index
      %swap3A_578 = tpu.vector_load %arg53[%swap3A_577] {strides = array<i32>} : memref<512xf32, #tpu.memory_space<vmem>>, vector<16xf32>,
      tpu.vector_store %arg53[%swap3A_577], %scan3A_550#11 {strides = array<i32>} : memref<512xf32, #tpu.memory_space<vmem>>, vector<16xf32>,
      %swap3A_579 = arith.index_cast %add3A_555 : i32 to index
      %swap3A_580 = tpu.vector_load %arg54[%swap3A_579] {strides = array<i32>} : memref<512xf32, #tpu.memory_space<vmem>>, vector<16xf32>,
      tpu.vector_store %arg54[%swap3A_579], %scan3A_550#12 {strides = array<i32>} : memref<512xf32, #tpu.memory_space<vmem>>, vector<16xf32>,
      %scan3A_581 = arith.constant 0 : i32
      scf.yield %scan3A_581 : i32
    }
    %scan3A_514 = arith.constant 8 : i32
    "tpu.region"() ({
      %run_scoped3A = tpu.sem_alloc : memref<!tpu.dma_semaphore, #tpu.memory_space<semaphore_mem>>
      %dma_start3A_539 = tpu.memref_slice %arg14[%mul3A_2] : memref<16384xf32, #tpu.memory_space<hbm>> -> memref<512xf32, #tpu.memory_space<hbm>>
      %dma_start3A_540 = tpu.memref_slice %arg14[%mul3A_2] : memref<16384xf32, #tpu.memory_space<hbm>> -> memref<512xf32, #tpu.memory_space<hbm>>
      tpu.enqueue_dma source(%arg42 : memref<512xf32, #tpu.memory_space<vmem>>) target(%dma_start3A_540 : memref<512xf32, #tpu.memory_space<hbm>>) target_semaphore(%run_scoped3A : memref<!tpu.dma_semaphore, #tpu.memory_space<semaphore_mem>>)
      %dma_wait3A_541 = tpu.memref_slice %arg14[%mul3A_2] : memref<16384xf32, #tpu.memory_space<hbm>> -> memref<512xf32, #tpu.memory_space<hbm>>
      %dma_wait3A_542 = tpu.memref_slice %arg14[%mul3A_2] : memref<16384xf32, #tpu.memory_space<hbm>> -> memref<512xf32, #tpu.memory_space<hbm>>
      tpu.wait_dma2 semaphore(%run_scoped3A : memref<!tpu.dma_semaphore, #tpu.memory_space<semaphore_mem>>) src(%arg42 : memref<512xf32, #tpu.memory_space<vmem>>) dst(%dma_wait3A_542 : memref<512xf32, #tpu.memory_space<hbm>>)
      tpu.yield
    }) : () -> ()
    %add3A_515 = arith.constant 0 : i32
    %add3A_516 = arith.addi %add3A_515, %mul3A_2 : i32
    "tpu.region"() ({
      %run_scoped3A = tpu.sem_alloc : memref<!tpu.dma_semaphore, #tpu.memory_space<semaphore_mem>>
      %dma_start3A_539 = tpu.memref_slice %arg15[%add3A_516] : memref<196608xf32, #tpu.memory_space<hbm>> -> memref<512xf32, #tpu.memory_space<hbm>>
      %dma_start3A_540 = tpu.memref_slice %arg15[%add3A_516] : memref<196608xf32, #tpu.memory_space<hbm>> -> memref<512xf32, #tpu.memory_space<hbm>>
      tpu.enqueue_dma source(%arg43 : memref<512xf32, #tpu.memory_space<vmem>>) target(%dma_start3A_540 : memref<512xf32, #tpu.memory_space<hbm>>) target_semaphore(%run_scoped3A : memref<!tpu.dma_semaphore, #tpu.memory_space<semaphore_mem>>)
      %dma_wait3A_541 = tpu.memref_slice %arg15[%add3A_516] : memref<196608xf32, #tpu.memory_space<hbm>> -> memref<512xf32, #tpu.memory_space<hbm>>
      %dma_wait3A_542 = tpu.memref_slice %arg15[%add3A_516] : memref<196608xf32, #tpu.memory_space<hbm>> -> memref<512xf32, #tpu.memory_space<hbm>>
      tpu.wait_dma2 semaphore(%run_scoped3A : memref<!tpu.dma_semaphore, #tpu.memory_space<semaphore_mem>>) src(%arg43 : memref<512xf32, #tpu.memory_space<vmem>>) dst(%dma_wait3A_542 : memref<512xf32, #tpu.memory_space<hbm>>)
      tpu.yield
    }) : () -> ()
    %add3A_517 = arith.constant 16384 : i32
    %add3A_518 = arith.addi %add3A_517, %mul3A_2 : i32
    "tpu.region"() ({
      %run_scoped3A = tpu.sem_alloc : memref<!tpu.dma_semaphore, #tpu.memory_space<semaphore_mem>>
      %dma_start3A_539 = tpu.memref_slice %arg15[%add3A_518] : memref<196608xf32, #tpu.memory_space<hbm>> -> memref<512xf32, #tpu.memory_space<hbm>>
      %dma_start3A_540 = tpu.memref_slice %arg15[%add3A_518] : memref<196608xf32, #tpu.memory_space<hbm>> -> memref<512xf32, #tpu.memory_space<hbm>>
      tpu.enqueue_dma source(%arg44 : memref<512xf32, #tpu.memory_space<vmem>>) target(%dma_start3A_540 : memref<512xf32, #tpu.memory_space<hbm>>) target_semaphore(%run_scoped3A : memref<!tpu.dma_semaphore, #tpu.memory_space<semaphore_mem>>)
      %dma_wait3A_541 = tpu.memref_slice %arg15[%add3A_518] : memref<196608xf32, #tpu.memory_space<hbm>> -> memref<512xf32, #tpu.memory_space<hbm>>
      %dma_wait3A_542 = tpu.memref_slice %arg15[%add3A_518] : memref<196608xf32, #tpu.memory_space<hbm>> -> memref<512xf32, #tpu.memory_space<hbm>>
      tpu.wait_dma2 semaphore(%run_scoped3A : memref<!tpu.dma_semaphore, #tpu.memory_space<semaphore_mem>>) src(%arg44 : memref<512xf32, #tpu.memory_space<vmem>>) dst(%dma_wait3A_542 : memref<512xf32, #tpu.memory_space<hbm>>)
      tpu.yield
    }) : () -> ()
    %add3A_519 = arith.constant 32768 : i32
    %add3A_520 = arith.addi %add3A_519, %mul3A_2 : i32
    "tpu.region"() ({
      %run_scoped3A = tpu.sem_alloc : memref<!tpu.dma_semaphore, #tpu.memory_space<semaphore_mem>>
      %dma_start3A_539 = tpu.memref_slice %arg15[%add3A_520] : memref<196608xf32, #tpu.memory_space<hbm>> -> memref<512xf32, #tpu.memory_space<hbm>>
      %dma_start3A_540 = tpu.memref_slice %arg15[%add3A_520] : memref<196608xf32, #tpu.memory_space<hbm>> -> memref<512xf32, #tpu.memory_space<hbm>>
      tpu.enqueue_dma source(%arg45 : memref<512xf32, #tpu.memory_space<vmem>>) target(%dma_start3A_540 : memref<512xf32, #tpu.memory_space<hbm>>) target_semaphore(%run_scoped3A : memref<!tpu.dma_semaphore, #tpu.memory_space<semaphore_mem>>)
      %dma_wait3A_541 = tpu.memref_slice %arg15[%add3A_520] : memref<196608xf32, #tpu.memory_space<hbm>> -> memref<512xf32, #tpu.memory_space<hbm>>
      %dma_wait3A_542 = tpu.memref_slice %arg15[%add3A_520] : memref<196608xf32, #tpu.memory_space<hbm>> -> memref<512xf32, #tpu.memory_space<hbm>>
      tpu.wait_dma2 semaphore(%run_scoped3A : memref<!tpu.dma_semaphore, #tpu.memory_space<semaphore_mem>>) src(%arg45 : memref<512xf32, #tpu.memory_space<vmem>>) dst(%dma_wait3A_542 : memref<512xf32, #tpu.memory_space<hbm>>)
      tpu.yield
    }) : () -> ()
    %add3A_521 = arith.constant 49152 : i32
    %add3A_522 = arith.addi %add3A_521, %mul3A_2 : i32
    "tpu.region"() ({
      %run_scoped3A = tpu.sem_alloc : memref<!tpu.dma_semaphore, #tpu.memory_space<semaphore_mem>>
      %dma_start3A_539 = tpu.memref_slice %arg15[%add3A_522] : memref<196608xf32, #tpu.memory_space<hbm>> -> memref<512xf32, #tpu.memory_space<hbm>>
      %dma_start3A_540 = tpu.memref_slice %arg15[%add3A_522] : memref<196608xf32, #tpu.memory_space<hbm>> -> memref<512xf32, #tpu.memory_space<hbm>>
      tpu.enqueue_dma source(%arg46 : memref<512xf32, #tpu.memory_space<vmem>>) target(%dma_start3A_540 : memref<512xf32, #tpu.memory_space<hbm>>) target_semaphore(%run_scoped3A : memref<!tpu.dma_semaphore, #tpu.memory_space<semaphore_mem>>)
      %dma_wait3A_541 = tpu.memref_slice %arg15[%add3A_522] : memref<196608xf32, #tpu.memory_space<hbm>> -> memref<512xf32, #tpu.memory_space<hbm>>
      %dma_wait3A_542 = tpu.memref_slice %arg15[%add3A_522] : memref<196608xf32, #tpu.memory_space<hbm>> -> memref<512xf32, #tpu.memory_space<hbm>>
      tpu.wait_dma2 semaphore(%run_scoped3A : memref<!tpu.dma_semaphore, #tpu.memory_space<semaphore_mem>>) src(%arg46 : memref<512xf32, #tpu.memory_space<vmem>>) dst(%dma_wait3A_542 : memref<512xf32, #tpu.memory_space<hbm>>)
      tpu.yield
    }) : () -> ()
    %add3A_523 = arith.constant 65536 : i32
    %add3A_524 = arith.addi %add3A_523, %mul3A_2 : i32
    "tpu.region"() ({
      %run_scoped3A = tpu.sem_alloc : memref<!tpu.dma_semaphore, #tpu.memory_space<semaphore_mem>>
      %dma_start3A_539 = tpu.memref_slice %arg15[%add3A_524] : memref<196608xf32, #tpu.memory_space<hbm>> -> memref<512xf32, #tpu.memory_space<hbm>>
      %dma_start3A_540 = tpu.memref_slice %arg15[%add3A_524] : memref<196608xf32, #tpu.memory_space<hbm>> -> memref<512xf32, #tpu.memory_space<hbm>>
      tpu.enqueue_dma source(%arg47 : memref<512xf32, #tpu.memory_space<vmem>>) target(%dma_start3A_540 : memref<512xf32, #tpu.memory_space<hbm>>) target_semaphore(%run_scoped3A : memref<!tpu.dma_semaphore, #tpu.memory_space<semaphore_mem>>)
      %dma_wait3A_541 = tpu.memref_slice %arg15[%add3A_524] : memref<196608xf32, #tpu.memory_space<hbm>> -> memref<512xf32, #tpu.memory_space<hbm>>
      %dma_wait3A_542 = tpu.memref_slice %arg15[%add3A_524] : memref<196608xf32, #tpu.memory_space<hbm>> -> memref<512xf32, #tpu.memory_space<hbm>>
      tpu.wait_dma2 semaphore(%run_scoped3A : memref<!tpu.dma_semaphore, #tpu.memory_space<semaphore_mem>>) src(%arg47 : memref<512xf32, #tpu.memory_space<vmem>>) dst(%dma_wait3A_542 : memref<512xf32, #tpu.memory_space<hbm>>)
      tpu.yield
    }) : () -> ()
    %add3A_525 = arith.constant 81920 : i32
    %add3A_526 = arith.addi %add3A_525, %mul3A_2 : i32
    "tpu.region"() ({
      %run_scoped3A = tpu.sem_alloc : memref<!tpu.dma_semaphore, #tpu.memory_space<semaphore_mem>>
      %dma_start3A_539 = tpu.memref_slice %arg15[%add3A_526] : memref<196608xf32, #tpu.memory_space<hbm>> -> memref<512xf32, #tpu.memory_space<hbm>>
      %dma_start3A_540 = tpu.memref_slice %arg15[%add3A_526] : memref<196608xf32, #tpu.memory_space<hbm>> -> memref<512xf32, #tpu.memory_space<hbm>>
      tpu.enqueue_dma source(%arg48 : memref<512xf32, #tpu.memory_space<vmem>>) target(%dma_start3A_540 : memref<512xf32, #tpu.memory_space<hbm>>) target_semaphore(%run_scoped3A : memref<!tpu.dma_semaphore, #tpu.memory_space<semaphore_mem>>)
      %dma_wait3A_541 = tpu.memref_slice %arg15[%add3A_526] : memref<196608xf32, #tpu.memory_space<hbm>> -> memref<512xf32, #tpu.memory_space<hbm>>
      %dma_wait3A_542 = tpu.memref_slice %arg15[%add3A_526] : memref<196608xf32, #tpu.memory_space<hbm>> -> memref<512xf32, #tpu.memory_space<hbm>>
      tpu.wait_dma2 semaphore(%run_scoped3A : memref<!tpu.dma_semaphore, #tpu.memory_space<semaphore_mem>>) src(%arg48 : memref<512xf32, #tpu.memory_space<vmem>>) dst(%dma_wait3A_542 : memref<512xf32, #tpu.memory_space<hbm>>)
      tpu.yield
    }) : () -> ()
    %add3A_527 = arith.constant 98304 : i32
    %add3A_528 = arith.addi %add3A_527, %mul3A_2 : i32
    "tpu.region"() ({
      %run_scoped3A = tpu.sem_alloc : memref<!tpu.dma_semaphore, #tpu.memory_space<semaphore_mem>>
      %dma_start3A_539 = tpu.memref_slice %arg15[%add3A_528] : memref<196608xf32, #tpu.memory_space<hbm>> -> memref<512xf32, #tpu.memory_space<hbm>>
      %dma_start3A_540 = tpu.memref_slice %arg15[%add3A_528] : memref<196608xf32, #tpu.memory_space<hbm>> -> memref<512xf32, #tpu.memory_space<hbm>>
      tpu.enqueue_dma source(%arg49 : memref<512xf32, #tpu.memory_space<vmem>>) target(%dma_start3A_540 : memref<512xf32, #tpu.memory_space<hbm>>) target_semaphore(%run_scoped3A : memref<!tpu.dma_semaphore, #tpu.memory_space<semaphore_mem>>)
      %dma_wait3A_541 = tpu.memref_slice %arg15[%add3A_528] : memref<196608xf32, #tpu.memory_space<hbm>> -> memref<512xf32, #tpu.memory_space<hbm>>
      %dma_wait3A_542 = tpu.memref_slice %arg15[%add3A_528] : memref<196608xf32, #tpu.memory_space<hbm>> -> memref<512xf32, #tpu.memory_space<hbm>>
      tpu.wait_dma2 semaphore(%run_scoped3A : memref<!tpu.dma_semaphore, #tpu.memory_space<semaphore_mem>>) src(%arg49 : memref<512xf32, #tpu.memory_space<vmem>>) dst(%dma_wait3A_542 : memref<512xf32, #tpu.memory_space<hbm>>)
      tpu.yield
    }) : () -> ()
    %add3A_529 = arith.constant 114688 : i32
    %add3A_530 = arith.addi %add3A_529, %mul3A_2 : i32
    "tpu.region"() ({
      %run_scoped3A = tpu.sem_alloc : memref<!tpu.dma_semaphore, #tpu.memory_space<semaphore_mem>>
      %dma_start3A_539 = tpu.memref_slice %arg15[%add3A_530] : memref<196608xf32, #tpu.memory_space<hbm>> -> memref<512xf32, #tpu.memory_space<hbm>>
      %dma_start3A_540 = tpu.memref_slice %arg15[%add3A_530] : memref<196608xf32, #tpu.memory_space<hbm>> -> memref<512xf32, #tpu.memory_space<hbm>>
      tpu.enqueue_dma source(%arg50 : memref<512xf32, #tpu.memory_space<vmem>>) target(%dma_start3A_540 : memref<512xf32, #tpu.memory_space<hbm>>) target_semaphore(%run_scoped3A : memref<!tpu.dma_semaphore, #tpu.memory_space<semaphore_mem>>)
      %dma_wait3A_541 = tpu.memref_slice %arg15[%add3A_530] : memref<196608xf32, #tpu.memory_space<hbm>> -> memref<512xf32, #tpu.memory_space<hbm>>
      %dma_wait3A_542 = tpu.memref_slice %arg15[%add3A_530] : memref<196608xf32, #tpu.memory_space<hbm>> -> memref<512xf32, #tpu.memory_space<hbm>>
      tpu.wait_dma2 semaphore(%run_scoped3A : memref<!tpu.dma_semaphore, #tpu.memory_space<semaphore_mem>>) src(%arg50 : memref<512xf32, #tpu.memory_space<vmem>>) dst(%dma_wait3A_542 : memref<512xf32, #tpu.memory_space<hbm>>)
      tpu.yield
    }) : () -> ()
    %add3A_531 = arith.constant 131072 : i32
    %add3A_532 = arith.addi %add3A_531, %mul3A_2 : i32
    "tpu.region"() ({
      %run_scoped3A = tpu.sem_alloc : memref<!tpu.dma_semaphore, #tpu.memory_space<semaphore_mem>>
      %dma_start3A_539 = tpu.memref_slice %arg15[%add3A_532] : memref<196608xf32, #tpu.memory_space<hbm>> -> memref<512xf32, #tpu.memory_space<hbm>>
      %dma_start3A_540 = tpu.memref_slice %arg15[%add3A_532] : memref<196608xf32, #tpu.memory_space<hbm>> -> memref<512xf32, #tpu.memory_space<hbm>>
      tpu.enqueue_dma source(%arg51 : memref<512xf32, #tpu.memory_space<vmem>>) target(%dma_start3A_540 : memref<512xf32, #tpu.memory_space<hbm>>) target_semaphore(%run_scoped3A : memref<!tpu.dma_semaphore, #tpu.memory_space<semaphore_mem>>)
      %dma_wait3A_541 = tpu.memref_slice %arg15[%add3A_532] : memref<196608xf32, #tpu.memory_space<hbm>> -> memref<512xf32, #tpu.memory_space<hbm>>
      %dma_wait3A_542 = tpu.memref_slice %arg15[%add3A_532] : memref<196608xf32, #tpu.memory_space<hbm>> -> memref<512xf32, #tpu.memory_space<hbm>>
      tpu.wait_dma2 semaphore(%run_scoped3A : memref<!tpu.dma_semaphore, #tpu.memory_space<semaphore_mem>>) src(%arg51 : memref<512xf32, #tpu.memory_space<vmem>>) dst(%dma_wait3A_542 : memref<512xf32, #tpu.memory_space<hbm>>)
      tpu.yield
    }) : () -> ()
    %add3A_533 = arith.constant 147456 : i32
    %add3A_534 = arith.addi %add3A_533, %mul3A_2 : i32
    "tpu.region"() ({
      %run_scoped3A = tpu.sem_alloc : memref<!tpu.dma_semaphore, #tpu.memory_space<semaphore_mem>>
      %dma_start3A_539 = tpu.memref_slice %arg15[%add3A_534] : memref<196608xf32, #tpu.memory_space<hbm>> -> memref<512xf32, #tpu.memory_space<hbm>>
      %dma_start3A_540 = tpu.memref_slice %arg15[%add3A_534] : memref<196608xf32, #tpu.memory_space<hbm>> -> memref<512xf32, #tpu.memory_space<hbm>>
      tpu.enqueue_dma source(%arg52 : memref<512xf32, #tpu.memory_space<vmem>>) target(%dma_start3A_540 : memref<512xf32, #tpu.memory_space<hbm>>) target_semaphore(%run_scoped3A : memref<!tpu.dma_semaphore, #tpu.memory_space<semaphore_mem>>)
      %dma_wait3A_541 = tpu.memref_slice %arg15[%add3A_534] : memref<196608xf32, #tpu.memory_space<hbm>> -> memref<512xf32, #tpu.memory_space<hbm>>
      %dma_wait3A_542 = tpu.memref_slice %arg15[%add3A_534] : memref<196608xf32, #tpu.memory_space<hbm>> -> memref<512xf32, #tpu.memory_space<hbm>>
      tpu.wait_dma2 semaphore(%run_scoped3A : memref<!tpu.dma_semaphore, #tpu.memory_space<semaphore_mem>>) src(%arg52 : memref<512xf32, #tpu.memory_space<vmem>>) dst(%dma_wait3A_542 : memref<512xf32, #tpu.memory_space<hbm>>)
      tpu.yield
    }) : () -> ()
    %add3A_535 = arith.constant 163840 : i32
    %add3A_536 = arith.addi %add3A_535, %mul3A_2 : i32
    "tpu.region"() ({
      %run_scoped3A = tpu.sem_alloc : memref<!tpu.dma_semaphore, #tpu.memory_space<semaphore_mem>>
      %dma_start3A_539 = tpu.memref_slice %arg15[%add3A_536] : memref<196608xf32, #tpu.memory_space<hbm>> -> memref<512xf32, #tpu.memory_space<hbm>>
      %dma_start3A_540 = tpu.memref_slice %arg15[%add3A_536] : memref<196608xf32, #tpu.memory_space<hbm>> -> memref<512xf32, #tpu.memory_space<hbm>>
      tpu.enqueue_dma source(%arg53 : memref<512xf32, #tpu.memory_space<vmem>>) target(%dma_start3A_540 : memref<512xf32, #tpu.memory_space<hbm>>) target_semaphore(%run_scoped3A : memref<!tpu.dma_semaphore, #tpu.memory_space<semaphore_mem>>)
      %dma_wait3A_541 = tpu.memref_slice %arg15[%add3A_536] : memref<196608xf32, #tpu.memory_space<hbm>> -> memref<512xf32, #tpu.memory_space<hbm>>
      %dma_wait3A_542 = tpu.memref_slice %arg15[%add3A_536] : memref<196608xf32, #tpu.memory_space<hbm>> -> memref<512xf32, #tpu.memory_space<hbm>>
      tpu.wait_dma2 semaphore(%run_scoped3A : memref<!tpu.dma_semaphore, #tpu.memory_space<semaphore_mem>>) src(%arg53 : memref<512xf32, #tpu.memory_space<vmem>>) dst(%dma_wait3A_542 : memref<512xf32, #tpu.memory_space<hbm>>)
      tpu.yield
    }) : () -> ()
    %add3A_537 = arith.constant 180224 : i32
    %add3A_538 = arith.addi %add3A_537, %mul3A_2 : i32
    "tpu.region"() ({
      %run_scoped3A = tpu.sem_alloc : memref<!tpu.dma_semaphore, #tpu.memory_space<semaphore_mem>>
      %dma_start3A_539 = tpu.memref_slice %arg15[%add3A_538] : memref<196608xf32, #tpu.memory_space<hbm>> -> memref<512xf32, #tpu.memory_space<hbm>>
      %dma_start3A_540 = tpu.memref_slice %arg15[%add3A_538] : memref<196608xf32, #tpu.memory_space<hbm>> -> memref<512xf32, #tpu.memory_space<hbm>>
      tpu.enqueue_dma source(%arg54 : memref<512xf32, #tpu.memory_space<vmem>>) target(%dma_start3A_540 : memref<512xf32, #tpu.memory_space<hbm>>) target_semaphore(%run_scoped3A : memref<!tpu.dma_semaphore, #tpu.memory_space<semaphore_mem>>)
      %dma_wait3A_541 = tpu.memref_slice %arg15[%add3A_538] : memref<196608xf32, #tpu.memory_space<hbm>> -> memref<512xf32, #tpu.memory_space<hbm>>
      %dma_wait3A_542 = tpu.memref_slice %arg15[%add3A_538] : memref<196608xf32, #tpu.memory_space<hbm>> -> memref<512xf32, #tpu.memory_space<hbm>>
      tpu.wait_dma2 semaphore(%run_scoped3A : memref<!tpu.dma_semaphore, #tpu.memory_space<semaphore_mem>>) src(%arg54 : memref<512xf32, #tpu.memory_space<vmem>>) dst(%dma_wait3A_542 : memref<512xf32, #tpu.memory_space<hbm>>)
      tpu.yield
    }) : () -> ()
    return
  }
}

module attributes {stable_mosaic.version = 14 : i64} {
  func.func @_tc_body(%arg0: memref<128x128xf32, #tpu.memory_space<vmem>>, %arg1: memref<192x1024xf32, #tpu.memory_space<vmem>>, %arg2: memref<1x1xf32, #tpu.memory_space<smem>>, %arg3: memref<1x1xf32, #tpu.memory_space<smem>>) attributes {dimension_semantics = [], scalar_prefetch = 0 : i64, scratch_operands = 0 : i64, tpu.core_type = #tpu.core_type<tc>} {
    %get3A = arith.constant 0 : index
    %get3A_0 = arith.constant 0 : index
    %get3A_1 = vector.load %arg0[%get3A, %get3A_0] : memref<128x128xf32, #tpu.memory_space<vmem>>, vector<128x128xf32>
    %neg3A = arith.constant 0.000000e+00 : f32
    %neg3A_2 = vector.broadcast %neg3A : f32 to vector<128x128xf32>
    %neg3A_3 = arith.subf %neg3A_2, %get3A_1 : vector<128x128xf32>
    %max3A = arith.constant 0.000000e+00 : f32
    %max3A_4 = vector.broadcast %max3A : f32 to vector<128x128xf32>
    %max3A_5 = arith.maximumf %neg3A_3, %max3A_4 : vector<128x128xf32>
    %abs3A = math.absf %get3A_1 : vector<128x128xf32>
    %neg3A_6 = arith.constant 0.000000e+00 : f32
    %neg3A_7 = vector.broadcast %neg3A_6 : f32 to vector<128x128xf32>
    %neg3A_8 = arith.subf %neg3A_7, %abs3A : vector<128x128xf32>
    %exp3A = math.exp %neg3A_8 : vector<128x128xf32>
    %log1p3A = math.log1p %exp3A : vector<128x128xf32>
    %add3A = arith.addf %max3A_5, %log1p3A : vector<128x128xf32>
    %reduce_sum3A = vector.shape_cast %add3A : vector<128x128xf32> to vector<1x128x128xf32>
    %reduce_sum3A_9 = arith.constant dense<0.000000e+00> : vector<1xf32>
    %reduce_sum3A_10 = vector.multi_reduction <add>, %reduce_sum3A, %reduce_sum3A_9 [1, 2] : vector<1x128x128xf32> to vector<1xf32>
    %reduce_sum3A_11 = vector.shape_cast %reduce_sum3A_10 : vector<1xf32> to vector<1x1x1xf32>
    %reduce_sum3A_12 = vector.extract %reduce_sum3A_11[0, 0, 0] : f32 from vector<1x1x1xf32>
    %swap3A = arith.constant 0 : index
    %swap3A_13 = arith.constant 0 : index
    %swap3A_14 = memref.load %arg2[%swap3A, %swap3A_13] : memref<1x1xf32, #tpu.memory_space<smem>>
    memref.store %reduce_sum3A_12, %arg2[%swap3A, %swap3A_13] : memref<1x1xf32, #tpu.memory_space<smem>>
    %get3A_15 = arith.constant 0 : index
    %get3A_16 = arith.constant 0 : index
    %get3A_17 = vector.load %arg1[%get3A_15, %get3A_16] : memref<192x1024xf32, #tpu.memory_space<vmem>>, vector<192x1024xf32>
    %sqrt3A = math.sqrt %get3A_17 : vector<192x1024xf32>
    %reduce_sum3A_18 = vector.shape_cast %sqrt3A : vector<192x1024xf32> to vector<1x192x1024xf32>
    %reduce_sum3A_19 = arith.constant dense<0.000000e+00> : vector<1xf32>
    %reduce_sum3A_20 = vector.multi_reduction <add>, %reduce_sum3A_18, %reduce_sum3A_19 [1, 2] : vector<1x192x1024xf32> to vector<1xf32>
    %reduce_sum3A_21 = vector.shape_cast %reduce_sum3A_20 : vector<1xf32> to vector<1x1x1xf32>
    %reduce_sum3A_22 = vector.extract %reduce_sum3A_21[0, 0, 0] : f32 from vector<1x1x1xf32>
    %mul3A = arith.constant 1.000000e-03 : f32
    %mul3A_23 = arith.mulf %mul3A, %reduce_sum3A_22 : f32
    %swap3A_24 = arith.constant 0 : index
    %swap3A_25 = arith.constant 0 : index
    %swap3A_26 = memref.load %arg3[%swap3A_24, %swap3A_25] : memref<1x1xf32, #tpu.memory_space<smem>>
    memref.store %mul3A_23, %arg3[%swap3A_24, %swap3A_25] : memref<1x1xf32, #tpu.memory_space<smem>>
    return
  }
}

</mosaic_0001>

<sc_bundles>
// kernel: kernel.4.cloned.1.call-start
scs
__scs_entry_jumppad:
0x0: {  	(pc) =	sbr.rel $0x88, $3  }
0x1: {  	(tag) =	ssettag $0x0;
	lr =	simm.s32 $0x1  }
0x2: {  	[smem:$0x3F95] =	sst lr;
	_ =	strace $0xD0000000  }
0x3: {  	_ = 	snop  }
0x4: {  	_ = 	snop  }
0x5: {  	_ = 	snop  }
0x6: {  	_ = 	snop  }
0x7: {  	_ = 	snop  }
__scs_overlays_trampoline_lowered:
0x8: {  	[smem:$0x3FA4] =	sst s0  }
0x9: {  	[smem:$0x3FA5] =	sst s1  }
0xa: {  	[smem:$0x3FA6] =	sst s2  }
0xb: {  	[smem:$0x3FA7] =	sst s3  }
0xc: {  	[smem:$0x3FA8] =	sst s4  }
0xd: {  	[smem:$0x3FA9] =	sst s5  }
0xe: {  	[smem:$0x3FAA] =	sst s6  }
0xf: {  	[smem:$0x3FAB] =	sst s7  }
0x10: {  	[smem:$0x3FAC] =	sst s8  }
0x11: {  	[smem:$0x3FAD] =	sst s9;
	s0 =	simm.s32 @!p0 $0x0  }
0x12: {  	s1 =	sld [smem:$0x3F93];
	s0 =	simm.s32 @p0 $0x1  }
0x13: {  	[smem:$0x3FAE] =	sst s0;
	s0 =	simm.s32 @!p1 $0x0  }
0x14: {  	s2 =	sld [smem:$0x3F92];
	s0 =	simm.s32 @p1 $0x1  }
0x15: {  	[smem:$0x3FAF] =	sst s0;
	s0 =	simm.s32 @!p2 $0x0  }
0x16: {  	s3 =	sld [smem:$0x3FDB];
	s0 =	simm.s32 @p2 $0x1  }
0x17: {  	s4 =	simm.s32 $0x1BF5;
	[smem:$0x3FB1] =	sst s0  }
0x18: {  	s0 =	sld [smem:$0x3F94];
	_ =	swait.ge [sflag:s4], $0x0  }
0x19: {  	s7 =	sld [smem:$0x3F95]  }
0x1a: {  	s8 =	sadd.s32 $0xFFFFE003, lr  }
0x1b: {  	s9 =	sadd.s32 $0xFFFFFEF7, lr;
	s5 =	simm.s32 $0xFFFFFFFF;
	p2 =	slt.u32 s8, $0xFFFFF086  }
0x1c: {  	p1 =	slt.u32 s9, $0xF7A;
	s5 =	simm.s32 @!p2 $0x0  }
0x1d: {  	s5 =	simm.s32 @p1 $0x1;
	p0 =	seq.s32 s7, s2  }
0x1e: {  	s7 =	smul.u32 @!p0 $0xF7A, s2;
	p2 =	seq.s32 @!p0 s5, $0x0  }
0x1f: {  	s9 =	smul.u32 $0xF7A, s1;
	s8 =	simm.s32 @!p0 $0x1BF5;
	p2 =	por !p2, p0  }
0x20: {  	[sflag:s8] =	ssyncset.s32 @!p0 $0xFFFFF086;
	s6 =	sadd.s32 @!p0 s3, s7;
	s7 =	simm.s32 @!p0 $0x108  }
0x21: {  	s3 =	sadd.s32 s3, s9;
	s6 =	sadd.s32 @!p0 $0x88, s6;
	s7 =	simm.s32 @p2 $0x1082  }
0x22: {  	[simem:s7], [sflag:s8] =	dma.local @!p0 [hbm:s6], $0xF7A  }
0x23: {  	s9 =	sor.u32 $0xD0000000, s2;
	s6 =	simm.s32 $0x108;
	_ =	swait.ge @!p0 [sflag:s8], $0x0  }
0x24: {  	s3 =	sadd.s32 $0x88, s3;
	s6 =	simm.s32 @!p1 $0x1082;
	[sflag:s4] =	ssyncset.s32 $0xFFFFF086  }
0x25: {  	[simem:s6], [sflag:s4] =	dma.local [hbm:s3], $0xF7A  }
0x26: {  	[smem:$0x3F95] =	sst s1;
	(tag) =	ssettag s2;
	_ =	strace s9  }
0x27: {  	s1 =	sld [smem:$0x3FA5]  }
0x28: {  	s2 =	sld [smem:$0x3FA6]  }
0x29: {  	s4 =	sld [smem:$0x3FA8]  }
0x2a: {  	p0 =	seq.s32 s5, $0x0;
	s5 =	sld [smem:$0x3FA9]  }
0x2b: {  	s6 =	sld [smem:$0x3FAA]  }
0x2c: {  	s7 =	sld [smem:$0x3FAB]  }
0x2d: {  	s3 =	simm.s32 $0x108;
	s8 =	sld [smem:$0x3FAC]  }
0x2e: {  	s3 =	simm.s32 @!p0 $0x1082;
	s9 =	sld [smem:$0x3FAD]  }
0x2f: {  	lr =	sadd.s32 s0, s3;
	s0 =	sld [smem:$0x3FA4]  }
0x30: {  	s3 =	sld [smem:$0x3FA7]  }
0x31: {  	[smem:$0x3FB0] =	sst s10  }
0x32: {  	s10 =	sld [smem:$0x3FAE];
	_ =	sdelay $0x3  }
0x33: {  	p0 =	seq.s32 s10, $0x1;
	s10 =	sld [smem:$0x3FB0];
	_ =	sdelay $0x3  }
0x34: {  	[smem:$0x3FB0] =	sst s10  }
0x35: {  	s10 =	sld [smem:$0x3FAF];
	_ =	sdelay $0x3  }
0x36: {  	p1 =	seq.s32 s10, $0x1;
	s10 =	sld [smem:$0x3FB0];
	_ =	sdelay $0x3  }
0x37: {  	[smem:$0x3FB0] =	sst s10  }
0x38: {  	s10 =	sld [smem:$0x3FB1]  }
0x39: {  	_ = 	snop;
	(pc) =	sbr.ind lr, $3  }
0x3a: {  	_ = 	snop  }
0x3b: {  	_ = 	snop  }
0x3c: {  	p2 =	seq.s32 s10, $0x1;
	s10 =	sld [smem:$0x3FB0]  }
0x3d: {  	_ =	shalt  }
0x3e: {  	_ =	shalt  }
0x3f: {  	_ =	shalt  }
0x40: {  	_ =	shalt  }
0x41: {  	_ =	shalt  }
0x42: {  	_ =	shalt  }
0x43: {  	_ =	shalt  }
0x44: {  	_ =	shalt  }
0x45: {  	_ =	shalt  }
0x46: {  	_ =	shalt  }
0x47: {  	_ =	shalt  }
0x48: {  	_ =	shalt  }
0x49: {  	_ =	shalt  }
0x4a: {  	_ =	shalt  }
0x4b: {  	_ =	shalt  }
0x4c: {  	_ =	shalt  }
0x4d: {  	_ =	shalt  }
0x4e: {  	_ =	shalt  }
0x4f: {  	_ =	shalt  }
0x50: {  	_ =	shalt  }
0x51: {  	_ =	shalt  }
0x52: {  	_ =	shalt  }
0x53: {  	_ =	shalt  }
0x54: {  	_ =	shalt  }
0x55: {  	_ =	shalt  }
0x56: {  	_ =	shalt  }
0x57: {  	_ =	shalt  }
0x58: {  	_ =	shalt  }
0x59: {  	_ =	shalt  }
0x5a: {  	_ =	shalt  }
0x5b: {  	_ =	shalt  }
0x5c: {  	_ =	shalt  }
0x5d: {  	_ =	shalt  }
0x5e: {  	_ =	shalt  }
0x5f: {  	_ =	shalt  }
0x60: {  	_ =	shalt  }
0x61: {  	_ =	shalt  }
0x62: {  	_ =	shalt  }
0x63: {  	_ =	shalt  }
0x64: {  	_ =	shalt  }
0x65: {  	_ =	shalt  }
0x66: {  	_ =	shalt  }
0x67: {  	_ =	shalt  }
0x68: {  	_ =	shalt  }
0x69: {  	_ =	shalt  }
0x6a: {  	_ =	shalt  }
0x6b: {  	_ =	shalt  }
0x6c: {  	_ =	shalt  }
0x6d: {  	_ =	shalt  }
0x6e: {  	_ =	shalt  }
0x6f: {  	_ =	shalt  }
0x70: {  	_ =	shalt  }
0x71: {  	_ =	shalt  }
0x72: {  	_ =	shalt  }
0x73: {  	_ =	shalt  }
0x74: {  	_ =	shalt  }
0x75: {  	_ =	shalt  }
0x76: {  	_ =	shalt  }
0x77: {  	_ =	shalt  }
0x78: {  	_ =	shalt  }
0x79: {  	_ =	shalt  }
0x7a: {  	_ =	shalt  }
0x7b: {  	_ =	shalt  }
0x7c: {  	_ =	shalt  }
0x7d: {  	_ =	shalt  }
0x7e: {  	_ =	shalt  }
0x7f: {  	_ =	shalt  }
0x80: {  	_ =	shalt  }
0x81: {  	_ =	shalt  }
0x82: {  	_ =	shalt  }
0x83: {  	_ =	shalt  }
0x84: {  	_ =	shalt  }
0x85: {  	_ =	shalt  }
0x86: {  	_ =	shalt  }
0x87: {  	_ =	shalt  }
.Lfunc_end0:
.L_simem_size_0:
called_computation_lowered:
.L_overlay_start_0:
0x88: {  	s2 =	sld [smem:$0x3FD9]  }
0x89: {  	s3 =	sld [smem:$0x3FFE];
	_ =	sdelay $0x1  }
0x8a: {  	s1 =	srdreg.scid  }
0x8b: {  	s0 =	sand.u32 $0x1, s1  }
0x8c: {  	s17 =	sshll.u32 s0, $0xA;
	s2 =	sadd.s32 s3, s2  }
0x8d: {  	s2 =	sadd.s32 s2, s17  }
0x8e: {  	[smem:$0x3FBC] =	sst s2  }
0x8f: {  	_ = 	snop  }
0x90: {  	s2 =	sld [smem:$0x3FC9]  }
0x91: {  	s18 =	sld [smem:$0x3FC8]  }
0x92: {  	s4 =	sld [smem:$0x3FC7]  }
0x93: {  	s5 =	sld [smem:$0x3FC6]  }
0x94: {  	s6 =	sld [smem:$0x3FC5]  }
0x95: {  	s7 =	sld [smem:$0x3FC4]  }
0x96: {  	s8 =	sld [smem:$0x3FC3]  }
0x97: {  	s9 =	sld [smem:$0x3FC2];
	(tm) =	ssettm $0x1  }
0x98: {  	s10 =	sld [smem:$0x3FFB];
	_ =	sdelay $0x3  }
0x99: {  	_ =	strace s10  }
0x9a: {  	s10 =	sld [smem:$0x3FFC];
	_ =	sdelay $0x3  }
0x9b: {  	_ =	strace s10  }
0x9c: {  	s10 =	sld [smem:$0x3FFD];
	_ =	sdelay $0x3  }
0x9d: {  	_ =	strace s10  }
0x9e: {  	_ =	strace $0x8FFFFFFF  }
0x9f: {  	s19 =	sld [smem:$0x3FDB];
	_ =	sdelay $0x1  }
0xa0: {  	s11 =	simm.s32 $_scs_section_size  }
0xa1: {  	s12 =	simm.s32 $_size__tile_overlayer_lowered;
	s13 =	simm.s32 $_tile_overlayer_lowered  }
0xa2: {  	s22 =	simm.s32 $0x1BFF;
	s21 =	sshll.u32 s13, $0x1;
	s10 =	sadd.s32 s11, s19  }
0xa3: {  	s14 =	simm.s32 $0x0;
	s20 =	sshll.u32 s12, $0x1;
	s12 =	sadd.s32 s21, s10  }
0xa4: {  	[timem:s14], [sflag:s22] =	dma.local [hbm:s12], s20  }
0xa5: {  	_ =	swait.ge [sflag:s22], s20  }
0xa6: {  	s11 =	ssub.s32 $0x0, s20;
	[sflag:s22] =	ssyncset.done $0x0  }
0xa7: {  	[sflag:s22] =	ssyncadd.s32 s11;
	_ =	sdelay $0x1  }
0xa8: {  	s23 =	simm.s32 $0x1B8B  }
0xa9: {  	_ =	swait.ge [sflag:s23], $0x1  }
0xaa: {  	[sflag:s23] =	ssyncset.done $0x0  }
0xab: {  	s25 =	simm.s32 $0x1B8E;
	s24 =	sld [smem:$0x3FFE];
	[sflag:s23] =	ssyncadd.s32 $0xFFFFFFFF  }
0xac: {  	s26 =	simm.s32 $execute0_lowered;
	[smem:$0x3FD2] =	sst s25  }
0xad: {  	s12 =	sshll.u32 s26, $0x1;
	_ =	strace $0x80000046;
	[dreg:$0x1] =	wrdreg $0xFFFFFFFF  }
0xae: {  	s28 =	simm.s32 $_size_execute0_lowered;
	s10 =	sadd.s32 s10, s12;
	[dreg:$0x0] =	wrdreg $0x0  }
0xaf: {  	s12 =	sshll.u32 s28, $0x1;
	[dreg:$0x2] =	wrdreg s10  }
0xb0: {  	[dreg:$0x3] =	wrdreg s12  }
0xb1: {  	[dreg:$0x4] =	wrdreg $0xC0  }
0xb2: {  	_ =	task [dreg:s14], $0x5FFFF  }
0xb3: {  	[dreg:$0x1] =	wrdreg $0xFFFFFFFF  }
0xb4: {  	[dreg:$0x0] =	wrdreg $0x60  }
0xb5: {  	[dreg:$0x2] =	wrdreg s2  }
0xb6: {  	[dreg:$0x3] =	wrdreg s18  }
0xb7: {  	[dreg:$0x4] =	wrdreg s4  }
0xb8: {  	[dreg:$0x5] =	wrdreg s5  }
0xb9: {  	[dreg:$0x6] =	wrdreg s6  }
0xba: {  	[dreg:$0x7] =	wrdreg s7  }
0xbb: {  	[dreg:$0x8] =	wrdreg s8  }
0xbc: {  	[dreg:$0x9] =	wrdreg s9  }
0xbd: {  	[dreg:$0xa] =	wrdreg s24  }
0xbe: {  	[dreg:$0xb] =	wrdreg $0x9  }
0xbf: {  	_ =	task.clear_ibuf [dreg:s14], $0xCFFFF;
	_ =	strace $0x90000046  }
0xc0: {  	s29 =	simm.s32 $0x9;
	_ =	strace $0x80000048  }
0xc1: {  	_ =	swait.ge [sflag:s29], $0x1  }
0xc2: {  	[sflag:s29] =	ssyncadd.s32 $0xFFFFFFFF  }
0xc3: {  	_ =	strace $0x90000048  }
0xc4: {  	_ =	sfence  }
0xc5: {  	s30 =	sld [smem:$0x0];
	_ =	sdelay $0x2  }
0xc6: {  	s31 =	sshll.u32 s1, $0xD;
	s1 =	sshrl.u32 s1, $0x2  }
0xc7: {  	s3 =	sand.u32 $0x4000, s31;
	s1 =	sadd.s32 s1, s30  }
0xc8: {  	s0 =	sor.u32 s3, s0;
	s1 =	sshll.u32 s1, $0x11  }
0xc9: {  	s0 =	sor.u32 s1, s0  }
0xca: {  	s0 =	sadd.s32 $0x8F2B, s0  }
0xcb: {  	[sflag:s0] =	ssyncadd.remote.s32 $0x1  }
0xcc: {  	_ =	sfence.sel $0xFFFF  }
0xcd: {  	[dreg:$0x0] =	wrdreg $0xFFFFFFFF;
	(pc) =	sbr.abs _section_cstart, $3  }
0xce: {  	[dreg:$0x1] =	wrdreg $0xFFFFFFFF  }
0xcf: {  	_ =	task.clear_ibuf [dreg:s14], $0x2FFFF;
	_ =	strace $0x9FFFFFFF  }
0xd0: {  	(tm) =	ssettm $0x7FFFFFFF  }
0xd1: {  	_ =	shalt  }
tec
execute0_lowered:
.L_overlay_start_1:
0x0: {  	(tag) =	ssettag $0x1  }
0x1: {  	s0 =	rddreg [dreg:$0x0]  }
0x2: {  	s2 =	rddreg [dreg:$0x1]  }
0x3: {  	s7 =	rddreg [dreg:$0x2]  }
0x4: {  	s8 =	rddreg [dreg:$0x3]  }
0x5: {  	s9 =	rddreg [dreg:$0x4]  }
0x6: {  	s10 =	rddreg [dreg:$0x5]  }
0x7: {  	s11 =	rddreg [dreg:$0x6]  }
0x8: {  	s12 =	rddreg [dreg:$0x7]  }
0x9: {  	s13 =	rddreg [dreg:$0x8]  }
0xa: {  	s1 =	simm.s32 $0x0;
	s5 =	srdreg.scid;
	s6 =	stileid.u32  }
0xb: {  	s30 =	simm.s32 $0x2;
	s31 =	simm.s32 $0x1C00;
	s5 =	sand.u32 $0x1, s5  }
0xc: {  	[smem:$0x7FF] =	sst s1;
	s6 =	sshll.u32 s6, $0x7;
	s14 =	sshll.u32 s5, $0x6  }
0xd: {  	s3 =	sadd.s32 $0xF44000, s13;
	s4 =	sadd.s32 $0x188600, s13;
	s14 =	sor.u32 s14, s6  }
0xe: {  	_ =	strace $0x80000047;
	s15 =	ssub.s32 $0x2, s5;
	s0 =	sadd.s32 s0, s14  }
0xf: {  	s5 =	sadd.s32 $0x2DC8800, s13;
	s2 =	sadd.s32 s2, s14;
	[dreg:$0xa] =	wrdreg s0  }
0x10: {  	s16 =	sshrl.u32 s15, $0x1;
	s7 =	sadd.s32 s7, s14;
	[dreg:$0xb] =	wrdreg s2  }
0x11: {  	s6 =	sadd.s32 $0x495A00, s13;
	s8 =	sadd.s32 s8, s14;
	[dreg:$0xc] =	wrdreg s7  }
0x12: {  	s13 =	sadd.s32 s14, s13;
	s9 =	sadd.s32 s9, s14;
	[dreg:$0xd] =	wrdreg s8  }
0x13: {  	s15 =	ssub.s32 s15, s16;
	s16 =	sadd.s32 s10, s14;
	[dreg:$0xe] =	wrdreg s9  }
0x14: {  	s17 =	sadd.s32 s11, s14;
	s18 =	sadd.s32 s12, s14;
	[dreg:$0xf] =	wrdreg s16  }
0x15: {  	s10 =	simm.s32 $0x2C00;
	s11 =	simm.s32 $0x4C00;
	[dreg:$0x10] =	wrdreg s17  }
0x16: {  	s12 =	simm.s32 $0x6C00;
	s14 =	simm.s32 $0xAC00;
	[dreg:$0x11] =	wrdreg s18  }
0x17: {  	s19 =	sadd.s32 $0x7C00, s13;
	s20 =	sadd.s32 $0x1C00, s13;
	s21 =	sadd.s32 $0x2400, s13  }
0x18: {  	s22 =	sadd.s32 $0x2C00, s13;
	s23 =	sadd.s32 $0x3400, s13;
	[dreg:$0x12] =	wrdreg s19  }
0x19: {  	s24 =	sadd.s32 $0x3C00, s13;
	s25 =	sadd.s32 $0x4400, s13;
	[dreg:$0x13] =	wrdreg s20  }
0x1a: {  	s26 =	sadd.s32 $0x4C00, s13;
	s28 =	sadd.s32 $0x7400, s13;
	[dreg:$0x14] =	wrdreg s21  }
0x1b: {  	s29 =	smax.u32 s15, $0x1;
	s9 =	simm.s32 $0x80;
	[dreg:$0x15] =	wrdreg s22  }
0x1c: {  	s0 =	simm.s32 $0x3C00;
	s2 =	simm.s32 $0x5C00;
	[dreg:$0x16] =	wrdreg s23  }
0x1d: {  	s7 =	simm.s32 $0x7C00;
	s8 =	simm.s32 $0x9C00;
	[dreg:$0x17] =	wrdreg s24  }
0x1e: {  	s15 =	simm.s32 $0xBC00;
	s16 =	simm.s32 $0xCC00;
	[dreg:$0x18] =	wrdreg s25  }
0x1f: {  	s17 =	simm.s32 $0x1;
	s18 =	simm.s32 $0x0;
	[dreg:$0x19] =	wrdreg s26  }
0x20: {  	v0 =	vlaneseq.u32;
	s23 =	sadd.s32 $0x5400, s13;
	s24 =	sadd.s32 $0x5C00, s13;
	s25 =	sadd.s32 $0x6400, s13  }
0x21: {  	v0 =	vmul.u32 $0x20, v0;
	s26 =	sadd.s32 $0x6C00, s13;
	s22 =	simm.s32 $0x200;
	s13 =	simm.s32 $0x8C00  }
.LBB2_1:
0x22: {  	s19 =	rddreg [dreg:$0xa]  }
0x23: {  	[tilespmem:s1], [sflag:$0x2] =	stream.linear.gather [hbm4b:s19+s1], $0x200, $0x38;
	[tilespmem:$0xF600] =	vst v63  }
0x24: {  	_ =	swait.ge [sflag:s30], $0x200  }
0x25: {  	[sflag:s30] =	ssyncset.done $0x0  }
0x26: {  	s20 =	rddreg [dreg:$0xb];
	[sflag:s30] =	ssyncadd.s32 $0xFFFFFE00  }
0x27: {  	[tilespmem:s22], [sflag:$0x2] =	stream.linear.gather [hbm4b:s20+s1], $0x200, $0x38;
	[tilespmem:$0xF600] =	vst v63  }
0x28: {  	_ =	swait.ge [sflag:s30], $0x200  }
0x29: {  	[sflag:s30] =	ssyncset.done $0x0  }
0x2a: {  	s20 =	simm.s32 $0x400;
	s21 =	rddreg [dreg:$0xc];
	[sflag:s30] =	ssyncadd.s32 $0xFFFFFE00  }
0x2b: {  	[tilespmem:s20], [sflag:$0x2] =	stream.linear.gather [hbm4b:s21+s1], $0x200, $0x38;
	[tilespmem:$0xF600] =	vst v63  }
0x2c: {  	_ =	swait.ge [sflag:s30], $0x200  }
0x2d: {  	[sflag:s30] =	ssyncset.done $0x0  }
0x2e: {  	s21 =	simm.s32 $0x600;
	s20 =	rddreg [dreg:$0xd];
	[sflag:s30] =	ssyncadd.s32 $0xFFFFFE00  }
0x2f: {  	[tilespmem:s21], [sflag:$0x2] =	stream.linear.gather [hbm4b:s20+s1], $0x200, $0x38;
	[tilespmem:$0xF600] =	vst v63  }
0x30: {  	_ =	swait.ge [sflag:s30], $0x200  }
0x31: {  	[sflag:s30] =	ssyncset.done $0x0  }
0x32: {  	s21 =	simm.s32 $0x800;
	s20 =	rddreg [dreg:$0xe];
	[sflag:s30] =	ssyncadd.s32 $0xFFFFFE00  }
0x33: {  	[tilespmem:s21], [sflag:$0x2] =	stream.linear.gather [hbm4b:s20+s1], $0x200, $0x38;
	[tilespmem:$0xF600] =	vst v63  }
0x34: {  	_ =	swait.ge [sflag:s30], $0x200  }
0x35: {  	[sflag:s30] =	ssyncset.done $0x0  }
0x36: {  	s21 =	simm.s32 $0xA00;
	s20 =	rddreg [dreg:$0xf];
	[sflag:s30] =	ssyncadd.s32 $0xFFFFFE00  }
0x37: {  	[tilespmem:s21], [sflag:$0x2] =	stream.linear.gather [hbm4b:s20+s1], $0x200, $0x38;
	[tilespmem:$0xF600] =	vst v63  }
0x38: {  	_ =	swait.ge [sflag:s30], $0x200  }
0x39: {  	[sflag:s30] =	ssyncset.done $0x0  }
0x3a: {  	s21 =	simm.s32 $0xC00;
	s20 =	rddreg [dreg:$0x10];
	[sflag:s30] =	ssyncadd.s32 $0xFFFFFE00  }
0x3b: {  	[tilespmem:s21], [sflag:$0x2] =	stream.linear.gather [hbm4b:s20+s1], $0x200, $0x38;
	[tilespmem:$0xF600] =	vst v63  }
0x3c: {  	_ =	swait.ge [sflag:s30], $0x200  }
0x3d: {  	[sflag:s30] =	ssyncset.done $0x0  }
0x3e: {  	s21 =	simm.s32 $0xE00;
	s20 =	rddreg [dreg:$0x11];
	[sflag:s30] =	ssyncadd.s32 $0xFFFFFE00  }
0x3f: {  	[tilespmem:s21], [sflag:$0x2] =	stream.linear.gather [hbm4b:s20+s1], $0x200, $0x38;
	[tilespmem:$0xF600] =	vst v63  }
0x40: {  	_ =	swait.ge [sflag:s30], $0x200  }
0x41: {  	[sflag:s30] =	ssyncset.done $0x0  }
0x42: {  	s19 =	simm.s32 $0x0;
	[sflag:s30] =	ssyncadd.s32 $0xFFFFFE00  }
0x43: {  	v1 =	vld [tilespmem:s19+$0xE00]  }
0x44: {  	v6 =	vld [tilespmem:s19+$0xC00]  }
0x45: {  	v9 =	vld [tilespmem:s19+$0xA00]  }
0x46: {  	v5 =	vld [tilespmem:s19+$0x0]  }
0x47: {  	v3 =	vld [tilespmem:s19+$0x200]  }
0x48: {  	v2 =	vld [tilespmem:s19+$0x400];
	v10 =	vmul.u32 $0x186A0, v1  }
0x49: {  	v4 =	vld [tilespmem:s19+$0x600];
	v8 =	vmul.u32 $0xF4240, v6  }
0x4a: {  	s20 =	simm.s32 $0x10;
	s21 =	simm.s32 $0x80;
	v7 =	vld [tilespmem:s19+$0x800];
	v1 =	vmul.u32 $0xF4240, v1;
	v6 =	vmul.u32 $0x186A0, v6;
	v9 =	vadd.s32 v10, v9  }
.LBB2_2:
0x4b: {  	p0 =	sne.s32 s21, $0x7C0;
	v10 =	vld [tilespmem:s20+$0xE00];
	v5 =	vadd.s32 v8, v5;
	[tilespmem:s19+$0x1A00] =	vst v9  }
0x4c: {  	v9 =	vld [tilespmem:s20+$0xC00];
	[tilespmem:s19+$0x1000] =	vst v5;
	v3 =	vadd.s32 v6, v3  }
0x4d: {  	v11 =	vld [tilespmem:s20+$0xA00];
	[tilespmem:s19+$0x1200] =	vst v3;
	v2 =	vadd.s32 v8, v2  }
.Ltmp0:
0x4e: {  	v5 =	vld [tilespmem:s20+$0x0];
	[tilespmem:s19+$0x1400] =	vst v2;
	v2 =	vadd.s32 v6, v4;
	(pc) =	sbr.rel @p0 .LBB2_2-.Ltmp0, $4  }
0x4f: {  	v3 =	vld [tilespmem:s20+$0x200];
	[tilespmem:s19+$0x1600] =	vst v2;
	v4 =	vadd.s32 v1, v7  }
0x50: {  	v2 =	vld [tilespmem:s20+$0x400];
	v1 =	vmul.u32 $0xF4240, v10;
	v10 =	vmul.u32 $0x186A0, v10;
	[tilespmem:s19+$0x1800] =	vst v4;
	s19 =	smov.u32 s20  }
0x51: {  	v8 =	vmul.u32 $0xF4240, v9;
	v6 =	vmul.u32 $0x186A0, v9;
	v4 =	vld [tilespmem:s19+$0x600]  }
0x52: {  	s20 =	sshra.s32 s21, $0x2;
	s21 =	sadd.s32 $0x40, s21;
	v7 =	vld [tilespmem:s19+$0x800];
	v9 =	vadd.s32 v10, v11  }
0x53: {  	v10 =	vld [tilespmem:s20+$0xE00];
	[tilespmem:s19+$0x1A00] =	vst v9;
	v5 =	vadd.s32 v8, v5  }
0x54: {  	v9 =	vld [tilespmem:s20+$0xC00];
	[tilespmem:s19+$0x1000] =	vst v5;
	v3 =	vadd.s32 v6, v3  }
0x55: {  	v5 =	vld [tilespmem:s20+$0xA00];
	[tilespmem:s19+$0x1200] =	vst v3;
	v2 =	vadd.s32 v8, v2  }
0x56: {  	v3 =	vld [tilespmem:s20+$0x0];
	[tilespmem:s19+$0x1400] =	vst v2;
	v2 =	vadd.s32 v6, v4  }
0x57: {  	v58 =	vld [tilespmem:s20+$0x200];
	[tilespmem:s19+$0x1600] =	vst v2;
	v1 =	vadd.s32 v1, v7  }
0x58: {  	v2 =	vld [tilespmem:s20+$0x400];
	v59 =	vmul.u32 $0x186A0, v10;
	[tilespmem:s19+$0x1800] =	vst v1  }
0x59: {  	v1 =	vmul.u32 $0xF4240, v9;
	v60 =	vld [tilespmem:s20+$0x600]  }
0x5a: {  	v61 =	vmul.u32 $0x186A0, v9;
	v62 =	vld [tilespmem:s20+$0x800];
	v5 =	vadd.s32 v59, v5  }
0x5b: {  	v3 =	vadd.s32 v1, v3;
	[tilespmem:s20+$0x1A00] =	vst v5  }
0x5c: {  	[tilespmem:s20+$0x1000] =	vst v3;
	v3 =	vadd.s32 v61, v58  }
0x5d: {  	v63 =	vmul.u32 $0xF4240, v10;
	[tilespmem:s20+$0x1200] =	vst v3;
	v1 =	vadd.s32 v1, v2  }
0x5e: {  	[tilespmem:s20+$0x1400] =	vst v1;
	v1 =	vadd.s32 v61, v60  }
0x5f: {  	[tilespmem:s20+$0x1600] =	vst v1;
	v1 =	vadd.s32 v63, v62  }
0x60: {  	s19 =	simm.s32 $0x0;
	[tilespmem:s20+$0x1800] =	vst v1  }
0x61: {  	[tilespmem:s31], [sflag:$0x1] =	stream.indirect.gather [hbm4b:s3+s9], $0x20, s19, s9, $0xb8;
	[tilespmem:$0xF600] =	vst v63  }
0x62: {  	s21 =	simm.s32 $0x1000  }
0x63: {  	[tilespmem:s10], [sflag:$0x1] =	stream.indirect.gather [hbm4b:s5+s9], $0x20, s21, s9, $0xb8;
	[tilespmem:$0xF600] =	vst v63  }
0x64: {  	_ = 	snop  }
0x65: {  	[tilespmem:s0], [sflag:$0x1] =	stream.indirect.gather [hbm4b:s4+s9], $0x20, s22, s9, $0xb8;
	[tilespmem:$0xF600] =	vst v63  }
0x66: {  	s22 =	simm.s32 $0x1200  }
0x67: {  	[tilespmem:s11], [sflag:$0x1] =	stream.indirect.gather [hbm4b:s6+s9], $0x20, s22, s9, $0xb8;
	[tilespmem:$0xF600] =	vst v63  }
0x68: {  	s21 =	simm.s32 $0x400  }
0x69: {  	[tilespmem:s2], [sflag:$0x1] =	stream.indirect.gather [hbm4b:s3+s9], $0x20, s21, s9, $0xb8;
	[tilespmem:$0xF600] =	vst v63  }
0x6a: {  	s22 =	simm.s32 $0x1400  }
0x6b: {  	[tilespmem:s12], [sflag:$0x1] =	stream.indirect.gather [hbm4b:s5+s9], $0x20, s22, s9, $0xb8;
	[tilespmem:$0xF600] =	vst v63  }
0x6c: {  	s21 =	simm.s32 $0x600  }
0x6d: {  	[tilespmem:s7], [sflag:$0x1] =	stream.indirect.gather [hbm4b:s4+s9], $0x20, s21, s9, $0xb8;
	[tilespmem:$0xF600] =	vst v63  }
0x6e: {  	s22 =	simm.s32 $0x1600  }
0x6f: {  	[tilespmem:s13], [sflag:$0x1] =	stream.indirect.gather [hbm4b:s6+s9], $0x20, s22, s9, $0xb8;
	[tilespmem:$0xF600] =	vst v63  }
0x70: {  	s21 =	simm.s32 $0x800  }
0x71: {  	[tilespmem:s8], [sflag:$0x1] =	stream.indirect.gather [hbm4b:s3+s9], $0x20, s21, s9, $0xb8;
	[tilespmem:$0xF600] =	vst v63  }
0x72: {  	s22 =	simm.s32 $0x1800  }
0x73: {  	[tilespmem:s14], [sflag:$0x1] =	stream.indirect.gather [hbm4b:s5+s9], $0x20, s22, s9, $0xb8;
	[tilespmem:$0xF600] =	vst v63  }
0x74: {  	s21 =	simm.s32 $0xA00  }
0x75: {  	[tilespmem:s15], [sflag:$0x1] =	stream.indirect.gather [hbm4b:s4+s9], $0x20, s21, s9, $0xb8;
	[tilespmem:$0xF600] =	vst v63  }
0x76: {  	s22 =	simm.s32 $0x1A00  }
0x77: {  	[tilespmem:s16], [sflag:$0x1] =	stream.indirect.gather [hbm4b:s6+s9], $0x20, s22, s9, $0xb8;
	[tilespmem:$0xF600] =	vst v63  }
0x78: {  	_ =	swait.ge [sflag:s17], $0x1000  }
0x79: {  	[sflag:s17] =	ssyncset.done $0x0  }
0x7a: {  	[sflag:s17] =	ssyncadd.s32 $0xFFFFF000  }
0x7b: {  	_ =	swait.ge [sflag:s17], $0x1000  }
0x7c: {  	[sflag:s17] =	ssyncset.done $0x0  }
0x7d: {  	[sflag:s17] =	ssyncadd.s32 $0xFFFFF000  }
0x7e: {  	_ =	swait.ge [sflag:s17], $0x1000  }
0x7f: {  	[sflag:s17] =	ssyncset.done $0x0  }
0x80: {  	[sflag:s17] =	ssyncadd.s32 $0xFFFFF000  }
0x81: {  	_ =	swait.ge [sflag:s17], $0x1000  }
0x82: {  	[sflag:s17] =	ssyncset.done $0x0  }
0x83: {  	[sflag:s17] =	ssyncadd.s32 $0xFFFFF000  }
0x84: {  	_ =	swait.ge [sflag:s17], $0x1000  }
0x85: {  	[sflag:s17] =	ssyncset.done $0x0  }
0x86: {  	[sflag:s17] =	ssyncadd.s32 $0xFFFFF000  }
0x87: {  	_ =	swait.ge [sflag:s17], $0x1000  }
0x88: {  	[sflag:s17] =	ssyncset.done $0x0  }
0x89: {  	[sflag:s17] =	ssyncadd.s32 $0xFFFFF000  }
0x8a: {  	_ =	swait.ge [sflag:s17], $0x1000  }
0x8b: {  	[sflag:s17] =	ssyncset.done $0x0  }
0x8c: {  	[sflag:s17] =	ssyncadd.s32 $0xFFFFF000  }
0x8d: {  	_ =	swait.ge [sflag:s17], $0x1000  }
0x8e: {  	[sflag:s17] =	ssyncset.done $0x0  }
0x8f: {  	[sflag:s17] =	ssyncadd.s32 $0xFFFFF000  }
0x90: {  	_ =	swait.ge [sflag:s17], $0x1000  }
0x91: {  	[sflag:s17] =	ssyncset.done $0x0  }
0x92: {  	[sflag:s17] =	ssyncadd.s32 $0xFFFFF000  }
0x93: {  	_ =	swait.ge [sflag:s17], $0x1000  }
0x94: {  	[sflag:s17] =	ssyncset.done $0x0  }
0x95: {  	[sflag:s17] =	ssyncadd.s32 $0xFFFFF000  }
0x96: {  	_ =	swait.ge [sflag:s17], $0x1000  }
0x97: {  	[sflag:s17] =	ssyncset.done $0x0  }
0x98: {  	[sflag:s17] =	ssyncadd.s32 $0xFFFFF000  }
0x99: {  	_ =	swait.ge [sflag:s17], $0x1000  }
0x9a: {  	[sflag:s17] =	ssyncset.done $0x0  }
0x9b: {  	s20 =	simm.s32 $0x0;
	[sflag:s17] =	ssyncadd.s32 $0xFFFFF000  }
.LBB2_4:
0x9c: {  	s21 =	sshll.u32 s20, $0x4;
	v1 =	vmov s19  }
0x9d: {  	v2 =	vmov s21;
	v1 =	vand.u32 $0x1F, v1  }
0x9e: {  	v2 =	vshll.u32 v2, $0x5;
	v1 =	vbroadcast v1, $0x0  }
0x9f: {  	v13 =	vor.u32 v0, v2  }
0xa0: {  	v6 =	vor.u32 v13, v1;
	_ =	sdelay $0x4  }
0xa1: {  	v14 =	vld.idx.msk [tilespmem:v6+s31+$0x0], $0xffff  }
0xa2: {  	v17 =	vld.idx.msk [tilespmem:v6+s10+$0x0], $0xffff  }
0xa3: {  	v24 =	vld.idx.msk [tilespmem:v6+s0+$0x0], $0xffff  }
0xa4: {  	v7 =	vld.idx.msk [tilespmem:v6+s2+$0x0], $0xffff  }
0xa5: {  	v8 =	vld.idx.msk [tilespmem:v6+s12+$0x0], $0xffff  }
0xa6: {  	s22 =	simm.s32 $0x1;
	v10 =	vld.idx.msk [tilespmem:v6+s7+$0x0], $0xffff  }
0xa7: {  	v1 =	vmov s22;
	v16 =	vld.idx.msk [tilespmem:v6+s13+$0x0], $0xffff  }
0xa8: {  	v1 =	vand.u32 $0x1F, v1;
	v21 =	vld.idx.msk [tilespmem:v6+s8+$0x0], $0xffff  }
0xa9: {  	v1 =	vbroadcast v1, $0x0;
	v29 =	vld.idx.msk [tilespmem:v6+s15+$0x0], $0xffff  }
0xaa: {  	v18 =	vimm.f32 $0.0e+00;
	v2 =	vimm.f32 $0.0e+00;
	v25 =	vld.idx.msk [tilespmem:v6+s14+$0x0], $0xffff  }
0xab: {  	v22 =	vor.u32 v13, v1;
	v19 =	vld.idx.msk [tilespmem:v6+s16+$0x0], $0xffff;
	v3 =	vmul.f32 v14, v14;
	v4 =	vmul.f32 v17, v17  }
0xac: {  	v23 =	vld.idx.msk [tilespmem:v6+s11+$0x0], $0xffff;
	v6 =	vimm.f32 $0.0e+00;
	v1 =	vmul.f32 v24, v24;
	v5 =	vmul.f32 v7, v7  }
0xad: {  	v15 =	vmul.f32 v16, v16;
	v20 =	vmul.f32 v21, v21;
	v30 =	vadd.f32 v8, v7  }
0xae: {  	v31 =	vadd.f32 v16, v10;
	v16 =	vmul.f32 v29, v29;
	v7 =	vimm.f32 $0.0e+00  }
0xaf: {  	v11 =	vadd.f32 v3, v2;
	v3 =	vmul.f32 v8, v8;
	v12 =	vadd.f32 v4, v2  }
0xb0: {  	v27 =	vmovc v22;
	v9 =	vadd.f32 v1, v2;
	v1 =	vmul.f32 v10, v10;
	v5 =	vadd.f32 v5, v2  }
0xb1: {  	v26 =	vld.idx.msk [tilespmem:v22+s31+$0x0], $0xffff;
	v10 =	vimm.f32 $0.0e+00;
	v8 =	vimm.f32 $0.0e+00;
	v4 =	vadd.f32 v3, v2  }
0xb2: {  	s22 =	simm.s32 $0x2;
	v28 =	vld.idx.msk [tilespmem:v22+s10+$0x0], $0xffff;
	v3 =	vadd.f32 v1, v2;
	v1 =	vadd.f32 v15, v2;
	v15 =	vmul.f32 v25, v25  }
.LBB2_5:
0xb3: {  	p0 =	sne.s32 s22, $0x1F;
	v32 =	vld.idx.msk [tilespmem:v22+s0+$0x0], $0xffff;
	v21 =	vadd.f32 v25, v21;
	v25 =	vadd.f32 v19, v29;
	v33 =	vmul.f32 v19, v19  }
0xb4: {  	v29 =	vadd.f32 v17, v14;
	v17 =	vadd.f32 v23, v24;
	v19 =	vmul.f32 v23, v23;
	v34 =	vld.idx.msk [tilespmem:v22+s2+$0x0], $0xffff  }
0xb5: {  	v22 =	vadd.f32 v31, v30;
	v35 =	vld.idx.msk [tilespmem:v27+s12+$0x0], $0xffff;
	v21 =	vadd.f32 v25, v21  }
0xb6: {  	v23 =	vmov s22;
	v10 =	vadd.f32 v20, v10;
	v2 =	vadd.f32 v19, v2;
	v31 =	vld.idx.msk [tilespmem:v27+s7+$0x0], $0xffff  }
0xb7: {  	v19 =	vand.u32 $0x1F, v23;
	v20 =	vadd.f32 v17, v29;
	v14 =	vmovc v26;
	v36 =	vld.idx.msk [tilespmem:v27+s13+$0x0], $0xffff;
	v22 =	vsub.f32 v22, v21  }
0xb8: {  	v7 =	vadd.f32 v15, v7;
	v19 =	vbroadcast v19, $0x0;
	v23 =	vmul.f32 v26, v14;
	v17 =	vmovc v28;
	v21 =	vld.idx.msk [tilespmem:v27+s8+$0x0], $0xffff  }
0xb9: {  	v8 =	vadd.f32 v16, v8;
	v15 =	vmul.f32 v28, v17;
	v25 =	vld.idx.msk [tilespmem:v27+s14+$0x0], $0xffff;
	v20 =	vmul.f32 v22, v20  }
0xba: {  	v16 =	vmul.f32 v32, v32;
	v22 =	vor.u32 v13, v19;
	v28 =	vmul.f32 v34, v34;
	v29 =	vld.idx.msk [tilespmem:v27+s15+$0x0], $0xffff  }
0xbb: {  	v11 =	vadd.f32 v23, v11;
	v26 =	vmul.f32 v35, v35;
	v19 =	vld.idx.msk [tilespmem:v27+s16+$0x0], $0xffff;
	v18 =	vadd.f32 v20, v18  }
.Ltmp1:
0xbc: {  	v12 =	vadd.f32 v15, v12;
	v9 =	vadd.f32 v16, v9;
	v15 =	vmul.f32 v31, v31;
	v23 =	vld.idx.msk [tilespmem:v27+s11+$0x0], $0xffff;
	(pc) =	sbr.rel @p0 .LBB2_5-.Ltmp1, $4  }
0xbd: {  	v24 =	vmovc v32;
	v5 =	vadd.f32 v28, v5;
	v4 =	vadd.f32 v26, v4;
	v16 =	vmul.f32 v36, v36  }
0xbe: {  	v6 =	vadd.f32 v33, v6;
	v27 =	vmovc v22;
	v3 =	vadd.f32 v15, v3;
	v20 =	vmul.f32 v21, v21  }
0xbf: {  	v1 =	vadd.f32 v16, v1;
	v15 =	vmul.f32 v25, v25;
	v26 =	vld.idx.msk [tilespmem:v22+s31+$0x0], $0xffff  }
0xc0: {  	s22 =	sadd.s32 $0x1, s22;
	v30 =	vadd.f32 v35, v34;
	v31 =	vadd.f32 v36, v31;
	v16 =	vmul.f32 v29, v29;
	v28 =	vld.idx.msk [tilespmem:v22+s10+$0x0], $0xffff  }
0xc1: {  	_ =	sdelay $0x3  }
0xc2: {  	v13 =	vld.idx.msk [tilespmem:v22+s2+$0x0], $0xffff  }
0xc3: {  	v32 =	vld.idx.msk [tilespmem:v27+s12+$0x0], $0xffff  }
0xc4: {  	v33 =	vld.idx.msk [tilespmem:v27+s7+$0x0], $0xffff  }
0xc5: {  	v34 =	vld.idx.msk [tilespmem:v27+s13+$0x0], $0xffff  }
0xc6: {  	v35 =	vld.idx.msk [tilespmem:v27+s8+$0x0], $0xffff  }
0xc7: {  	v36 =	vld.idx.msk [tilespmem:v27+s14+$0x0], $0xffff  }
0xc8: {  	v21 =	vadd.f32 v25, v21;
	v62 =	vadd.f32 v19, v29;
	v63 =	vld.idx.msk [tilespmem:v27+s15+$0x0], $0xffff  }
0xc9: {  	v14 =	vadd.f32 v17, v14;
	v37 =	vadd.f32 v23, v24;
	v38 =	vld.idx.msk [tilespmem:v27+s16+$0x0], $0xffff  }
0xca: {  	v39 =	vld.idx.msk [tilespmem:v22+s0+$0x0], $0xffff;
	v50 =	vmul.f32 v23, v23;
	v59 =	vadd.f32 v15, v7;
	v30 =	vadd.f32 v31, v30  }
0xcb: {  	v40 =	vld.idx.msk [tilespmem:v27+s11+$0x0], $0xffff;
	v61 =	vadd.f32 v16, v8;
	v21 =	vadd.f32 v62, v21  }
0xcc: {  	v56 =	vmul.f32 v19, v19;
	v14 =	vadd.f32 v37, v14;
	v2 =	vadd.f32 v50, v2  }
0xcd: {  	v49 =	vmul.f32 v26, v26;
	v41 =	vsub.f32 v30, v21;
	v46 =	vadd.f32 v28, v26  }
0xce: {  	v51 =	vmul.f32 v28, v28;
	v42 =	vadd.f32 v32, v13;
	v43 =	vadd.f32 v34, v33  }
0xcf: {  	v44 =	vadd.f32 v36, v35;
	v52 =	vmul.f32 v39, v39;
	v11 =	vadd.f32 v49, v11  }
0xd0: {  	v45 =	vadd.f32 v38, v63;
	v53 =	vmul.f32 v40, v40;
	v12 =	vadd.f32 v51, v12  }
0xd1: {  	v47 =	vadd.f32 v40, v39;
	v13 =	vmul.f32 v13, v13;
	v9 =	vadd.f32 v52, v9;
	[tilespmem:s21+$0xDE00] =	vst v11  }
0xd2: {  	v54 =	vmul.f32 v32, v32;
	v55 =	vmul.f32 v33, v33;
	v2 =	vadd.f32 v53, v2;
	[tilespmem:s21+$0xE000] =	vst v12  }
0xd3: {  	v57 =	vmul.f32 v34, v34;
	v21 =	vadd.f32 v43, v42;
	v5 =	vadd.f32 v13, v5;
	[tilespmem:s21+$0xE200] =	vst v9  }
0xd4: {  	v60 =	vmul.f32 v36, v36;
	v30 =	vadd.f32 v45, v44;
	v4 =	vadd.f32 v54, v4;
	[tilespmem:s21+$0xE400] =	vst v2  }
0xd5: {  	v62 =	vmul.f32 v63, v63;
	v48 =	vadd.f32 v47, v46;
	v3 =	vadd.f32 v55, v3;
	[tilespmem:s21+$0xE600] =	vst v5  }
0xd6: {  	v14 =	vmul.f32 v41, v14;
	v1 =	vadd.f32 v57, v1;
	v21 =	vsub.f32 v21, v30;
	[tilespmem:s21+$0xE800] =	vst v4  }
0xd7: {  	s20 =	sadd.s32 $0x1, s20;
	v58 =	vmul.f32 v35, v35;
	v2 =	vadd.f32 v20, v10;
	[tilespmem:s21+$0xEA00] =	vst v3;
	v5 =	vadd.f32 v60, v59  }
0xd8: {  	p0 =	sne.s32 s20, $0x8;
	v14 =	vadd.f32 v14, v18;
	[tilespmem:s21+$0xEC00] =	vst v1;
	v1 =	vadd.f32 v62, v61;
	v17 =	vmul.f32 v21, v48  }
.Ltmp2:
0xd9: {  	v63 =	vmul.f32 v38, v38;
	v3 =	vadd.f32 v56, v6;
	v2 =	vadd.f32 v58, v2;
	[tilespmem:s21+$0xF000] =	vst v5;
	(pc) =	sbr.rel @p0 .LBB2_4-.Ltmp2, $4  }
0xda: {  	[tilespmem:s21+$0xF200] =	vst v1;
	v14 =	vadd.f32 v17, v14  }
0xdb: {  	[tilespmem:s21+$0xEE00] =	vst v2;
	v2 =	vadd.f32 v63, v3  }
0xdc: {  	[tilespmem:s21+$0xDC00] =	vst v14  }
0xdd: {  	[tilespmem:s21+$0xF400] =	vst v2  }
0xde: {  	[tilespmem:s31], [sflag:$0x1] =	stream.indirect.gather [hbm4b:s3+s9], $0x20, s9, s9, $0xb8;
	[tilespmem:$0xF600] =	vst v63  }
0xdf: {  	s19 =	simm.s32 $0x1080  }
0xe0: {  	[tilespmem:s10], [sflag:$0x1] =	stream.indirect.gather [hbm4b:s5+s9], $0x20, s19, s9, $0xb8;
	[tilespmem:$0xF600] =	vst v63  }
0xe1: {  	s22 =	simm.s32 $0x280  }
0xe2: {  	[tilespmem:s0], [sflag:$0x1] =	stream.indirect.gather [hbm4b:s4+s9], $0x20, s22, s9, $0xb8;
	[tilespmem:$0xF600] =	vst v63  }
0xe3: {  	s20 =	simm.s32 $0x1280  }
0xe4: {  	[tilespmem:s11], [sflag:$0x1] =	stream.indirect.gather [hbm4b:s6+s9], $0x20, s20, s9, $0xb8;
	[tilespmem:$0xF600] =	vst v63  }
0xe5: {  	s21 =	simm.s32 $0x480  }
0xe6: {  	[tilespmem:s2], [sflag:$0x1] =	stream.indirect.gather [hbm4b:s3+s9], $0x20, s21, s9, $0xb8;
	[tilespmem:$0xF600] =	vst v63  }
0xe7: {  	s22 =	simm.s32 $0x1480  }
0xe8: {  	[tilespmem:s12], [sflag:$0x1] =	stream.indirect.gather [hbm4b:s5+s9], $0x20, s22, s9, $0xb8;
	[tilespmem:$0xF600] =	vst v63  }
0xe9: {  	s20 =	simm.s32 $0x680  }
0xea: {  	[tilespmem:s7], [sflag:$0x1] =	stream.indirect.gather [hbm4b:s4+s9], $0x20, s20, s9, $0xb8;
	[tilespmem:$0xF600] =	vst v63  }
0xeb: {  	s21 =	simm.s32 $0x1680  }
0xec: {  	[tilespmem:s13], [sflag:$0x1] =	stream.indirect.gather [hbm4b:s6+s9], $0x20, s21, s9, $0xb8;
	[tilespmem:$0xF600] =	vst v63  }
0xed: {  	s22 =	simm.s32 $0x880  }
0xee: {  	[tilespmem:s8], [sflag:$0x1] =	stream.indirect.gather [hbm4b:s3+s9], $0x20, s22, s9, $0xb8;
	[tilespmem:$0xF600] =	vst v63  }
0xef: {  	s20 =	simm.s32 $0x1880  }
0xf0: {  	[tilespmem:s14], [sflag:$0x1] =	stream.indirect.gather [hbm4b:s5+s9], $0x20, s20, s9, $0xb8;
	[tilespmem:$0xF600] =	vst v63  }
0xf1: {  	s21 =	simm.s32 $0xA80  }
0xf2: {  	[tilespmem:s15], [sflag:$0x1] =	stream.indirect.gather [hbm4b:s4+s9], $0x20, s21, s9, $0xb8;
	[tilespmem:$0xF600] =	vst v63  }
0xf3: {  	s22 =	simm.s32 $0x1A80  }
0xf4: {  	[tilespmem:s16], [sflag:$0x1] =	stream.indirect.gather [hbm4b:s6+s9], $0x20, s22, s9, $0xb8;
	[tilespmem:$0xF600] =	vst v63  }
0xf5: {  	_ =	swait.ge [sflag:s17], $0x1000  }
0xf6: {  	[sflag:s17] =	ssyncset.done $0x0  }
0xf7: {  	[sflag:s17] =	ssyncadd.s32 $0xFFFFF000  }
0xf8: {  	_ =	swait.ge [sflag:s17], $0x1000  }
0xf9: {  	[sflag:s17] =	ssyncset.done $0x0  }
0xfa: {  	[sflag:s17] =	ssyncadd.s32 $0xFFFFF000  }
0xfb: {  	_ =	swait.ge [sflag:s17], $0x1000  }
0xfc: {  	[sflag:s17] =	ssyncset.done $0x0  }
0xfd: {  	[sflag:s17] =	ssyncadd.s32 $0xFFFFF000  }
0xfe: {  	_ =	swait.ge [sflag:s17], $0x1000  }
0xff: {  	[sflag:s17] =	ssyncset.done $0x0  }
0x100: {  	[sflag:s17] =	ssyncadd.s32 $0xFFFFF000  }
0x101: {  	_ =	swait.ge [sflag:s17], $0x1000  }
0x102: {  	[sflag:s17] =	ssyncset.done $0x0  }
0x103: {  	[sflag:s17] =	ssyncadd.s32 $0xFFFFF000  }
0x104: {  	_ =	swait.ge [sflag:s17], $0x1000  }
0x105: {  	[sflag:s17] =	ssyncset.done $0x0  }
0x106: {  	[sflag:s17] =	ssyncadd.s32 $0xFFFFF000  }
0x107: {  	_ =	swait.ge [sflag:s17], $0x1000  }
0x108: {  	[sflag:s17] =	ssyncset.done $0x0  }
0x109: {  	[sflag:s17] =	ssyncadd.s32 $0xFFFFF000  }
0x10a: {  	_ =	swait.ge [sflag:s17], $0x1000  }
0x10b: {  	[sflag:s17] =	ssyncset.done $0x0  }
0x10c: {  	[sflag:s17] =	ssyncadd.s32 $0xFFFFF000  }
0x10d: {  	_ =	swait.ge [sflag:s17], $0x1000  }
0x10e: {  	[sflag:s17] =	ssyncset.done $0x0  }
0x10f: {  	[sflag:s17] =	ssyncadd.s32 $0xFFFFF000  }
0x110: {  	_ =	swait.ge [sflag:s17], $0x1000  }
0x111: {  	[sflag:s17] =	ssyncset.done $0x0  }
0x112: {  	[sflag:s17] =	ssyncadd.s32 $0xFFFFF000  }
0x113: {  	_ =	swait.ge [sflag:s17], $0x1000  }
0x114: {  	[sflag:s17] =	ssyncset.done $0x0  }
0x115: {  	[sflag:s17] =	ssyncadd.s32 $0xFFFFF000  }
0x116: {  	_ =	swait.ge [sflag:s17], $0x1000  }
0x117: {  	[sflag:s17] =	ssyncset.done $0x0  }
0x118: {  	s19 =	simm.s32 $0x0;
	s20 =	simm.s32 $0x0;
	[sflag:s17] =	ssyncadd.s32 $0xFFFFF000  }
.LBB2_8:
0x119: {  	s21 =	sshll.u32 s20, $0x4;
	v1 =	vmov s19  }
0x11a: {  	v2 =	vmov s21;
	v1 =	vand.u32 $0x1F, v1  }
0x11b: {  	v2 =	vshll.u32 v2, $0x5;
	v1 =	vbroadcast v1, $0x0  }
0x11c: {  	v13 =	vor.u32 v0, v2  }
0x11d: {  	v6 =	vor.u32 v13, v1;
	_ =	sdelay $0x4  }
0x11e: {  	v14 =	vld.idx.msk [tilespmem:v6+s31+$0x0], $0xffff  }
0x11f: {  	v17 =	vld.idx.msk [tilespmem:v6+s10+$0x0], $0xffff  }
0x120: {  	v24 =	vld.idx.msk [tilespmem:v6+s0+$0x0], $0xffff  }
0x121: {  	v7 =	vld.idx.msk [tilespmem:v6+s2+$0x0], $0xffff  }
0x122: {  	v8 =	vld.idx.msk [tilespmem:v6+s12+$0x0], $0xffff  }
0x123: {  	s22 =	simm.s32 $0x1;
	v10 =	vld.idx.msk [tilespmem:v6+s7+$0x0], $0xffff  }
0x124: {  	v1 =	vmov s22;
	v16 =	vld.idx.msk [tilespmem:v6+s13+$0x0], $0xffff  }
0x125: {  	v1 =	vand.u32 $0x1F, v1;
	v21 =	vld.idx.msk [tilespmem:v6+s8+$0x0], $0xffff  }
0x126: {  	v1 =	vbroadcast v1, $0x0;
	v29 =	vld.idx.msk [tilespmem:v6+s15+$0x0], $0xffff  }
0x127: {  	v18 =	vimm.f32 $0.0e+00;
	v2 =	vimm.f32 $0.0e+00;
	v25 =	vld.idx.msk [tilespmem:v6+s14+$0x0], $0xffff  }
0x128: {  	v22 =	vor.u32 v13, v1;
	v19 =	vld.idx.msk [tilespmem:v6+s16+$0x0], $0xffff;
	v3 =	vmul.f32 v14, v14;
	v4 =	vmul.f32 v17, v17  }
0x129: {  	v23 =	vld.idx.msk [tilespmem:v6+s11+$0x0], $0xffff;
	v6 =	vimm.f32 $0.0e+00;
	v1 =	vmul.f32 v24, v24;
	v5 =	vmul.f32 v7, v7  }
0x12a: {  	v15 =	vmul.f32 v16, v16;
	v20 =	vmul.f32 v21, v21;
	v30 =	vadd.f32 v8, v7  }
0x12b: {  	v31 =	vadd.f32 v16, v10;
	v16 =	vmul.f32 v29, v29;
	v7 =	vimm.f32 $0.0e+00  }
0x12c: {  	v11 =	vadd.f32 v3, v2;
	v3 =	vmul.f32 v8, v8;
	v12 =	vadd.f32 v4, v2  }
0x12d: {  	v27 =	vmovc v22;
	v9 =	vadd.f32 v1, v2;
	v1 =	vmul.f32 v10, v10;
	v5 =	vadd.f32 v5, v2  }
0x12e: {  	v26 =	vld.idx.msk [tilespmem:v22+s31+$0x0], $0xffff;
	v10 =	vimm.f32 $0.0e+00;
	v8 =	vimm.f32 $0.0e+00;
	v4 =	vadd.f32 v3, v2  }
0x12f: {  	s22 =	simm.s32 $0x2;
	v28 =	vld.idx.msk [tilespmem:v22+s10+$0x0], $0xffff;
	v3 =	vadd.f32 v1, v2;
	v1 =	vadd.f32 v15, v2;
	v15 =	vmul.f32 v25, v25  }
.LBB2_9:
0x130: {  	p0 =	sne.s32 s22, $0x1F;
	v32 =	vld.idx.msk [tilespmem:v22+s0+$0x0], $0xffff;
	v21 =	vadd.f32 v25, v21;
	v25 =	vadd.f32 v19, v29;
	v33 =	vmul.f32 v19, v19  }
0x131: {  	v29 =	vadd.f32 v17, v14;
	v17 =	vadd.f32 v23, v24;
	v19 =	vmul.f32 v23, v23;
	v34 =	vld.idx.msk [tilespmem:v22+s2+$0x0], $0xffff  }
0x132: {  	v22 =	vadd.f32 v31, v30;
	v35 =	vld.idx.msk [tilespmem:v27+s12+$0x0], $0xffff;
	v21 =	vadd.f32 v25, v21  }
0x133: {  	v23 =	vmov s22;
	v10 =	vadd.f32 v20, v10;
	v2 =	vadd.f32 v19, v2;
	v31 =	vld.idx.msk [tilespmem:v27+s7+$0x0], $0xffff  }
0x134: {  	v19 =	vand.u32 $0x1F, v23;
	v20 =	vadd.f32 v17, v29;
	v14 =	vmovc v26;
	v36 =	vld.idx.msk [tilespmem:v27+s13+$0x0], $0xffff;
	v22 =	vsub.f32 v22, v21  }
0x135: {  	v7 =	vadd.f32 v15, v7;
	v19 =	vbroadcast v19, $0x0;
	v23 =	vmul.f32 v26, v14;
	v17 =	vmovc v28;
	v21 =	vld.idx.msk [tilespmem:v27+s8+$0x0], $0xffff  }
0x136: {  	v8 =	vadd.f32 v16, v8;
	v15 =	vmul.f32 v28, v17;
	v25 =	vld.idx.msk [tilespmem:v27+s14+$0x0], $0xffff;
	v20 =	vmul.f32 v22, v20  }
0x137: {  	v16 =	vmul.f32 v32, v32;
	v22 =	vor.u32 v13, v19;
	v28 =	vmul.f32 v34, v34;
	v29 =	vld.idx.msk [tilespmem:v27+s15+$0x0], $0xffff  }
0x138: {  	v11 =	vadd.f32 v23, v11;
	v26 =	vmul.f32 v35, v35;
	v19 =	vld.idx.msk [tilespmem:v27+s16+$0x0], $0xffff;
	v18 =	vadd.f32 v20, v18  }
.Ltmp3:
0x139: {  	v12 =	vadd.f32 v15, v12;
	v9 =	vadd.f32 v16, v9;
	v15 =	vmul.f32 v31, v31;
	v23 =	vld.idx.msk [tilespmem:v27+s11+$0x0], $0xffff;
	(pc) =	sbr.rel @p0 .LBB2_9-.Ltmp3, $4  }
0x13a: {  	v24 =	vmovc v32;
	v5 =	vadd.f32 v28, v5;
	v4 =	vadd.f32 v26, v4;
	v16 =	vmul.f32 v36, v36  }
0x13b: {  	v6 =	vadd.f32 v33, v6;
	v27 =	vmovc v22;
	v3 =	vadd.f32 v15, v3;
	v20 =	vmul.f32 v21, v21  }
0x13c: {  	v1 =	vadd.f32 v16, v1;
	v15 =	vmul.f32 v25, v25;
	v26 =	vld.idx.msk [tilespmem:v22+s31+$0x0], $0xffff  }
0x13d: {  	s22 =	sadd.s32 $0x1, s22;
	v30 =	vadd.f32 v35, v34;
	v31 =	vadd.f32 v36, v31;
	v16 =	vmul.f32 v29, v29;
	v28 =	vld.idx.msk [tilespmem:v22+s10+$0x0], $0xffff  }
0x13e: {  	_ =	sdelay $0x3  }
0x13f: {  	v13 =	vld.idx.msk [tilespmem:v22+s2+$0x0], $0xffff  }
0x140: {  	v32 =	vld.idx.msk [tilespmem:v27+s12+$0x0], $0xffff  }
0x141: {  	v33 =	vld.idx.msk [tilespmem:v27+s7+$0x0], $0xffff  }
0x142: {  	v34 =	vld.idx.msk [tilespmem:v27+s13+$0x0], $0xffff  }
0x143: {  	v35 =	vld.idx.msk [tilespmem:v27+s8+$0x0], $0xffff  }
0x144: {  	v36 =	vld.idx.msk [tilespmem:v27+s14+$0x0], $0xffff  }
0x145: {  	v21 =	vadd.f32 v25, v21;
	v62 =	vadd.f32 v19, v29;
	v63 =	vld.idx.msk [tilespmem:v27+s15+$0x0], $0xffff  }
0x146: {  	v14 =	vadd.f32 v17, v14;
	v37 =	vadd.f32 v23, v24;
	v38 =	vld.idx.msk [tilespmem:v27+s16+$0x0], $0xffff  }
0x147: {  	v39 =	vld.idx.msk [tilespmem:v22+s0+$0x0], $0xffff;
	v50 =	vmul.f32 v23, v23;
	v59 =	vadd.f32 v15, v7;
	v30 =	vadd.f32 v31, v30  }
0x148: {  	v40 =	vld.idx.msk [tilespmem:v27+s11+$0x0], $0xffff;
	v61 =	vadd.f32 v16, v8;
	v21 =	vadd.f32 v62, v21  }
0x149: {  	v56 =	vmul.f32 v19, v19;
	v14 =	vadd.f32 v37, v14;
	v2 =	vadd.f32 v50, v2  }
0x14a: {  	v49 =	vmul.f32 v26, v26;
	v41 =	vsub.f32 v30, v21;
	v46 =	vadd.f32 v28, v26  }
0x14b: {  	v51 =	vmul.f32 v28, v28;
	v42 =	vadd.f32 v32, v13;
	v43 =	vadd.f32 v34, v33  }
0x14c: {  	v44 =	vadd.f32 v36, v35;
	v52 =	vmul.f32 v39, v39;
	v11 =	vadd.f32 v49, v11  }
0x14d: {  	v45 =	vadd.f32 v38, v63;
	v53 =	vmul.f32 v40, v40;
	v12 =	vadd.f32 v51, v12  }
0x14e: {  	v47 =	vadd.f32 v40, v39;
	v13 =	vmul.f32 v13, v13;
	v9 =	vadd.f32 v52, v9;
	[tilespmem:s21+$0xDE80] =	vst v11  }
0x14f: {  	v54 =	vmul.f32 v32, v32;
	v55 =	vmul.f32 v33, v33;
	v2 =	vadd.f32 v53, v2;
	[tilespmem:s21+$0xE080] =	vst v12  }
0x150: {  	v57 =	vmul.f32 v34, v34;
	v21 =	vadd.f32 v43, v42;
	v5 =	vadd.f32 v13, v5;
	[tilespmem:s21+$0xE280] =	vst v9  }
0x151: {  	v60 =	vmul.f32 v36, v36;
	v30 =	vadd.f32 v45, v44;
	v4 =	vadd.f32 v54, v4;
	[tilespmem:s21+$0xE480] =	vst v2  }
0x152: {  	v62 =	vmul.f32 v63, v63;
	v48 =	vadd.f32 v47, v46;
	v3 =	vadd.f32 v55, v3;
	[tilespmem:s21+$0xE680] =	vst v5  }
0x153: {  	v14 =	vmul.f32 v41, v14;
	v1 =	vadd.f32 v57, v1;
	v21 =	vsub.f32 v21, v30;
	[tilespmem:s21+$0xE880] =	vst v4  }
0x154: {  	s20 =	sadd.s32 $0x1, s20;
	v58 =	vmul.f32 v35, v35;
	v2 =	vadd.f32 v20, v10;
	[tilespmem:s21+$0xEA80] =	vst v3;
	v5 =	vadd.f32 v60, v59  }
0x155: {  	p0 =	sne.s32 s20, $0x8;
	v14 =	vadd.f32 v14, v18;
	[tilespmem:s21+$0xEC80] =	vst v1;
	v1 =	vadd.f32 v62, v61;
	v17 =	vmul.f32 v21, v48  }
.Ltmp4:
0x156: {  	v63 =	vmul.f32 v38, v38;
	v3 =	vadd.f32 v56, v6;
	v2 =	vadd.f32 v58, v2;
	[tilespmem:s21+$0xF080] =	vst v5;
	(pc) =	sbr.rel @p0 .LBB2_8-.Ltmp4, $4  }
0x157: {  	[tilespmem:s21+$0xF280] =	vst v1;
	v14 =	vadd.f32 v17, v14  }
0x158: {  	[tilespmem:s21+$0xEE80] =	vst v2;
	v2 =	vadd.f32 v63, v3  }
0x159: {  	[tilespmem:s21+$0xDC80] =	vst v14  }
0x15a: {  	[tilespmem:s21+$0xF480] =	vst v2  }
0x15b: {  	s19 =	simm.s32 $0x100  }
0x15c: {  	[tilespmem:s31], [sflag:$0x1] =	stream.indirect.gather [hbm4b:s3+s9], $0x20, s19, s9, $0xb8;
	[tilespmem:$0xF600] =	vst v63  }
0x15d: {  	s21 =	simm.s32 $0x1100  }
0x15e: {  	[tilespmem:s10], [sflag:$0x1] =	stream.indirect.gather [hbm4b:s5+s9], $0x20, s21, s9, $0xb8;
	[tilespmem:$0xF600] =	vst v63  }
0x15f: {  	s22 =	simm.s32 $0x300  }
0x160: {  	[tilespmem:s0], [sflag:$0x1] =	stream.indirect.gather [hbm4b:s4+s9], $0x20, s22, s9, $0xb8;
	[tilespmem:$0xF600] =	vst v63  }
0x161: {  	s20 =	simm.s32 $0x1300  }
0x162: {  	[tilespmem:s11], [sflag:$0x1] =	stream.indirect.gather [hbm4b:s6+s9], $0x20, s20, s9, $0xb8;
	[tilespmem:$0xF600] =	vst v63  }
0x163: {  	s21 =	simm.s32 $0x500  }
0x164: {  	[tilespmem:s2], [sflag:$0x1] =	stream.indirect.gather [hbm4b:s3+s9], $0x20, s21, s9, $0xb8;
	[tilespmem:$0xF600] =	vst v63  }
0x165: {  	s22 =	simm.s32 $0x1500  }
0x166: {  	[tilespmem:s12], [sflag:$0x1] =	stream.indirect.gather [hbm4b:s5+s9], $0x20, s22, s9, $0xb8;
	[tilespmem:$0xF600] =	vst v63  }
0x167: {  	s20 =	simm.s32 $0x700  }
0x168: {  	[tilespmem:s7], [sflag:$0x1] =	stream.indirect.gather [hbm4b:s4+s9], $0x20, s20, s9, $0xb8;
	[tilespmem:$0xF600] =	vst v63  }
0x169: {  	s21 =	simm.s32 $0x1700  }
0x16a: {  	[tilespmem:s13], [sflag:$0x1] =	stream.indirect.gather [hbm4b:s6+s9], $0x20, s21, s9, $0xb8;
	[tilespmem:$0xF600] =	vst v63  }
0x16b: {  	s22 =	simm.s32 $0x900  }
0x16c: {  	[tilespmem:s8], [sflag:$0x1] =	stream.indirect.gather [hbm4b:s3+s9], $0x20, s22, s9, $0xb8;
	[tilespmem:$0xF600] =	vst v63  }
0x16d: {  	s20 =	simm.s32 $0x1900  }
0x16e: {  	[tilespmem:s14], [sflag:$0x1] =	stream.indirect.gather [hbm4b:s5+s9], $0x20, s20, s9, $0xb8;
	[tilespmem:$0xF600] =	vst v63  }
0x16f: {  	s21 =	simm.s32 $0xB00  }
0x170: {  	[tilespmem:s15], [sflag:$0x1] =	stream.indirect.gather [hbm4b:s4+s9], $0x20, s21, s9, $0xb8;
	[tilespmem:$0xF600] =	vst v63  }
0x171: {  	s22 =	simm.s32 $0x1B00  }
0x172: {  	[tilespmem:s16], [sflag:$0x1] =	stream.indirect.gather [hbm4b:s6+s9], $0x20, s22, s9, $0xb8;
	[tilespmem:$0xF600] =	vst v63  }
0x173: {  	_ =	swait.ge [sflag:s17], $0x1000  }
0x174: {  	[sflag:s17] =	ssyncset.done $0x0  }
0x175: {  	[sflag:s17] =	ssyncadd.s32 $0xFFFFF000  }
0x176: {  	_ =	swait.ge [sflag:s17], $0x1000  }
0x177: {  	[sflag:s17] =	ssyncset.done $0x0  }
0x178: {  	[sflag:s17] =	ssyncadd.s32 $0xFFFFF000  }
0x179: {  	_ =	swait.ge [sflag:s17], $0x1000  }
0x17a: {  	[sflag:s17] =	ssyncset.done $0x0  }
0x17b: {  	[sflag:s17] =	ssyncadd.s32 $0xFFFFF000  }
0x17c: {  	_ =	swait.ge [sflag:s17], $0x1000  }
0x17d: {  	[sflag:s17] =	ssyncset.done $0x0  }
0x17e: {  	[sflag:s17] =	ssyncadd.s32 $0xFFFFF000  }
0x17f: {  	_ =	swait.ge [sflag:s17], $0x1000  }
0x180: {  	[sflag:s17] =	ssyncset.done $0x0  }
0x181: {  	[sflag:s17] =	ssyncadd.s32 $0xFFFFF000  }
0x182: {  	_ =	swait.ge [sflag:s17], $0x1000  }
0x183: {  	[sflag:s17] =	ssyncset.done $0x0  }
0x184: {  	[sflag:s17] =	ssyncadd.s32 $0xFFFFF000  }
0x185: {  	_ =	swait.ge [sflag:s17], $0x1000  }
0x186: {  	[sflag:s17] =	ssyncset.done $0x0  }
0x187: {  	[sflag:s17] =	ssyncadd.s32 $0xFFFFF000  }
0x188: {  	_ =	swait.ge [sflag:s17], $0x1000  }
0x189: {  	[sflag:s17] =	ssyncset.done $0x0  }
0x18a: {  	[sflag:s17] =	ssyncadd.s32 $0xFFFFF000  }
0x18b: {  	_ =	swait.ge [sflag:s17], $0x1000  }
0x18c: {  	[sflag:s17] =	ssyncset.done $0x0  }
0x18d: {  	[sflag:s17] =	ssyncadd.s32 $0xFFFFF000  }
0x18e: {  	_ =	swait.ge [sflag:s17], $0x1000  }
0x18f: {  	[sflag:s17] =	ssyncset.done $0x0  }
0x190: {  	[sflag:s17] =	ssyncadd.s32 $0xFFFFF000  }
0x191: {  	_ =	swait.ge [sflag:s17], $0x1000  }
0x192: {  	[sflag:s17] =	ssyncset.done $0x0  }
0x193: {  	[sflag:s17] =	ssyncadd.s32 $0xFFFFF000  }
0x194: {  	_ =	swait.ge [sflag:s17], $0x1000  }
0x195: {  	[sflag:s17] =	ssyncset.done $0x0  }
0x196: {  	s19 =	simm.s32 $0x0;
	s20 =	simm.s32 $0x0;
	[sflag:s17] =	ssyncadd.s32 $0xFFFFF000  }
.LBB2_12:
0x197: {  	s21 =	sshll.u32 s20, $0x4;
	v1 =	vmov s19  }
0x198: {  	v2 =	vmov s21;
	v1 =	vand.u32 $0x1F, v1  }
0x199: {  	v2 =	vshll.u32 v2, $0x5;
	v1 =	vbroadcast v1, $0x0  }
0x19a: {  	v13 =	vor.u32 v0, v2  }
0x19b: {  	v6 =	vor.u32 v13, v1;
	_ =	sdelay $0x4  }
0x19c: {  	v14 =	vld.idx.msk [tilespmem:v6+s31+$0x0], $0xffff  }
0x19d: {  	v17 =	vld.idx.msk [tilespmem:v6+s10+$0x0], $0xffff  }
0x19e: {  	v24 =	vld.idx.msk [tilespmem:v6+s0+$0x0], $0xffff  }
0x19f: {  	v7 =	vld.idx.msk [tilespmem:v6+s2+$0x0], $0xffff  }
0x1a0: {  	v8 =	vld.idx.msk [tilespmem:v6+s12+$0x0], $0xffff  }
0x1a1: {  	s22 =	simm.s32 $0x1;
	v10 =	vld.idx.msk [tilespmem:v6+s7+$0x0], $0xffff  }
0x1a2: {  	v1 =	vmov s22;
	v16 =	vld.idx.msk [tilespmem:v6+s13+$0x0], $0xffff  }
0x1a3: {  	v1 =	vand.u32 $0x1F, v1;
	v21 =	vld.idx.msk [tilespmem:v6+s8+$0x0], $0xffff  }
0x1a4: {  	v1 =	vbroadcast v1, $0x0;
	v29 =	vld.idx.msk [tilespmem:v6+s15+$0x0], $0xffff  }
0x1a5: {  	v18 =	vimm.f32 $0.0e+00;
	v2 =	vimm.f32 $0.0e+00;
	v25 =	vld.idx.msk [tilespmem:v6+s14+$0x0], $0xffff  }
0x1a6: {  	v22 =	vor.u32 v13, v1;
	v19 =	vld.idx.msk [tilespmem:v6+s16+$0x0], $0xffff;
	v3 =	vmul.f32 v14, v14;
	v4 =	vmul.f32 v17, v17  }
0x1a7: {  	v23 =	vld.idx.msk [tilespmem:v6+s11+$0x0], $0xffff;
	v6 =	vimm.f32 $0.0e+00;
	v1 =	vmul.f32 v24, v24;
	v5 =	vmul.f32 v7, v7  }
0x1a8: {  	v15 =	vmul.f32 v16, v16;
	v20 =	vmul.f32 v21, v21;
	v30 =	vadd.f32 v8, v7  }
0x1a9: {  	v31 =	vadd.f32 v16, v10;
	v16 =	vmul.f32 v29, v29;
	v7 =	vimm.f32 $0.0e+00  }
0x1aa: {  	v11 =	vadd.f32 v3, v2;
	v3 =	vmul.f32 v8, v8;
	v12 =	vadd.f32 v4, v2  }
0x1ab: {  	v27 =	vmovc v22;
	v9 =	vadd.f32 v1, v2;
	v1 =	vmul.f32 v10, v10;
	v5 =	vadd.f32 v5, v2  }
0x1ac: {  	v26 =	vld.idx.msk [tilespmem:v22+s31+$0x0], $0xffff;
	v10 =	vimm.f32 $0.0e+00;
	v8 =	vimm.f32 $0.0e+00;
	v4 =	vadd.f32 v3, v2  }
0x1ad: {  	s22 =	simm.s32 $0x2;
	v28 =	vld.idx.msk [tilespmem:v22+s10+$0x0], $0xffff;
	v3 =	vadd.f32 v1, v2;
	v1 =	vadd.f32 v15, v2;
	v15 =	vmul.f32 v25, v25  }
.LBB2_13:
0x1ae: {  	p0 =	sne.s32 s22, $0x1F;
	v32 =	vld.idx.msk [tilespmem:v22+s0+$0x0], $0xffff;
	v21 =	vadd.f32 v25, v21;
	v25 =	vadd.f32 v19, v29;
	v33 =	vmul.f32 v19, v19  }
0x1af: {  	v29 =	vadd.f32 v17, v14;
	v17 =	vadd.f32 v23, v24;
	v19 =	vmul.f32 v23, v23;
	v34 =	vld.idx.msk [tilespmem:v22+s2+$0x0], $0xffff  }
0x1b0: {  	v22 =	vadd.f32 v31, v30;
	v35 =	vld.idx.msk [tilespmem:v27+s12+$0x0], $0xffff;
	v21 =	vadd.f32 v25, v21  }
0x1b1: {  	v23 =	vmov s22;
	v10 =	vadd.f32 v20, v10;
	v2 =	vadd.f32 v19, v2;
	v31 =	vld.idx.msk [tilespmem:v27+s7+$0x0], $0xffff  }
0x1b2: {  	v19 =	vand.u32 $0x1F, v23;
	v20 =	vadd.f32 v17, v29;
	v14 =	vmovc v26;
	v36 =	vld.idx.msk [tilespmem:v27+s13+$0x0], $0xffff;
	v22 =	vsub.f32 v22, v21  }
0x1b3: {  	v7 =	vadd.f32 v15, v7;
	v19 =	vbroadcast v19, $0x0;
	v23 =	vmul.f32 v26, v14;
	v17 =	vmovc v28;
	v21 =	vld.idx.msk [tilespmem:v27+s8+$0x0], $0xffff  }
0x1b4: {  	v8 =	vadd.f32 v16, v8;
	v15 =	vmul.f32 v28, v17;
	v25 =	vld.idx.msk [tilespmem:v27+s14+$0x0], $0xffff;
	v20 =	vmul.f32 v22, v20  }
0x1b5: {  	v16 =	vmul.f32 v32, v32;
	v22 =	vor.u32 v13, v19;
	v28 =	vmul.f32 v34, v34;
	v29 =	vld.idx.msk [tilespmem:v27+s15+$0x0], $0xffff  }
0x1b6: {  	v11 =	vadd.f32 v23, v11;
	v26 =	vmul.f32 v35, v35;
	v19 =	vld.idx.msk [tilespmem:v27+s16+$0x0], $0xffff;
	v18 =	vadd.f32 v20, v18  }
.Ltmp5:
0x1b7: {  	v12 =	vadd.f32 v15, v12;
	v9 =	vadd.f32 v16, v9;
	v15 =	vmul.f32 v31, v31;
	v23 =	vld.idx.msk [tilespmem:v27+s11+$0x0], $0xffff;
	(pc) =	sbr.rel @p0 .LBB2_13-.Ltmp5, $4  }
0x1b8: {  	v24 =	vmovc v32;
	v5 =	vadd.f32 v28, v5;
	v4 =	vadd.f32 v26, v4;
	v16 =	vmul.f32 v36, v36  }
0x1b9: {  	v6 =	vadd.f32 v33, v6;
	v27 =	vmovc v22;
	v3 =	vadd.f32 v15, v3;
	v20 =	vmul.f32 v21, v21  }
0x1ba: {  	v1 =	vadd.f32 v16, v1;
	v15 =	vmul.f32 v25, v25;
	v26 =	vld.idx.msk [tilespmem:v22+s31+$0x0], $0xffff  }
0x1bb: {  	s22 =	sadd.s32 $0x1, s22;
	v30 =	vadd.f32 v35, v34;
	v31 =	vadd.f32 v36, v31;
	v16 =	vmul.f32 v29, v29;
	v28 =	vld.idx.msk [tilespmem:v22+s10+$0x0], $0xffff  }
0x1bc: {  	_ =	sdelay $0x3  }
0x1bd: {  	v13 =	vld.idx.msk [tilespmem:v22+s2+$0x0], $0xffff  }
0x1be: {  	v32 =	vld.idx.msk [tilespmem:v27+s12+$0x0], $0xffff  }
0x1bf: {  	v33 =	vld.idx.msk [tilespmem:v27+s7+$0x0], $0xffff  }
0x1c0: {  	v34 =	vld.idx.msk [tilespmem:v27+s13+$0x0], $0xffff  }
0x1c1: {  	v35 =	vld.idx.msk [tilespmem:v27+s8+$0x0], $0xffff  }
0x1c2: {  	v36 =	vld.idx.msk [tilespmem:v27+s14+$0x0], $0xffff  }
0x1c3: {  	v21 =	vadd.f32 v25, v21;
	v62 =	vadd.f32 v19, v29;
	v63 =	vld.idx.msk [tilespmem:v27+s15+$0x0], $0xffff  }
0x1c4: {  	v14 =	vadd.f32 v17, v14;
	v37 =	vadd.f32 v23, v24;
	v38 =	vld.idx.msk [tilespmem:v27+s16+$0x0], $0xffff  }
0x1c5: {  	v39 =	vld.idx.msk [tilespmem:v22+s0+$0x0], $0xffff;
	v50 =	vmul.f32 v23, v23;
	v59 =	vadd.f32 v15, v7;
	v30 =	vadd.f32 v31, v30  }
0x1c6: {  	v40 =	vld.idx.msk [tilespmem:v27+s11+$0x0], $0xffff;
	v61 =	vadd.f32 v16, v8;
	v21 =	vadd.f32 v62, v21  }
0x1c7: {  	v56 =	vmul.f32 v19, v19;
	v14 =	vadd.f32 v37, v14;
	v2 =	vadd.f32 v50, v2  }
0x1c8: {  	v49 =	vmul.f32 v26, v26;
	v41 =	vsub.f32 v30, v21;
	v46 =	vadd.f32 v28, v26  }
0x1c9: {  	v51 =	vmul.f32 v28, v28;
	v42 =	vadd.f32 v32, v13;
	v43 =	vadd.f32 v34, v33  }
0x1ca: {  	v44 =	vadd.f32 v36, v35;
	v52 =	vmul.f32 v39, v39;
	v11 =	vadd.f32 v49, v11  }
0x1cb: {  	v45 =	vadd.f32 v38, v63;
	v53 =	vmul.f32 v40, v40;
	v12 =	vadd.f32 v51, v12  }
0x1cc: {  	v47 =	vadd.f32 v40, v39;
	v13 =	vmul.f32 v13, v13;
	v9 =	vadd.f32 v52, v9;
	[tilespmem:s21+$0xDF00] =	vst v11  }
0x1cd: {  	v54 =	vmul.f32 v32, v32;
	v55 =	vmul.f32 v33, v33;
	v2 =	vadd.f32 v53, v2;
	[tilespmem:s21+$0xE100] =	vst v12  }
0x1ce: {  	v57 =	vmul.f32 v34, v34;
	v21 =	vadd.f32 v43, v42;
	v5 =	vadd.f32 v13, v5;
	[tilespmem:s21+$0xE300] =	vst v9  }
0x1cf: {  	v60 =	vmul.f32 v36, v36;
	v30 =	vadd.f32 v45, v44;
	v4 =	vadd.f32 v54, v4;
	[tilespmem:s21+$0xE500] =	vst v2  }
0x1d0: {  	v62 =	vmul.f32 v63, v63;
	v48 =	vadd.f32 v47, v46;
	v3 =	vadd.f32 v55, v3;
	[tilespmem:s21+$0xE700] =	vst v5  }
0x1d1: {  	v14 =	vmul.f32 v41, v14;
	v1 =	vadd.f32 v57, v1;
	v21 =	vsub.f32 v21, v30;
	[tilespmem:s21+$0xE900] =	vst v4  }
0x1d2: {  	s20 =	sadd.s32 $0x1, s20;
	v58 =	vmul.f32 v35, v35;
	v2 =	vadd.f32 v20, v10;
	[tilespmem:s21+$0xEB00] =	vst v3;
	v5 =	vadd.f32 v60, v59  }
0x1d3: {  	p0 =	sne.s32 s20, $0x8;
	v14 =	vadd.f32 v14, v18;
	[tilespmem:s21+$0xED00] =	vst v1;
	v1 =	vadd.f32 v62, v61;
	v17 =	vmul.f32 v21, v48  }
.Ltmp6:
0x1d4: {  	v63 =	vmul.f32 v38, v38;
	v3 =	vadd.f32 v56, v6;
	v2 =	vadd.f32 v58, v2;
	[tilespmem:s21+$0xF100] =	vst v5;
	(pc) =	sbr.rel @p0 .LBB2_12-.Ltmp6, $4  }
0x1d5: {  	[tilespmem:s21+$0xF300] =	vst v1;
	v14 =	vadd.f32 v17, v14  }
0x1d6: {  	[tilespmem:s21+$0xEF00] =	vst v2;
	v2 =	vadd.f32 v63, v3  }
0x1d7: {  	[tilespmem:s21+$0xDD00] =	vst v14  }
0x1d8: {  	[tilespmem:s21+$0xF500] =	vst v2  }
0x1d9: {  	s19 =	simm.s32 $0x180  }
0x1da: {  	[tilespmem:s31], [sflag:$0x1] =	stream.indirect.gather [hbm4b:s3+s9], $0x20, s19, s9, $0xb8;
	[tilespmem:$0xF600] =	vst v63  }
0x1db: {  	s21 =	simm.s32 $0x1180  }
0x1dc: {  	[tilespmem:s10], [sflag:$0x1] =	stream.indirect.gather [hbm4b:s5+s9], $0x20, s21, s9, $0xb8;
	[tilespmem:$0xF600] =	vst v63  }
0x1dd: {  	s22 =	simm.s32 $0x380  }
0x1de: {  	[tilespmem:s0], [sflag:$0x1] =	stream.indirect.gather [hbm4b:s4+s9], $0x20, s22, s9, $0xb8;
	[tilespmem:$0xF600] =	vst v63  }
0x1df: {  	s20 =	simm.s32 $0x1380  }
0x1e0: {  	[tilespmem:s11], [sflag:$0x1] =	stream.indirect.gather [hbm4b:s6+s9], $0x20, s20, s9, $0xb8;
	[tilespmem:$0xF600] =	vst v63  }
0x1e1: {  	s21 =	simm.s32 $0x580  }
0x1e2: {  	[tilespmem:s2], [sflag:$0x1] =	stream.indirect.gather [hbm4b:s3+s9], $0x20, s21, s9, $0xb8;
	[tilespmem:$0xF600] =	vst v63  }
0x1e3: {  	s22 =	simm.s32 $0x1580  }
0x1e4: {  	[tilespmem:s12], [sflag:$0x1] =	stream.indirect.gather [hbm4b:s5+s9], $0x20, s22, s9, $0xb8;
	[tilespmem:$0xF600] =	vst v63  }
0x1e5: {  	s20 =	simm.s32 $0x780  }
0x1e6: {  	[tilespmem:s7], [sflag:$0x1] =	stream.indirect.gather [hbm4b:s4+s9], $0x20, s20, s9, $0xb8;
	[tilespmem:$0xF600] =	vst v63  }
0x1e7: {  	s21 =	simm.s32 $0x1780  }
0x1e8: {  	[tilespmem:s13], [sflag:$0x1] =	stream.indirect.gather [hbm4b:s6+s9], $0x20, s21, s9, $0xb8;
	[tilespmem:$0xF600] =	vst v63  }
0x1e9: {  	s22 =	simm.s32 $0x980  }
0x1ea: {  	[tilespmem:s8], [sflag:$0x1] =	stream.indirect.gather [hbm4b:s3+s9], $0x20, s22, s9, $0xb8;
	[tilespmem:$0xF600] =	vst v63  }
0x1eb: {  	s20 =	simm.s32 $0x1980  }
0x1ec: {  	[tilespmem:s14], [sflag:$0x1] =	stream.indirect.gather [hbm4b:s5+s9], $0x20, s20, s9, $0xb8;
	[tilespmem:$0xF600] =	vst v63  }
0x1ed: {  	s21 =	simm.s32 $0xB80  }
0x1ee: {  	[tilespmem:s15], [sflag:$0x1] =	stream.indirect.gather [hbm4b:s4+s9], $0x20, s21, s9, $0xb8;
	[tilespmem:$0xF600] =	vst v63  }
0x1ef: {  	s22 =	simm.s32 $0x1B80  }
0x1f0: {  	[tilespmem:s16], [sflag:$0x1] =	stream.indirect.gather [hbm4b:s6+s9], $0x20, s22, s9, $0xb8;
	[tilespmem:$0xF600] =	vst v63  }
0x1f1: {  	_ =	swait.ge [sflag:s17], $0x1000  }
0x1f2: {  	[sflag:s17] =	ssyncset.done $0x0  }
0x1f3: {  	[sflag:s17] =	ssyncadd.s32 $0xFFFFF000  }
0x1f4: {  	_ =	swait.ge [sflag:s17], $0x1000  }
0x1f5: {  	[sflag:s17] =	ssyncset.done $0x0  }
0x1f6: {  	[sflag:s17] =	ssyncadd.s32 $0xFFFFF000  }
0x1f7: {  	_ =	swait.ge [sflag:s17], $0x1000  }
0x1f8: {  	[sflag:s17] =	ssyncset.done $0x0  }
0x1f9: {  	[sflag:s17] =	ssyncadd.s32 $0xFFFFF000  }
0x1fa: {  	_ =	swait.ge [sflag:s17], $0x1000  }
0x1fb: {  	[sflag:s17] =	ssyncset.done $0x0  }
0x1fc: {  	[sflag:s17] =	ssyncadd.s32 $0xFFFFF000  }
0x1fd: {  	_ =	swait.ge [sflag:s17], $0x1000  }
0x1fe: {  	[sflag:s17] =	ssyncset.done $0x0  }
0x1ff: {  	[sflag:s17] =	ssyncadd.s32 $0xFFFFF000  }
0x200: {  	_ =	swait.ge [sflag:s17], $0x1000  }
0x201: {  	[sflag:s17] =	ssyncset.done $0x0  }
0x202: {  	[sflag:s17] =	ssyncadd.s32 $0xFFFFF000  }
0x203: {  	_ =	swait.ge [sflag:s17], $0x1000  }
0x204: {  	[sflag:s17] =	ssyncset.done $0x0  }
0x205: {  	[sflag:s17] =	ssyncadd.s32 $0xFFFFF000  }
0x206: {  	_ =	swait.ge [sflag:s17], $0x1000  }
0x207: {  	[sflag:s17] =	ssyncset.done $0x0  }
0x208: {  	[sflag:s17] =	ssyncadd.s32 $0xFFFFF000  }
0x209: {  	_ =	swait.ge [sflag:s17], $0x1000  }
0x20a: {  	[sflag:s17] =	ssyncset.done $0x0  }
0x20b: {  	[sflag:s17] =	ssyncadd.s32 $0xFFFFF000  }
0x20c: {  	_ =	swait.ge [sflag:s17], $0x1000  }
0x20d: {  	[sflag:s17] =	ssyncset.done $0x0  }
0x20e: {  	[sflag:s17] =	ssyncadd.s32 $0xFFFFF000  }
0x20f: {  	_ =	swait.ge [sflag:s17], $0x1000  }
0x210: {  	[sflag:s17] =	ssyncset.done $0x0  }
0x211: {  	[sflag:s17] =	ssyncadd.s32 $0xFFFFF000  }
0x212: {  	_ =	swait.ge [sflag:s17], $0x1000  }
0x213: {  	[sflag:s17] =	ssyncset.done $0x0  }
0x214: {  	s19 =	simm.s32 $0x0;
	s20 =	simm.s32 $0x0;
	[sflag:s17] =	ssyncadd.s32 $0xFFFFF000  }
.LBB2_16:
0x215: {  	s21 =	sshll.u32 s20, $0x4;
	v1 =	vmov s19  }
0x216: {  	v2 =	vmov s21;
	v1 =	vand.u32 $0x1F, v1  }
0x217: {  	v2 =	vshll.u32 v2, $0x5;
	v1 =	vbroadcast v1, $0x0  }
0x218: {  	v13 =	vor.u32 v0, v2  }
0x219: {  	v6 =	vor.u32 v13, v1;
	_ =	sdelay $0x4  }
0x21a: {  	v14 =	vld.idx.msk [tilespmem:v6+s31+$0x0], $0xffff  }
0x21b: {  	v17 =	vld.idx.msk [tilespmem:v6+s10+$0x0], $0xffff  }
0x21c: {  	v24 =	vld.idx.msk [tilespmem:v6+s0+$0x0], $0xffff  }
0x21d: {  	v7 =	vld.idx.msk [tilespmem:v6+s2+$0x0], $0xffff  }
0x21e: {  	v8 =	vld.idx.msk [tilespmem:v6+s12+$0x0], $0xffff  }
0x21f: {  	s22 =	simm.s32 $0x1;
	v10 =	vld.idx.msk [tilespmem:v6+s7+$0x0], $0xffff  }
0x220: {  	v1 =	vmov s22;
	v16 =	vld.idx.msk [tilespmem:v6+s13+$0x0], $0xffff  }
0x221: {  	v1 =	vand.u32 $0x1F, v1;
	v21 =	vld.idx.msk [tilespmem:v6+s8+$0x0], $0xffff  }
0x222: {  	v1 =	vbroadcast v1, $0x0;
	v29 =	vld.idx.msk [tilespmem:v6+s15+$0x0], $0xffff  }
0x223: {  	v18 =	vimm.f32 $0.0e+00;
	v2 =	vimm.f32 $0.0e+00;
	v25 =	vld.idx.msk [tilespmem:v6+s14+$0x0], $0xffff  }
0x224: {  	v22 =	vor.u32 v13, v1;
	v19 =	vld.idx.msk [tilespmem:v6+s16+$0x0], $0xffff;
	v3 =	vmul.f32 v14, v14;
	v4 =	vmul.f32 v17, v17  }
0x225: {  	v23 =	vld.idx.msk [tilespmem:v6+s11+$0x0], $0xffff;
	v6 =	vimm.f32 $0.0e+00;
	v1 =	vmul.f32 v24, v24;
	v5 =	vmul.f32 v7, v7  }
0x226: {  	v15 =	vmul.f32 v16, v16;
	v20 =	vmul.f32 v21, v21;
	v30 =	vadd.f32 v8, v7  }
0x227: {  	v31 =	vadd.f32 v16, v10;
	v16 =	vmul.f32 v29, v29;
	v7 =	vimm.f32 $0.0e+00  }
0x228: {  	v11 =	vadd.f32 v3, v2;
	v3 =	vmul.f32 v8, v8;
	v12 =	vadd.f32 v4, v2  }
0x229: {  	v27 =	vmovc v22;
	v9 =	vadd.f32 v1, v2;
	v1 =	vmul.f32 v10, v10;
	v5 =	vadd.f32 v5, v2  }
0x22a: {  	v26 =	vld.idx.msk [tilespmem:v22+s31+$0x0], $0xffff;
	v10 =	vimm.f32 $0.0e+00;
	v8 =	vimm.f32 $0.0e+00;
	v4 =	vadd.f32 v3, v2  }
0x22b: {  	s22 =	simm.s32 $0x2;
	v28 =	vld.idx.msk [tilespmem:v22+s10+$0x0], $0xffff;
	v3 =	vadd.f32 v1, v2;
	v1 =	vadd.f32 v15, v2;
	v15 =	vmul.f32 v25, v25  }
.LBB2_17:
0x22c: {  	p0 =	sne.s32 s22, $0x1F;
	v32 =	vld.idx.msk [tilespmem:v22+s0+$0x0], $0xffff;
	v21 =	vadd.f32 v25, v21;
	v25 =	vadd.f32 v19, v29;
	v33 =	vmul.f32 v19, v19  }
0x22d: {  	v29 =	vadd.f32 v17, v14;
	v17 =	vadd.f32 v23, v24;
	v19 =	vmul.f32 v23, v23;
	v34 =	vld.idx.msk [tilespmem:v22+s2+$0x0], $0xffff  }
0x22e: {  	v22 =	vadd.f32 v31, v30;
	v35 =	vld.idx.msk [tilespmem:v27+s12+$0x0], $0xffff;
	v21 =	vadd.f32 v25, v21  }
0x22f: {  	v23 =	vmov s22;
	v10 =	vadd.f32 v20, v10;
	v2 =	vadd.f32 v19, v2;
	v31 =	vld.idx.msk [tilespmem:v27+s7+$0x0], $0xffff  }
0x230: {  	v19 =	vand.u32 $0x1F, v23;
	v20 =	vadd.f32 v17, v29;
	v14 =	vmovc v26;
	v36 =	vld.idx.msk [tilespmem:v27+s13+$0x0], $0xffff;
	v22 =	vsub.f32 v22, v21  }
0x231: {  	v7 =	vadd.f32 v15, v7;
	v19 =	vbroadcast v19, $0x0;
	v23 =	vmul.f32 v26, v14;
	v17 =	vmovc v28;
	v21 =	vld.idx.msk [tilespmem:v27+s8+$0x0], $0xffff  }
0x232: {  	v8 =	vadd.f32 v16, v8;
	v15 =	vmul.f32 v28, v17;
	v25 =	vld.idx.msk [tilespmem:v27+s14+$0x0], $0xffff;
	v20 =	vmul.f32 v22, v20  }
0x233: {  	v16 =	vmul.f32 v32, v32;
	v22 =	vor.u32 v13, v19;
	v28 =	vmul.f32 v34, v34;
	v29 =	vld.idx.msk [tilespmem:v27+s15+$0x0], $0xffff  }
0x234: {  	v11 =	vadd.f32 v23, v11;
	v26 =	vmul.f32 v35, v35;
	v19 =	vld.idx.msk [tilespmem:v27+s16+$0x0], $0xffff;
	v18 =	vadd.f32 v20, v18  }
.Ltmp7:
0x235: {  	v12 =	vadd.f32 v15, v12;
	v9 =	vadd.f32 v16, v9;
	v15 =	vmul.f32 v31, v31;
	v23 =	vld.idx.msk [tilespmem:v27+s11+$0x0], $0xffff;
	(pc) =	sbr.rel @p0 .LBB2_17-.Ltmp7, $4  }
0x236: {  	v24 =	vmovc v32;
	v5 =	vadd.f32 v28, v5;
	v4 =	vadd.f32 v26, v4;
	v16 =	vmul.f32 v36, v36  }
0x237: {  	v6 =	vadd.f32 v33, v6;
	v27 =	vmovc v22;
	v3 =	vadd.f32 v15, v3;
	v20 =	vmul.f32 v21, v21  }
0x238: {  	v1 =	vadd.f32 v16, v1;
	v15 =	vmul.f32 v25, v25;
	v26 =	vld.idx.msk [tilespmem:v22+s31+$0x0], $0xffff  }
0x239: {  	s22 =	sadd.s32 $0x1, s22;
	v30 =	vadd.f32 v35, v34;
	v31 =	vadd.f32 v36, v31;
	v16 =	vmul.f32 v29, v29;
	v28 =	vld.idx.msk [tilespmem:v22+s10+$0x0], $0xffff  }
0x23a: {  	_ =	sdelay $0x3  }
0x23b: {  	v13 =	vld.idx.msk [tilespmem:v22+s2+$0x0], $0xffff  }
0x23c: {  	v32 =	vld.idx.msk [tilespmem:v27+s12+$0x0], $0xffff  }
0x23d: {  	v33 =	vld.idx.msk [tilespmem:v27+s7+$0x0], $0xffff  }
0x23e: {  	v34 =	vld.idx.msk [tilespmem:v27+s13+$0x0], $0xffff  }
0x23f: {  	v35 =	vld.idx.msk [tilespmem:v27+s8+$0x0], $0xffff  }
0x240: {  	v36 =	vld.idx.msk [tilespmem:v27+s14+$0x0], $0xffff  }
0x241: {  	v21 =	vadd.f32 v25, v21;
	v62 =	vadd.f32 v19, v29;
	v63 =	vld.idx.msk [tilespmem:v27+s15+$0x0], $0xffff  }
0x242: {  	v14 =	vadd.f32 v17, v14;
	v37 =	vadd.f32 v23, v24;
	v38 =	vld.idx.msk [tilespmem:v27+s16+$0x0], $0xffff  }
0x243: {  	v39 =	vld.idx.msk [tilespmem:v22+s0+$0x0], $0xffff;
	v50 =	vmul.f32 v23, v23;
	v59 =	vadd.f32 v15, v7;
	v30 =	vadd.f32 v31, v30  }
0x244: {  	v40 =	vld.idx.msk [tilespmem:v27+s11+$0x0], $0xffff;
	v61 =	vadd.f32 v16, v8;
	v21 =	vadd.f32 v62, v21  }
0x245: {  	v56 =	vmul.f32 v19, v19;
	v14 =	vadd.f32 v37, v14;
	v2 =	vadd.f32 v50, v2  }
0x246: {  	v49 =	vmul.f32 v26, v26;
	v41 =	vsub.f32 v30, v21;
	v46 =	vadd.f32 v28, v26  }
0x247: {  	v51 =	vmul.f32 v28, v28;
	v42 =	vadd.f32 v32, v13;
	v43 =	vadd.f32 v34, v33  }
0x248: {  	v44 =	vadd.f32 v36, v35;
	v52 =	vmul.f32 v39, v39;
	v11 =	vadd.f32 v49, v11  }
0x249: {  	v45 =	vadd.f32 v38, v63;
	v53 =	vmul.f32 v40, v40;
	v12 =	vadd.f32 v51, v12  }
0x24a: {  	v47 =	vadd.f32 v40, v39;
	v13 =	vmul.f32 v13, v13;
	v9 =	vadd.f32 v52, v9;
	[tilespmem:s21+$0xDF80] =	vst v11  }
0x24b: {  	v54 =	vmul.f32 v32, v32;
	v55 =	vmul.f32 v33, v33;
	v2 =	vadd.f32 v53, v2;
	[tilespmem:s21+$0xE180] =	vst v12  }
0x24c: {  	v57 =	vmul.f32 v34, v34;
	v21 =	vadd.f32 v43, v42;
	v5 =	vadd.f32 v13, v5;
	[tilespmem:s21+$0xE380] =	vst v9  }
0x24d: {  	v60 =	vmul.f32 v36, v36;
	v30 =	vadd.f32 v45, v44;
	v4 =	vadd.f32 v54, v4;
	[tilespmem:s21+$0xE580] =	vst v2  }
0x24e: {  	v62 =	vmul.f32 v63, v63;
	v48 =	vadd.f32 v47, v46;
	v3 =	vadd.f32 v55, v3;
	[tilespmem:s21+$0xE780] =	vst v5  }
0x24f: {  	v14 =	vmul.f32 v41, v14;
	v1 =	vadd.f32 v57, v1;
	v21 =	vsub.f32 v21, v30;
	[tilespmem:s21+$0xE980] =	vst v4  }
0x250: {  	s20 =	sadd.s32 $0x1, s20;
	v58 =	vmul.f32 v35, v35;
	v2 =	vadd.f32 v20, v10;
	[tilespmem:s21+$0xEB80] =	vst v3;
	v5 =	vadd.f32 v60, v59  }
0x251: {  	p0 =	sne.s32 s20, $0x8;
	v14 =	vadd.f32 v14, v18;
	[tilespmem:s21+$0xED80] =	vst v1;
	v1 =	vadd.f32 v62, v61;
	v17 =	vmul.f32 v21, v48  }
.Ltmp8:
0x252: {  	v63 =	vmul.f32 v38, v38;
	v3 =	vadd.f32 v56, v6;
	v2 =	vadd.f32 v58, v2;
	[tilespmem:s21+$0xF180] =	vst v5;
	(pc) =	sbr.rel @p0 .LBB2_16-.Ltmp8, $4  }
0x253: {  	[tilespmem:s21+$0xF380] =	vst v1;
	v14 =	vadd.f32 v17, v14  }
0x254: {  	[tilespmem:s21+$0xEF80] =	vst v2;
	v2 =	vadd.f32 v63, v3  }
0x255: {  	[tilespmem:s21+$0xDD80] =	vst v14  }
0x256: {  	[tilespmem:s21+$0xF580] =	vst v2  }
0x257: {  	s19 =	rddreg [dreg:$0x12];
	s20 =	simm.s32 $0xDC00  }
0x258: {  	[hbm4b:s19+s1] =	stream.linear.scatter [tilespmem:s20], [sflag:$0x2], $0x200, $0x38;
	[tilespmem:$0xF600] =	vst v63  }
0x259: {  	_ =	swait.ge [sflag:s30], $0x200  }
0x25a: {  	[sflag:s30] =	ssyncset.done $0x0  }
0x25b: {  	s22 =	simm.s32 $0xDE00;
	s21 =	rddreg [dreg:$0x13];
	[sflag:s30] =	ssyncadd.s32 $0xFFFFFE00  }
0x25c: {  	[hbm4b:s21+s1] =	stream.linear.scatter [tilespmem:s22], [sflag:$0x2], $0x200, $0x38;
	[tilespmem:$0xF600] =	vst v63  }
0x25d: {  	_ =	swait.ge [sflag:s30], $0x200  }
0x25e: {  	[sflag:s30] =	ssyncset.done $0x0  }
0x25f: {  	s22 =	simm.s32 $0xE000;
	s21 =	rddreg [dreg:$0x14];
	[sflag:s30] =	ssyncadd.s32 $0xFFFFFE00  }
0x260: {  	[hbm4b:s21+s1] =	stream.linear.scatter [tilespmem:s22], [sflag:$0x2], $0x200, $0x38;
	[tilespmem:$0xF600] =	vst v63  }
0x261: {  	_ =	swait.ge [sflag:s30], $0x200  }
0x262: {  	[sflag:s30] =	ssyncset.done $0x0  }
0x263: {  	s22 =	simm.s32 $0xE200;
	s21 =	rddreg [dreg:$0x15];
	[sflag:s30] =	ssyncadd.s32 $0xFFFFFE00  }
0x264: {  	[hbm4b:s21+s1] =	stream.linear.scatter [tilespmem:s22], [sflag:$0x2], $0x200, $0x38;
	[tilespmem:$0xF600] =	vst v63  }
0x265: {  	_ =	swait.ge [sflag:s30], $0x200  }
0x266: {  	[sflag:s30] =	ssyncset.done $0x0  }
0x267: {  	s22 =	simm.s32 $0xE400;
	s21 =	rddreg [dreg:$0x16];
	[sflag:s30] =	ssyncadd.s32 $0xFFFFFE00  }
0x268: {  	[hbm4b:s21+s1] =	stream.linear.scatter [tilespmem:s22], [sflag:$0x2], $0x200, $0x38;
	[tilespmem:$0xF600] =	vst v63  }
0x269: {  	_ =	swait.ge [sflag:s30], $0x200  }
0x26a: {  	[sflag:s30] =	ssyncset.done $0x0  }
0x26b: {  	s22 =	simm.s32 $0xE600;
	s21 =	rddreg [dreg:$0x17];
	[sflag:s30] =	ssyncadd.s32 $0xFFFFFE00  }
0x26c: {  	[hbm4b:s21+s1] =	stream.linear.scatter [tilespmem:s22], [sflag:$0x2], $0x200, $0x38;
	[tilespmem:$0xF600] =	vst v63  }
0x26d: {  	_ =	swait.ge [sflag:s30], $0x200  }
0x26e: {  	[sflag:s30] =	ssyncset.done $0x0  }
0x26f: {  	s22 =	simm.s32 $0xE800;
	s21 =	rddreg [dreg:$0x18];
	[sflag:s30] =	ssyncadd.s32 $0xFFFFFE00  }
0x270: {  	[hbm4b:s21+s1] =	stream.linear.scatter [tilespmem:s22], [sflag:$0x2], $0x200, $0x38;
	[tilespmem:$0xF600] =	vst v63  }
0x271: {  	_ =	swait.ge [sflag:s30], $0x200  }
0x272: {  	[sflag:s30] =	ssyncset.done $0x0  }
0x273: {  	s22 =	simm.s32 $0xEA00;
	s21 =	rddreg [dreg:$0x19];
	[sflag:s30] =	ssyncadd.s32 $0xFFFFFE00  }
0x274: {  	[hbm4b:s21+s1] =	stream.linear.scatter [tilespmem:s22], [sflag:$0x2], $0x200, $0x38;
	[tilespmem:$0xF600] =	vst v63  }
0x275: {  	_ =	swait.ge [sflag:s30], $0x200  }
0x276: {  	[sflag:s30] =	ssyncset.done $0x0  }
0x277: {  	s21 =	simm.s32 $0xEC00;
	[sflag:s30] =	ssyncadd.s32 $0xFFFFFE00  }
0x278: {  	[hbm4b:s23+s1] =	stream.linear.scatter [tilespmem:s21], [sflag:$0x2], $0x200, $0x38;
	[tilespmem:$0xF600] =	vst v63  }
0x279: {  	_ =	swait.ge [sflag:s30], $0x200  }
0x27a: {  	[sflag:s30] =	ssyncset.done $0x0  }
0x27b: {  	s22 =	simm.s32 $0xEE00;
	[sflag:s30] =	ssyncadd.s32 $0xFFFFFE00  }
0x27c: {  	[hbm4b:s24+s1] =	stream.linear.scatter [tilespmem:s22], [sflag:$0x2], $0x200, $0x38;
	[tilespmem:$0xF600] =	vst v63  }
0x27d: {  	_ =	swait.ge [sflag:s30], $0x200  }
0x27e: {  	[sflag:s30] =	ssyncset.done $0x0  }
0x27f: {  	s20 =	simm.s32 $0xF000;
	[sflag:s30] =	ssyncadd.s32 $0xFFFFFE00  }
0x280: {  	[hbm4b:s25+s1] =	stream.linear.scatter [tilespmem:s20], [sflag:$0x2], $0x200, $0x38;
	[tilespmem:$0xF600] =	vst v63  }
0x281: {  	_ =	swait.ge [sflag:s30], $0x200  }
0x282: {  	[sflag:s30] =	ssyncset.done $0x0  }
0x283: {  	s21 =	simm.s32 $0xF200;
	[sflag:s30] =	ssyncadd.s32 $0xFFFFFE00  }
0x284: {  	[hbm4b:s26+s1] =	stream.linear.scatter [tilespmem:s21], [sflag:$0x2], $0x200, $0x38;
	[tilespmem:$0xF600] =	vst v63  }
0x285: {  	s18 =	sadd.s32 $0x1, s18;
	_ =	swait.ge [sflag:s30], $0x200  }
0x286: {  	p0 =	sne.s32 s18, s29;
	[sflag:s30] =	ssyncset.done $0x0  }
.Ltmp9:
0x287: {  	s22 =	simm.s32 $0xF400;
	[sflag:s30] =	ssyncadd.s32 $0xFFFFFE00;
	(pc) =	sbr.rel @p0 .LBB2_1-.Ltmp9, $4  }
0x288: {  	[hbm4b:s28+s1] =	stream.linear.scatter [tilespmem:s22], [sflag:$0x2], $0x200, $0x38;
	[tilespmem:$0xF600] =	vst v63  }
0x289: {  	_ =	swait.ge [sflag:s30], $0x200  }
0x28a: {  	[sflag:s30] =	ssyncset.done $0x0  }
0x28b: {  	s22 =	simm.s32 $0x200;
	[sflag:s30] =	ssyncadd.s32 $0xFFFFFE00  }
0x28c: {  	_ =	sfence.sel $0x180000  }
0x28d: {  	[bflag:$0x0] =	sbarrier.arrive $0xFFFF  }
0x28e: {  	_ =	strace $0x90000047  }
0x28f: {  	s0 =	stileid.u32;
	[bflag:$0x2] =	sbarrier.arrive $0xFFFF  }
0x290: {  	p0 =	sne.s32 s0, $0x0;
	s0 =	rddreg [dreg:$0x9]  }
0x291: {  	s0 =	sadd.s32 @!p0 $0x100000, s0  }
0x292: {  	[sflag:s0] =	ssyncadd.tile.s32 @!p0 $0x1;
	_ =	shalt  }
.Lfunc_end2:
_tile_overlayer_lowered:
.L_overlay_start_2:
0x293: {  	(tag) =	ssettag $0x2  }
0x294: {  	s0 =	rddreg [dreg:$0x0];
	s2 =	stileid.u32  }
0x295: {  	s1 =	rddreg [dreg:$0x1];
	p0 =	sne.s32 s2, $0x0  }
0x296: {  	s3 =	rddreg [dreg:$0x2];
	[bflag:$0x3] =	sbarrier.arrive $0xFFFF;
	s2 =	simm.s32 @!p0 $0x1C02  }
0x297: {  	[timem:s3], [sflag:s2] =	dma.local @!p0 [hbm:s0], s1  }
0x298: {  	s0 =	simm.s32 @!p0 $0x2  }
0x299: {  	_ =	swait.ge @!p0 [sflag:s0], s1  }
0x29a: {  	s1 =	ssub.s32 @!p0 $0x0, s1;
	[sflag:s0] =	ssyncset.done @!p0 $0x0  }
0x29b: {  	[sflag:s0] =	ssyncadd.s32 @!p0 s1  }
0x29c: {  	[bflag:$0x3] =	sbarrier.arrive $0xFFFF  }
0x29d: {  	_ =	shalt  }

</sc_bundles>
